<compile_context>
chip_gen: v7x
topology: tpu7x:2x2x1
jax: 0.10.2.dev20260603
libtpu: 0.0.44.dev20260713+nightly
codegen_flags: <defaults>
</compile_context>

<pallas_src>
import functools

import jax
import jax.numpy as jnp
from jax import lax
from jax.experimental import pallas as pl
from jax.experimental.pallas import tpu as pltpu
from jax.experimental.pallas import tpu_sc as plsc

N = 100000
D = 128
H = 64
S = 1024

NC = 2
NS = 16
NW = NC * NS

CHUNK = 128
NCHUNKS = (N + CHUNK - 1) // CHUNK
CHUNKS_PER_W = (NCHUNKS + NW - 1) // NW
LAST_START = N - CHUNK
OVERLAP = NCHUNKS * CHUNK - N


BLK = 10000
W = 64


def _node_mlp_body(x_ref, bir_ref, w1_ref, b1_ref, w2_ref, b2_ref,
                   o_ref, ocnt_ref, acc, acc_cnt):
    pid = pl.program_id(0)

    @pl.when(pid == 0)
    def _():
        acc[...] = jnp.zeros_like(acc)
        acc_cnt[...] = jnp.zeros_like(acc_cnt)

    def _silu(v):
        return v * (0.5 * jnp.tanh(0.5 * v) + 0.5)

    x = x_ref[...]
    h = _silu(jnp.dot(x, w1_ref[...], preferred_element_type=jnp.float32)
              + b1_ref[...])
    h = jnp.dot(h, w2_ref[...], preferred_element_type=jnp.float32) + b2_ref[...]
    h = _silu(h)

    bir = bir_ref[0]
    mlo = bir_ref[0, 0, 0] // W
    mhi = bir_ref[0, 0, BLK - 1] // W
    wcol = lax.broadcasted_iota(jnp.int32, (W, 1), 0)

    def win(m, _):
        oh = (wcol + m * W == bir).astype(jnp.float32)
        part = jnp.dot(oh, h, preferred_element_type=jnp.float32)
        acc[pl.ds(m * W, W), :] += part
        acc_cnt[pl.ds(m * W, W), :] += jnp.sum(oh, axis=1, keepdims=True)
        return None

    lax.fori_loop(mlo, mhi + 1, win, None)

    @pl.when(pid == pl.num_programs(0) - 1)
    def _():
        o_ref[...] = acc[...]
        ocnt_ref[...] = acc_cnt[...]


def _node_mlp_segsum(scaler, bi2d, W1n, b1n, W2n, b2n):
    grid = N // BLK
    return pl.pallas_call(
        _node_mlp_body,
        grid=(grid,),
        in_specs=[
            pl.BlockSpec((BLK, D), lambda i: (i, 0)),
            pl.BlockSpec((1, 1, BLK), lambda i: (i, 0, 0)),
            pl.BlockSpec((D, H), lambda i: (0, 0)),
            pl.BlockSpec((1, H), lambda i: (0, 0)),
            pl.BlockSpec((H, H), lambda i: (0, 0)),
            pl.BlockSpec((1, H), lambda i: (0, 0)),
        ],
        out_specs=[pl.BlockSpec((S, H), lambda i: (0, 0)),
                   pl.BlockSpec((S, 1), lambda i: (0, 0))],
        out_shape=[jax.ShapeDtypeStruct((S, H), jnp.float32),
                   jax.ShapeDtypeStruct((S, 1), jnp.float32)],
        scratch_shapes=[pltpu.VMEM((S, H), jnp.float32),
                        pltpu.VMEM((S, 1), jnp.float32)],
    )(scaler, bi2d.reshape(N // BLK, 1, BLK), W1n, b1n.reshape(1, H),
      W2n, b2n.reshape(1, H))


CW = 16


def _seg_reduce_body(scaler_hbm, bi_hbm, za_hbm,
                     os_hbm,
                     idx_v0, idx_v1, sc_v0, sc_v1,
                     acc_a,
                     sem_g0, sem_g1, sem_s0, sem_s1):
    c = lax.axis_index("c")
    s = lax.axis_index("s")
    wid = s * NC + c

    idx_v = [idx_v0, idx_v1]
    sc_v = [sc_v0, sc_v1]
    sem_g = [sem_g0, sem_g1]
    sem_s = [sem_s0, sem_s1]

    pltpu.sync_copy(za_hbm, acc_a.at[pl.ds(s * 64, 64)])

    plsc.subcore_barrier()

    NFULL = NCHUNKS // NW

    def issue_gathers(j, p):
        start = (wid + j * NW) * CHUNK
        pltpu.async_copy(bi_hbm.at[pl.ds(start, CHUNK)], idx_v[p], sem_g[p])
        pltpu.async_copy(scaler_hbm.at[pl.ds(start, CHUNK)], sc_v[p], sem_g[p])

    def wait_gathers(p):
        pltpu.make_async_copy(bi_hbm.at[pl.ds(0, CHUNK)], idx_v[p], sem_g[p]).wait()
        pltpu.make_async_copy(scaler_hbm.at[pl.ds(0, CHUNK)], sc_v[p], sem_g[p]).wait()

    descs_s = {0: [], 1: []}

    def issue_scatters(p):
        descs_s[p] = [
            pltpu.async_copy(sc_v[p], acc_a.at[idx_v[p]], sem_s[p], add=True),
        ]

    def wait_scatters(p):
        for d in descs_s[p]:
            d.wait()

    issue_gathers(0, 0)
    for j in range(NFULL):
        p = j % 2
        wait_gathers(p)
        issue_scatters(p)
        if j >= 1:
            wait_scatters(1 - p)
        if j + 1 < NFULL:
            issue_gathers(j + 1, 1 - p)
    wait_scatters((NFULL - 1) % 2)

    NTAIL = NCHUNKS - NFULL * NW

    @pl.when(wid < NTAIL)
    def _():
        is_last = wid == NTAIL - 1
        start = jnp.where(is_last, LAST_START, (wid + NFULL * NW) * CHUNK)
        overlap = jnp.where(is_last, OVERLAP, 0)

        pltpu.sync_copy(bi_hbm.at[pl.ds(start, CHUNK)], idx_v0)
        pltpu.sync_copy(scaler_hbm.at[pl.ds(start, CHUNK)], sc_v0)

        for i in range(CHUNK // 16):
            v = idx_v0[pl.ds(i * 16, 16)]
            gpos = lax.iota(jnp.int32, 16) + i * 16
            idx_v0[pl.ds(i * 16, 16)] = jnp.where(gpos < overlap, S, v)

        pltpu.sync_copy(sc_v0, acc_a.at[idx_v0], add=True)

    plsc.subcore_barrier()

    pltpu.sync_copy(acc_a.at[pl.ds(s * 64, 64)], os_hbm.at[c].at[pl.ds(s * 64, 64)])


def _seg_reduce(scaler, bi):
    mesh = plsc.VectorSubcoreMesh(core_axis_name="c", subcore_axis_name="s",
                                  num_cores=NC, num_subcores=NS)
    za = jnp.zeros((64, D), jnp.float32)
    f = pl.kernel(
        _seg_reduce_body,
        out_type=jax.ShapeDtypeStruct((NC, S, D), jnp.float32),
        mesh=mesh,
        scratch_types=[
            pltpu.VMEM((CHUNK,), jnp.int32),
            pltpu.VMEM((CHUNK,), jnp.int32),
            pltpu.VMEM((CHUNK, D), jnp.float32),
            pltpu.VMEM((CHUNK, D), jnp.float32),
            pltpu.MemorySpace.VMEM_SHARED((S + 1, D), jnp.float32),
            pltpu.SemaphoreType.DMA,
            pltpu.SemaphoreType.DMA,
            pltpu.SemaphoreType.DMA,
            pltpu.SemaphoreType.DMA,
        ],
    )
    return f(scaler, bi, za)


def _final_body(ps_ref, ph_ref, pc_ref, w1_ref, b1_ref, w2_ref, b2_ref,
                wf_g_ref, wf_n_ref, bf_ref, o_ref):
    seg = ps_ref[0] + ps_ref[1]
    node = ph_ref[...]
    cnt = pc_ref[...]
    mean = seg / jnp.maximum(cnt, 1.0)
    g = jax.nn.silu(jnp.dot(mean, w1_ref[...], preferred_element_type=jnp.float32)
                    + b1_ref[...])
    g = jnp.dot(g, w2_ref[...], preferred_element_type=jnp.float32) + b2_ref[...]
    g = jax.nn.silu(g)
    out = (jnp.dot(g, wf_g_ref[...], preferred_element_type=jnp.float32)
           + jnp.dot(node, wf_n_ref[...], preferred_element_type=jnp.float32)
           + bf_ref[...])
    o_ref[...] = out


def _final(ps, ph, pc, W1g, b1g, W2g, b2g, Wf, bf):
    return pl.pallas_call(
        _final_body,
        out_shape=jax.ShapeDtypeStruct((S, 1), jnp.float32),
    )(ps, ph, pc, W1g, b1g.reshape(1, H), W2g, b2g.reshape(1, H),
      Wf[:H], Wf[H:], bf.reshape(1, 1))


def kernel(pos, scaler, vector, batch_index,
           W1n, b1n, W2n, b2n, W1g, b1g, W2g, b2g, Wf, bf):
    del pos, vector
    bi = batch_index.astype(jnp.int32)
    ps = _seg_reduce(scaler, bi)
    node, cnt = _node_mlp_segsum(scaler, bi.reshape(N, 1), W1n, b1n, W2n, b2n)
    return _final(ps, node, cnt, W1g, b1g, W2g, b2g, Wf, bf)

# --- scband reference (transcript-rebuilt; emitter-appended) ---
"""Pipeline reference for scband-scaler-decoder-86973087744434 (READ-ONLY COPY).

The authoritative reference and input builder live on the scoring server;
editing this copy changes nothing except your own understanding.
"""

import jax, jax.numpy as jnp
import numpy as np

NUM_SEGMENTS = 1024
N = 100000
D = 128
H = 64  # in_features // 2


def _mlp(x, W1, b1, W2, b2):
    # MLP: Identity -> Linear -> Identity -> act -> Linear
    h = jax.nn.silu(x @ W1 + b1)
    return h @ W2 + b2


def setup_inputs(seed: int = 0) -> dict:
    key = jax.random.key(seed)
    ks = jax.random.split(key, 16)
    pos = jax.random.normal(ks[0], (N, 3), dtype=jnp.float32)
    scaler = jax.random.normal(ks[1], (N, D), dtype=jnp.float32)
    vector = jax.random.normal(ks[2], (N, 3), dtype=jnp.float32)
    batch_index = jnp.sort(jax.random.randint(ks[3], (N,), 0, NUM_SEGMENTS, dtype=jnp.int64))
    # node_decoder MLP params: Linear(D->H), Linear(H->H)
    W1n = jax.random.normal(ks[4], (D, H), dtype=jnp.float32) / np.sqrt(D)
    b1n = jnp.zeros((H,), dtype=jnp.float32)
    W2n = jax.random.normal(ks[5], (H, H), dtype=jnp.float32) / np.sqrt(H)
    b2n = jnp.zeros((H,), dtype=jnp.float32)
    # graph_decoder MLP params
    W1g = jax.random.normal(ks[6], (D, H), dtype=jnp.float32) / np.sqrt(D)
    b1g = jnp.zeros((H,), dtype=jnp.float32)
    W2g = jax.random.normal(ks[7], (H, H), dtype=jnp.float32) / np.sqrt(H)
    b2g = jnp.zeros((H,), dtype=jnp.float32)
    # finial_decoder: Linear(2H -> 1)
    Wf = jax.random.normal(ks[8], (2 * H, 1), dtype=jnp.float32) / np.sqrt(2 * H)
    bf = jnp.zeros((1,), dtype=jnp.float32)
    return {
        'pos': pos, 'scaler': scaler, 'vector': vector, 'batch_index': batch_index,
        'W1n': W1n, 'b1n': b1n, 'W2n': W2n, 'b2n': b2n,
        'W1g': W1g, 'b1g': b1g, 'W2g': W2g, 'b2g': b2g,
        'Wf': Wf, 'bf': bf,
    }


def reference(pos, scaler, vector, batch_index,
              W1n, b1n, W2n, b2n, W1g, b1g, W2g, b2g, Wf, bf):
    # node branch: MLP then activation, then scatter-sum over graphs
    node_scaler = jax.nn.silu(_mlp(scaler, W1n, b1n, W2n, b2n))
    node_scaler = jax.ops.segment_sum(node_scaler, batch_index, num_segments=NUM_SEGMENTS)
    # graph branch: scatter-mean of raw scaler, then MLP + activation
    seg_sum = jax.ops.segment_sum(scaler, batch_index, num_segments=NUM_SEGMENTS)
    counts = jax.ops.segment_sum(jnp.ones((scaler.shape[0], 1), dtype=scaler.dtype), batch_index, num_segments=NUM_SEGMENTS)
    graph_scaler = seg_sum / jnp.maximum(counts, 1.0)
    graph_scaler = jax.nn.silu(_mlp(graph_scaler, W1g, b1g, W2g, b2g))
    mix_scaler = jnp.concatenate([graph_scaler, node_scaler], axis=-1)
    out = mix_scaler @ Wf + bf
    return out

if __name__ == "__main__":
    import jax
    _d = setup_inputs()
    print(jax.jit(kernel)(*tuple(_d.values())))

</pallas_src>

<mosaic_0001>
#map = affine_map<(d0, d1) -> (0, 0)>
#map1 = affine_map<(d0, d1) -> (0)>
#map2 = affine_map<(d0, d1) -> (0, 0, 0)>
module attributes {stable_mosaic.version = 14 : i64} {
  func.func @_seg_reduce_body(%arg0: i32, %arg1: i32, %arg2: memref<100000x128xf32, #tpu.memory_space<hbm>>, %arg3: memref<100000xi32, #tpu.memory_space<hbm>>, %arg4: memref<64x128xf32, #tpu.memory_space<hbm>>, %arg5: memref<2x1024x128xf32, #tpu.memory_space<hbm>>, %arg6: memref<128xi32, #tpu.memory_space<vmem>>, %arg7: memref<128xi32, #tpu.memory_space<vmem>>, %arg8: memref<128x128xf32, #tpu.memory_space<vmem>>, %arg9: memref<128x128xf32, #tpu.memory_space<vmem>>, %arg10: memref<1025x128xf32, #tpu.memory_space<vmem_shared>>, %arg11: memref<!tpu.dma_semaphore, #tpu.memory_space<semaphore_mem>>, %arg12: memref<!tpu.dma_semaphore, #tpu.memory_space<semaphore_mem>>, %arg13: memref<!tpu.dma_semaphore, #tpu.memory_space<semaphore_mem>>, %arg14: memref<!tpu.dma_semaphore, #tpu.memory_space<semaphore_mem>>) attributes {dimension_semantics = [#tpu.dimension_semantics<core_parallel>, #tpu.dimension_semantics<subcore_parallel>], iteration_bounds = array<i64: 2, 16>, scalar_prefetch = 0 : i64, scratch_operands = 9 : i64, tpu.core_type = #tpu.core_type<sc_vector_subcore>, window_params = [{transform_indices = #map}, {transform_indices = #map1}, {transform_indices = #map}, {transform_indices = #map2}]} {
    %mul3A = arith.constant 2 : i32
    %mul3A_0 = arith.muli %arg1, %mul3A : i32
    %add3A = arith.addi %mul3A_0, %arg0 : i32
    %mul3A_1 = arith.constant 64 : i32
    %mul3A_2 = arith.muli %arg1, %mul3A_1 : i32
    "tpu.region"() ({
      %run_scoped3A = tpu.sem_alloc : memref<!tpu.dma_semaphore, #tpu.memory_space<semaphore_mem>>
      %dma_start3A_632 = arith.constant 0 : i32
      %dma_start3A_633 = tpu.memref_slice %arg10[%mul3A_2, %dma_start3A_632] : memref<1025x128xf32, #tpu.memory_space<vmem_shared>> -> memref<64x128xf32, #tpu.memory_space<vmem_shared>>
      tpu.enqueue_dma source(%arg4 : memref<64x128xf32, #tpu.memory_space<hbm>>) target(%dma_start3A_633 : memref<64x128xf32, #tpu.memory_space<vmem_shared>>) target_semaphore(%run_scoped3A : memref<!tpu.dma_semaphore, #tpu.memory_space<semaphore_mem>>)
      %dma_wait3A_634 = arith.constant 0 : i32
      %dma_wait3A_635 = tpu.memref_slice %arg10[%mul3A_2, %dma_wait3A_634] : memref<1025x128xf32, #tpu.memory_space<vmem_shared>> -> memref<64x128xf32, #tpu.memory_space<vmem_shared>>
      tpu.wait_dma2 semaphore(%run_scoped3A : memref<!tpu.dma_semaphore, #tpu.memory_space<semaphore_mem>>) src(%arg4 : memref<64x128xf32, #tpu.memory_space<hbm>>) dst(%dma_wait3A_635 : memref<64x128xf32, #tpu.memory_space<vmem_shared>>)
      tpu.yield
    }) : () -> ()
    %barrier3A = arith.constant 0 : index
    tpu.barrier barrier_id(%barrier3A)
    %add3A_3 = arith.constant 0 : i32
    %add3A_4 = arith.addi %add3A, %add3A_3 : i32
    %mul3A_5 = arith.constant 128 : i32
    %mul3A_6 = arith.muli %add3A_4, %mul3A_5 : i32
    %dma_start3A = tpu.memref_slice %arg3[%mul3A_6] : memref<100000xi32, #tpu.memory_space<hbm>> -> memref<128xi32, #tpu.memory_space<hbm>>
    %dma_start3A_7 = tpu.memref_slice %arg3[%mul3A_6] : memref<100000xi32, #tpu.memory_space<hbm>> -> memref<128xi32, #tpu.memory_space<hbm>>
    tpu.enqueue_dma source(%dma_start3A_7 : memref<128xi32, #tpu.memory_space<hbm>>) target(%arg6 : memref<128xi32, #tpu.memory_space<vmem>>) target_semaphore(%arg11 : memref<!tpu.dma_semaphore, #tpu.memory_space<semaphore_mem>>)
    %dma_start3A_8 = arith.constant 0 : i32
    %dma_start3A_9 = tpu.memref_slice %arg2[%mul3A_6, %dma_start3A_8] : memref<100000x128xf32, #tpu.memory_space<hbm>> -> memref<128x128xf32, #tpu.memory_space<hbm>>
    %dma_start3A_10 = arith.constant 0 : i32
    %dma_start3A_11 = tpu.memref_slice %arg2[%mul3A_6, %dma_start3A_10] : memref<100000x128xf32, #tpu.memory_space<hbm>> -> memref<128x128xf32, #tpu.memory_space<hbm>>
    tpu.enqueue_dma source(%dma_start3A_11 : memref<128x128xf32, #tpu.memory_space<hbm>>) target(%arg8 : memref<128x128xf32, #tpu.memory_space<vmem>>) target_semaphore(%arg11 : memref<!tpu.dma_semaphore, #tpu.memory_space<semaphore_mem>>)
    %dma_wait3A = arith.constant 0 : i32
    %dma_wait3A_12 = tpu.memref_slice %arg3[%dma_wait3A] : memref<100000xi32, #tpu.memory_space<hbm>> -> memref<128xi32, #tpu.memory_space<hbm>>
    %dma_wait3A_13 = arith.constant 0 : i32
    %dma_wait3A_14 = tpu.memref_slice %arg3[%dma_wait3A_13] : memref<100000xi32, #tpu.memory_space<hbm>> -> memref<128xi32, #tpu.memory_space<hbm>>
    tpu.wait_dma2 semaphore(%arg11 : memref<!tpu.dma_semaphore, #tpu.memory_space<semaphore_mem>>) src(%dma_wait3A_14 : memref<128xi32, #tpu.memory_space<hbm>>) dst(%arg6 : memref<128xi32, #tpu.memory_space<vmem>>)
    %dma_wait3A_15 = arith.constant 0 : i32
    %dma_wait3A_16 = arith.constant 0 : i32
    %dma_wait3A_17 = tpu.memref_slice %arg2[%dma_wait3A_15, %dma_wait3A_16] : memref<100000x128xf32, #tpu.memory_space<hbm>> -> memref<128x128xf32, #tpu.memory_space<hbm>>
    %dma_wait3A_18 = arith.constant 0 : i32
    %dma_wait3A_19 = arith.constant 0 : i32
    %dma_wait3A_20 = tpu.memref_slice %arg2[%dma_wait3A_18, %dma_wait3A_19] : memref<100000x128xf32, #tpu.memory_space<hbm>> -> memref<128x128xf32, #tpu.memory_space<hbm>>
    tpu.wait_dma2 semaphore(%arg11 : memref<!tpu.dma_semaphore, #tpu.memory_space<semaphore_mem>>) src(%dma_wait3A_20 : memref<128x128xf32, #tpu.memory_space<hbm>>) dst(%arg8 : memref<128x128xf32, #tpu.memory_space<vmem>>)
    %dma_start3A_21 = arith.constant 0 : i32
    %dma_start3A_22 = arith.constant 0 : i32
    %dma_start3A_23 = tpu.memref_slice %arg10[%dma_start3A_21, %dma_start3A_22] : memref<1025x128xf32, #tpu.memory_space<vmem_shared>> -> memref<1025x128xf32, #tpu.memory_space<vmem_shared>>
    tpu.enqueue_indirect_dma source(%arg8 : memref<128x128xf32, #tpu.memory_space<vmem>>) target(%dma_start3A_23 : memref<1025x128xf32, #tpu.memory_space<vmem_shared>>) offsets(%arg6 : memref<128xi32, #tpu.memory_space<vmem>>) semaphore(%arg13 : memref<!tpu.dma_semaphore, #tpu.memory_space<semaphore_mem>>) {add = true}
    %add3A_24 = arith.constant 32 : i32
    %add3A_25 = arith.addi %add3A, %add3A_24 : i32
    %mul3A_26 = arith.constant 128 : i32
    %mul3A_27 = arith.muli %add3A_25, %mul3A_26 : i32
    %dma_start3A_28 = tpu.memref_slice %arg3[%mul3A_27] : memref<100000xi32, #tpu.memory_space<hbm>> -> memref<128xi32, #tpu.memory_space<hbm>>
    %dma_start3A_29 = tpu.memref_slice %arg3[%mul3A_27] : memref<100000xi32, #tpu.memory_space<hbm>> -> memref<128xi32, #tpu.memory_space<hbm>>
    tpu.enqueue_dma source(%dma_start3A_29 : memref<128xi32, #tpu.memory_space<hbm>>) target(%arg7 : memref<128xi32, #tpu.memory_space<vmem>>) target_semaphore(%arg12 : memref<!tpu.dma_semaphore, #tpu.memory_space<semaphore_mem>>)
    %dma_start3A_30 = arith.constant 0 : i32
    %dma_start3A_31 = tpu.memref_slice %arg2[%mul3A_27, %dma_start3A_30] : memref<100000x128xf32, #tpu.memory_space<hbm>> -> memref<128x128xf32, #tpu.memory_space<hbm>>
    %dma_start3A_32 = arith.constant 0 : i32
    %dma_start3A_33 = tpu.memref_slice %arg2[%mul3A_27, %dma_start3A_32] : memref<100000x128xf32, #tpu.memory_space<hbm>> -> memref<128x128xf32, #tpu.memory_space<hbm>>
    tpu.enqueue_dma source(%dma_start3A_33 : memref<128x128xf32, #tpu.memory_space<hbm>>) target(%arg9 : memref<128x128xf32, #tpu.memory_space<vmem>>) target_semaphore(%arg12 : memref<!tpu.dma_semaphore, #tpu.memory_space<semaphore_mem>>)
    %dma_wait3A_34 = arith.constant 0 : i32
    %dma_wait3A_35 = tpu.memref_slice %arg3[%dma_wait3A_34] : memref<100000xi32, #tpu.memory_space<hbm>> -> memref<128xi32, #tpu.memory_space<hbm>>
    %dma_wait3A_36 = arith.constant 0 : i32
    %dma_wait3A_37 = tpu.memref_slice %arg3[%dma_wait3A_36] : memref<100000xi32, #tpu.memory_space<hbm>> -> memref<128xi32, #tpu.memory_space<hbm>>
    tpu.wait_dma2 semaphore(%arg12 : memref<!tpu.dma_semaphore, #tpu.memory_space<semaphore_mem>>) src(%dma_wait3A_37 : memref<128xi32, #tpu.memory_space<hbm>>) dst(%arg7 : memref<128xi32, #tpu.memory_space<vmem>>)
    %dma_wait3A_38 = arith.constant 0 : i32
    %dma_wait3A_39 = arith.constant 0 : i32
    %dma_wait3A_40 = tpu.memref_slice %arg2[%dma_wait3A_38, %dma_wait3A_39] : memref<100000x128xf32, #tpu.memory_space<hbm>> -> memref<128x128xf32, #tpu.memory_space<hbm>>
    %dma_wait3A_41 = arith.constant 0 : i32
    %dma_wait3A_42 = arith.constant 0 : i32
    %dma_wait3A_43 = tpu.memref_slice %arg2[%dma_wait3A_41, %dma_wait3A_42] : memref<100000x128xf32, #tpu.memory_space<hbm>> -> memref<128x128xf32, #tpu.memory_space<hbm>>
    tpu.wait_dma2 semaphore(%arg12 : memref<!tpu.dma_semaphore, #tpu.memory_space<semaphore_mem>>) src(%dma_wait3A_43 : memref<128x128xf32, #tpu.memory_space<hbm>>) dst(%arg9 : memref<128x128xf32, #tpu.memory_space<vmem>>)
    %dma_start3A_44 = arith.constant 0 : i32
    %dma_start3A_45 = arith.constant 0 : i32
    %dma_start3A_46 = tpu.memref_slice %arg10[%dma_start3A_44, %dma_start3A_45] : memref<1025x128xf32, #tpu.memory_space<vmem_shared>> -> memref<1025x128xf32, #tpu.memory_space<vmem_shared>>
    tpu.enqueue_indirect_dma source(%arg9 : memref<128x128xf32, #tpu.memory_space<vmem>>) target(%dma_start3A_46 : memref<1025x128xf32, #tpu.memory_space<vmem_shared>>) offsets(%arg7 : memref<128xi32, #tpu.memory_space<vmem>>) semaphore(%arg14 : memref<!tpu.dma_semaphore, #tpu.memory_space<semaphore_mem>>) {add = true}
    %dma_wait3A_47 = arith.constant 0 : i32
    %dma_wait3A_48 = arith.constant 0 : i32
    %dma_wait3A_49 = tpu.memref_slice %arg10[%dma_wait3A_47, %dma_wait3A_48] : memref<1025x128xf32, #tpu.memory_space<vmem_shared>> -> memref<1025x128xf32, #tpu.memory_space<vmem_shared>>
    tpu.wait_indirect_dma semaphore(%arg13 : memref<!tpu.dma_semaphore, #tpu.memory_space<semaphore_mem>>) src(%arg8 : memref<128x128xf32, #tpu.memory_space<vmem>>) dst(%dma_wait3A_49 : memref<1025x128xf32, #tpu.memory_space<vmem_shared>>)
    %add3A_50 = arith.constant 64 : i32
    %add3A_51 = arith.addi %add3A, %add3A_50 : i32
    %mul3A_52 = arith.constant 128 : i32
    %mul3A_53 = arith.muli %add3A_51, %mul3A_52 : i32
    %dma_start3A_54 = tpu.memref_slice %arg3[%mul3A_53] : memref<100000xi32, #tpu.memory_space<hbm>> -> memref<128xi32, #tpu.memory_space<hbm>>
    %dma_start3A_55 = tpu.memref_slice %arg3[%mul3A_53] : memref<100000xi32, #tpu.memory_space<hbm>> -> memref<128xi32, #tpu.memory_space<hbm>>
    tpu.enqueue_dma source(%dma_start3A_55 : memref<128xi32, #tpu.memory_space<hbm>>) target(%arg6 : memref<128xi32, #tpu.memory_space<vmem>>) target_semaphore(%arg11 : memref<!tpu.dma_semaphore, #tpu.memory_space<semaphore_mem>>)
    %dma_start3A_56 = arith.constant 0 : i32
    %dma_start3A_57 = tpu.memref_slice %arg2[%mul3A_53, %dma_start3A_56] : memref<100000x128xf32, #tpu.memory_space<hbm>> -> memref<128x128xf32, #tpu.memory_space<hbm>>
    %dma_start3A_58 = arith.constant 0 : i32
    %dma_start3A_59 = tpu.memref_slice %arg2[%mul3A_53, %dma_start3A_58] : memref<100000x128xf32, #tpu.memory_space<hbm>> -> memref<128x128xf32, #tpu.memory_space<hbm>>
    tpu.enqueue_dma source(%dma_start3A_59 : memref<128x128xf32, #tpu.memory_space<hbm>>) target(%arg8 : memref<128x128xf32, #tpu.memory_space<vmem>>) target_semaphore(%arg11 : memref<!tpu.dma_semaphore, #tpu.memory_space<semaphore_mem>>)
    %dma_wait3A_60 = arith.constant 0 : i32
    %dma_wait3A_61 = tpu.memref_slice %arg3[%dma_wait3A_60] : memref<100000xi32, #tpu.memory_space<hbm>> -> memref<128xi32, #tpu.memory_space<hbm>>
    %dma_wait3A_62 = arith.constant 0 : i32
    %dma_wait3A_63 = tpu.memref_slice %arg3[%dma_wait3A_62] : memref<100000xi32, #tpu.memory_space<hbm>> -> memref<128xi32, #tpu.memory_space<hbm>>
    tpu.wait_dma2 semaphore(%arg11 : memref<!tpu.dma_semaphore, #tpu.memory_space<semaphore_mem>>) src(%dma_wait3A_63 : memref<128xi32, #tpu.memory_space<hbm>>) dst(%arg6 : memref<128xi32, #tpu.memory_space<vmem>>)
    %dma_wait3A_64 = arith.constant 0 : i32
    %dma_wait3A_65 = arith.constant 0 : i32
    %dma_wait3A_66 = tpu.memref_slice %arg2[%dma_wait3A_64, %dma_wait3A_65] : memref<100000x128xf32, #tpu.memory_space<hbm>> -> memref<128x128xf32, #tpu.memory_space<hbm>>
    %dma_wait3A_67 = arith.constant 0 : i32
    %dma_wait3A_68 = arith.constant 0 : i32
    %dma_wait3A_69 = tpu.memref_slice %arg2[%dma_wait3A_67, %dma_wait3A_68] : memref<100000x128xf32, #tpu.memory_space<hbm>> -> memref<128x128xf32, #tpu.memory_space<hbm>>
    tpu.wait_dma2 semaphore(%arg11 : memref<!tpu.dma_semaphore, #tpu.memory_space<semaphore_mem>>) src(%dma_wait3A_69 : memref<128x128xf32, #tpu.memory_space<hbm>>) dst(%arg8 : memref<128x128xf32, #tpu.memory_space<vmem>>)
    %dma_start3A_70 = arith.constant 0 : i32
    %dma_start3A_71 = arith.constant 0 : i32
    %dma_start3A_72 = tpu.memref_slice %arg10[%dma_start3A_70, %dma_start3A_71] : memref<1025x128xf32, #tpu.memory_space<vmem_shared>> -> memref<1025x128xf32, #tpu.memory_space<vmem_shared>>
    tpu.enqueue_indirect_dma source(%arg8 : memref<128x128xf32, #tpu.memory_space<vmem>>) target(%dma_start3A_72 : memref<1025x128xf32, #tpu.memory_space<vmem_shared>>) offsets(%arg6 : memref<128xi32, #tpu.memory_space<vmem>>) semaphore(%arg13 : memref<!tpu.dma_semaphore, #tpu.memory_space<semaphore_mem>>) {add = true}
    %dma_wait3A_73 = arith.constant 0 : i32
    %dma_wait3A_74 = arith.constant 0 : i32
    %dma_wait3A_75 = tpu.memref_slice %arg10[%dma_wait3A_73, %dma_wait3A_74] : memref<1025x128xf32, #tpu.memory_space<vmem_shared>> -> memref<1025x128xf32, #tpu.memory_space<vmem_shared>>
    tpu.wait_indirect_dma semaphore(%arg14 : memref<!tpu.dma_semaphore, #tpu.memory_space<semaphore_mem>>) src(%arg9 : memref<128x128xf32, #tpu.memory_space<vmem>>) dst(%dma_wait3A_75 : memref<1025x128xf32, #tpu.memory_space<vmem_shared>>)
    %add3A_76 = arith.constant 96 : i32
    %add3A_77 = arith.addi %add3A, %add3A_76 : i32
    %mul3A_78 = arith.constant 128 : i32
    %mul3A_79 = arith.muli %add3A_77, %mul3A_78 : i32
    %dma_start3A_80 = tpu.memref_slice %arg3[%mul3A_79] : memref<100000xi32, #tpu.memory_space<hbm>> -> memref<128xi32, #tpu.memory_space<hbm>>
    %dma_start3A_81 = tpu.memref_slice %arg3[%mul3A_79] : memref<100000xi32, #tpu.memory_space<hbm>> -> memref<128xi32, #tpu.memory_space<hbm>>
    tpu.enqueue_dma source(%dma_start3A_81 : memref<128xi32, #tpu.memory_space<hbm>>) target(%arg7 : memref<128xi32, #tpu.memory_space<vmem>>) target_semaphore(%arg12 : memref<!tpu.dma_semaphore, #tpu.memory_space<semaphore_mem>>)
    %dma_start3A_82 = arith.constant 0 : i32
    %dma_start3A_83 = tpu.memref_slice %arg2[%mul3A_79, %dma_start3A_82] : memref<100000x128xf32, #tpu.memory_space<hbm>> -> memref<128x128xf32, #tpu.memory_space<hbm>>
    %dma_start3A_84 = arith.constant 0 : i32
    %dma_start3A_85 = tpu.memref_slice %arg2[%mul3A_79, %dma_start3A_84] : memref<100000x128xf32, #tpu.memory_space<hbm>> -> memref<128x128xf32, #tpu.memory_space<hbm>>
    tpu.enqueue_dma source(%dma_start3A_85 : memref<128x128xf32, #tpu.memory_space<hbm>>) target(%arg9 : memref<128x128xf32, #tpu.memory_space<vmem>>) target_semaphore(%arg12 : memref<!tpu.dma_semaphore, #tpu.memory_space<semaphore_mem>>)
    %dma_wait3A_86 = arith.constant 0 : i32
    %dma_wait3A_87 = tpu.memref_slice %arg3[%dma_wait3A_86] : memref<100000xi32, #tpu.memory_space<hbm>> -> memref<128xi32, #tpu.memory_space<hbm>>
    %dma_wait3A_88 = arith.constant 0 : i32
    %dma_wait3A_89 = tpu.memref_slice %arg3[%dma_wait3A_88] : memref<100000xi32, #tpu.memory_space<hbm>> -> memref<128xi32, #tpu.memory_space<hbm>>
    tpu.wait_dma2 semaphore(%arg12 : memref<!tpu.dma_semaphore, #tpu.memory_space<semaphore_mem>>) src(%dma_wait3A_89 : memref<128xi32, #tpu.memory_space<hbm>>) dst(%arg7 : memref<128xi32, #tpu.memory_space<vmem>>)
    %dma_wait3A_90 = arith.constant 0 : i32
    %dma_wait3A_91 = arith.constant 0 : i32
    %dma_wait3A_92 = tpu.memref_slice %arg2[%dma_wait3A_90, %dma_wait3A_91] : memref<100000x128xf32, #tpu.memory_space<hbm>> -> memref<128x128xf32, #tpu.memory_space<hbm>>
    %dma_wait3A_93 = arith.constant 0 : i32
    %dma_wait3A_94 = arith.constant 0 : i32
    %dma_wait3A_95 = tpu.memref_slice %arg2[%dma_wait3A_93, %dma_wait3A_94] : memref<100000x128xf32, #tpu.memory_space<hbm>> -> memref<128x128xf32, #tpu.memory_space<hbm>>
    tpu.wait_dma2 semaphore(%arg12 : memref<!tpu.dma_semaphore, #tpu.memory_space<semaphore_mem>>) src(%dma_wait3A_95 : memref<128x128xf32, #tpu.memory_space<hbm>>) dst(%arg9 : memref<128x128xf32, #tpu.memory_space<vmem>>)
    %dma_start3A_96 = arith.constant 0 : i32
    %dma_start3A_97 = arith.constant 0 : i32
    %dma_start3A_98 = tpu.memref_slice %arg10[%dma_start3A_96, %dma_start3A_97] : memref<1025x128xf32, #tpu.memory_space<vmem_shared>> -> memref<1025x128xf32, #tpu.memory_space<vmem_shared>>
    tpu.enqueue_indirect_dma source(%arg9 : memref<128x128xf32, #tpu.memory_space<vmem>>) target(%dma_start3A_98 : memref<1025x128xf32, #tpu.memory_space<vmem_shared>>) offsets(%arg7 : memref<128xi32, #tpu.memory_space<vmem>>) semaphore(%arg14 : memref<!tpu.dma_semaphore, #tpu.memory_space<semaphore_mem>>) {add = true}
    %dma_wait3A_99 = arith.constant 0 : i32
    %dma_wait3A_100 = arith.constant 0 : i32
    %dma_wait3A_101 = tpu.memref_slice %arg10[%dma_wait3A_99, %dma_wait3A_100] : memref<1025x128xf32, #tpu.memory_space<vmem_shared>> -> memref<1025x128xf32, #tpu.memory_space<vmem_shared>>
    tpu.wait_indirect_dma semaphore(%arg13 : memref<!tpu.dma_semaphore, #tpu.memory_space<semaphore_mem>>) src(%arg8 : memref<128x128xf32, #tpu.memory_space<vmem>>) dst(%dma_wait3A_101 : memref<1025x128xf32, #tpu.memory_space<vmem_shared>>)
    %add3A_102 = arith.constant 128 : i32
    %add3A_103 = arith.addi %add3A, %add3A_102 : i32
    %mul3A_104 = arith.constant 128 : i32
    %mul3A_105 = arith.muli %add3A_103, %mul3A_104 : i32
    %dma_start3A_106 = tpu.memref_slice %arg3[%mul3A_105] : memref<100000xi32, #tpu.memory_space<hbm>> -> memref<128xi32, #tpu.memory_space<hbm>>
    %dma_start3A_107 = tpu.memref_slice %arg3[%mul3A_105] : memref<100000xi32, #tpu.memory_space<hbm>> -> memref<128xi32, #tpu.memory_space<hbm>>
    tpu.enqueue_dma source(%dma_start3A_107 : memref<128xi32, #tpu.memory_space<hbm>>) target(%arg6 : memref<128xi32, #tpu.memory_space<vmem>>) target_semaphore(%arg11 : memref<!tpu.dma_semaphore, #tpu.memory_space<semaphore_mem>>)
    %dma_start3A_108 = arith.constant 0 : i32
    %dma_start3A_109 = tpu.memref_slice %arg2[%mul3A_105, %dma_start3A_108] : memref<100000x128xf32, #tpu.memory_space<hbm>> -> memref<128x128xf32, #tpu.memory_space<hbm>>
    %dma_start3A_110 = arith.constant 0 : i32
    %dma_start3A_111 = tpu.memref_slice %arg2[%mul3A_105, %dma_start3A_110] : memref<100000x128xf32, #tpu.memory_space<hbm>> -> memref<128x128xf32, #tpu.memory_space<hbm>>
    tpu.enqueue_dma source(%dma_start3A_111 : memref<128x128xf32, #tpu.memory_space<hbm>>) target(%arg8 : memref<128x128xf32, #tpu.memory_space<vmem>>) target_semaphore(%arg11 : memref<!tpu.dma_semaphore, #tpu.memory_space<semaphore_mem>>)
    %dma_wait3A_112 = arith.constant 0 : i32
    %dma_wait3A_113 = tpu.memref_slice %arg3[%dma_wait3A_112] : memref<100000xi32, #tpu.memory_space<hbm>> -> memref<128xi32, #tpu.memory_space<hbm>>
    %dma_wait3A_114 = arith.constant 0 : i32
    %dma_wait3A_115 = tpu.memref_slice %arg3[%dma_wait3A_114] : memref<100000xi32, #tpu.memory_space<hbm>> -> memref<128xi32, #tpu.memory_space<hbm>>
    tpu.wait_dma2 semaphore(%arg11 : memref<!tpu.dma_semaphore, #tpu.memory_space<semaphore_mem>>) src(%dma_wait3A_115 : memref<128xi32, #tpu.memory_space<hbm>>) dst(%arg6 : memref<128xi32, #tpu.memory_space<vmem>>)
    %dma_wait3A_116 = arith.constant 0 : i32
    %dma_wait3A_117 = arith.constant 0 : i32
    %dma_wait3A_118 = tpu.memref_slice %arg2[%dma_wait3A_116, %dma_wait3A_117] : memref<100000x128xf32, #tpu.memory_space<hbm>> -> memref<128x128xf32, #tpu.memory_space<hbm>>
    %dma_wait3A_119 = arith.constant 0 : i32
    %dma_wait3A_120 = arith.constant 0 : i32
    %dma_wait3A_121 = tpu.memref_slice %arg2[%dma_wait3A_119, %dma_wait3A_120] : memref<100000x128xf32, #tpu.memory_space<hbm>> -> memref<128x128xf32, #tpu.memory_space<hbm>>
    tpu.wait_dma2 semaphore(%arg11 : memref<!tpu.dma_semaphore, #tpu.memory_space<semaphore_mem>>) src(%dma_wait3A_121 : memref<128x128xf32, #tpu.memory_space<hbm>>) dst(%arg8 : memref<128x128xf32, #tpu.memory_space<vmem>>)
    %dma_start3A_122 = arith.constant 0 : i32
    %dma_start3A_123 = arith.constant 0 : i32
    %dma_start3A_124 = tpu.memref_slice %arg10[%dma_start3A_122, %dma_start3A_123] : memref<1025x128xf32, #tpu.memory_space<vmem_shared>> -> memref<1025x128xf32, #tpu.memory_space<vmem_shared>>
    tpu.enqueue_indirect_dma source(%arg8 : memref<128x128xf32, #tpu.memory_space<vmem>>) target(%dma_start3A_124 : memref<1025x128xf32, #tpu.memory_space<vmem_shared>>) offsets(%arg6 : memref<128xi32, #tpu.memory_space<vmem>>) semaphore(%arg13 : memref<!tpu.dma_semaphore, #tpu.memory_space<semaphore_mem>>) {add = true}
    %dma_wait3A_125 = arith.constant 0 : i32
    %dma_wait3A_126 = arith.constant 0 : i32
    %dma_wait3A_127 = tpu.memref_slice %arg10[%dma_wait3A_125, %dma_wait3A_126] : memref<1025x128xf32, #tpu.memory_space<vmem_shared>> -> memref<1025x128xf32, #tpu.memory_space<vmem_shared>>
    tpu.wait_indirect_dma semaphore(%arg14 : memref<!tpu.dma_semaphore, #tpu.memory_space<semaphore_mem>>) src(%arg9 : memref<128x128xf32, #tpu.memory_space<vmem>>) dst(%dma_wait3A_127 : memref<1025x128xf32, #tpu.memory_space<vmem_shared>>)
    %add3A_128 = arith.constant 160 : i32
    %add3A_129 = arith.addi %add3A, %add3A_128 : i32
    %mul3A_130 = arith.constant 128 : i32
    %mul3A_131 = arith.muli %add3A_129, %mul3A_130 : i32
    %dma_start3A_132 = tpu.memref_slice %arg3[%mul3A_131] : memref<100000xi32, #tpu.memory_space<hbm>> -> memref<128xi32, #tpu.memory_space<hbm>>
    %dma_start3A_133 = tpu.memref_slice %arg3[%mul3A_131] : memref<100000xi32, #tpu.memory_space<hbm>> -> memref<128xi32, #tpu.memory_space<hbm>>
    tpu.enqueue_dma source(%dma_start3A_133 : memref<128xi32, #tpu.memory_space<hbm>>) target(%arg7 : memref<128xi32, #tpu.memory_space<vmem>>) target_semaphore(%arg12 : memref<!tpu.dma_semaphore, #tpu.memory_space<semaphore_mem>>)
    %dma_start3A_134 = arith.constant 0 : i32
    %dma_start3A_135 = tpu.memref_slice %arg2[%mul3A_131, %dma_start3A_134] : memref<100000x128xf32, #tpu.memory_space<hbm>> -> memref<128x128xf32, #tpu.memory_space<hbm>>
    %dma_start3A_136 = arith.constant 0 : i32
    %dma_start3A_137 = tpu.memref_slice %arg2[%mul3A_131, %dma_start3A_136] : memref<100000x128xf32, #tpu.memory_space<hbm>> -> memref<128x128xf32, #tpu.memory_space<hbm>>
    tpu.enqueue_dma source(%dma_start3A_137 : memref<128x128xf32, #tpu.memory_space<hbm>>) target(%arg9 : memref<128x128xf32, #tpu.memory_space<vmem>>) target_semaphore(%arg12 : memref<!tpu.dma_semaphore, #tpu.memory_space<semaphore_mem>>)
    %dma_wait3A_138 = arith.constant 0 : i32
    %dma_wait3A_139 = tpu.memref_slice %arg3[%dma_wait3A_138] : memref<100000xi32, #tpu.memory_space<hbm>> -> memref<128xi32, #tpu.memory_space<hbm>>
    %dma_wait3A_140 = arith.constant 0 : i32
    %dma_wait3A_141 = tpu.memref_slice %arg3[%dma_wait3A_140] : memref<100000xi32, #tpu.memory_space<hbm>> -> memref<128xi32, #tpu.memory_space<hbm>>
    tpu.wait_dma2 semaphore(%arg12 : memref<!tpu.dma_semaphore, #tpu.memory_space<semaphore_mem>>) src(%dma_wait3A_141 : memref<128xi32, #tpu.memory_space<hbm>>) dst(%arg7 : memref<128xi32, #tpu.memory_space<vmem>>)
    %dma_wait3A_142 = arith.constant 0 : i32
    %dma_wait3A_143 = arith.constant 0 : i32
    %dma_wait3A_144 = tpu.memref_slice %arg2[%dma_wait3A_142, %dma_wait3A_143] : memref<100000x128xf32, #tpu.memory_space<hbm>> -> memref<128x128xf32, #tpu.memory_space<hbm>>
    %dma_wait3A_145 = arith.constant 0 : i32
    %dma_wait3A_146 = arith.constant 0 : i32
    %dma_wait3A_147 = tpu.memref_slice %arg2[%dma_wait3A_145, %dma_wait3A_146] : memref<100000x128xf32, #tpu.memory_space<hbm>> -> memref<128x128xf32, #tpu.memory_space<hbm>>
    tpu.wait_dma2 semaphore(%arg12 : memref<!tpu.dma_semaphore, #tpu.memory_space<semaphore_mem>>) src(%dma_wait3A_147 : memref<128x128xf32, #tpu.memory_space<hbm>>) dst(%arg9 : memref<128x128xf32, #tpu.memory_space<vmem>>)
    %dma_start3A_148 = arith.constant 0 : i32
    %dma_start3A_149 = arith.constant 0 : i32
    %dma_start3A_150 = tpu.memref_slice %arg10[%dma_start3A_148, %dma_start3A_149] : memref<1025x128xf32, #tpu.memory_space<vmem_shared>> -> memref<1025x128xf32, #tpu.memory_space<vmem_shared>>
    tpu.enqueue_indirect_dma source(%arg9 : memref<128x128xf32, #tpu.memory_space<vmem>>) target(%dma_start3A_150 : memref<1025x128xf32, #tpu.memory_space<vmem_shared>>) offsets(%arg7 : memref<128xi32, #tpu.memory_space<vmem>>) semaphore(%arg14 : memref<!tpu.dma_semaphore, #tpu.memory_space<semaphore_mem>>) {add = true}
    %dma_wait3A_151 = arith.constant 0 : i32
    %dma_wait3A_152 = arith.constant 0 : i32
    %dma_wait3A_153 = tpu.memref_slice %arg10[%dma_wait3A_151, %dma_wait3A_152] : memref<1025x128xf32, #tpu.memory_space<vmem_shared>> -> memref<1025x128xf32, #tpu.memory_space<vmem_shared>>
    tpu.wait_indirect_dma semaphore(%arg13 : memref<!tpu.dma_semaphore, #tpu.memory_space<semaphore_mem>>) src(%arg8 : memref<128x128xf32, #tpu.memory_space<vmem>>) dst(%dma_wait3A_153 : memref<1025x128xf32, #tpu.memory_space<vmem_shared>>)
    %add3A_154 = arith.constant 192 : i32
    %add3A_155 = arith.addi %add3A, %add3A_154 : i32
    %mul3A_156 = arith.constant 128 : i32
    %mul3A_157 = arith.muli %add3A_155, %mul3A_156 : i32
    %dma_start3A_158 = tpu.memref_slice %arg3[%mul3A_157] : memref<100000xi32, #tpu.memory_space<hbm>> -> memref<128xi32, #tpu.memory_space<hbm>>
    %dma_start3A_159 = tpu.memref_slice %arg3[%mul3A_157] : memref<100000xi32, #tpu.memory_space<hbm>> -> memref<128xi32, #tpu.memory_space<hbm>>
    tpu.enqueue_dma source(%dma_start3A_159 : memref<128xi32, #tpu.memory_space<hbm>>) target(%arg6 : memref<128xi32, #tpu.memory_space<vmem>>) target_semaphore(%arg11 : memref<!tpu.dma_semaphore, #tpu.memory_space<semaphore_mem>>)
    %dma_start3A_160 = arith.constant 0 : i32
    %dma_start3A_161 = tpu.memref_slice %arg2[%mul3A_157, %dma_start3A_160] : memref<100000x128xf32, #tpu.memory_space<hbm>> -> memref<128x128xf32, #tpu.memory_space<hbm>>
    %dma_start3A_162 = arith.constant 0 : i32
    %dma_start3A_163 = tpu.memref_slice %arg2[%mul3A_157, %dma_start3A_162] : memref<100000x128xf32, #tpu.memory_space<hbm>> -> memref<128x128xf32, #tpu.memory_space<hbm>>
    tpu.enqueue_dma source(%dma_start3A_163 : memref<128x128xf32, #tpu.memory_space<hbm>>) target(%arg8 : memref<128x128xf32, #tpu.memory_space<vmem>>) target_semaphore(%arg11 : memref<!tpu.dma_semaphore, #tpu.memory_space<semaphore_mem>>)
    %dma_wait3A_164 = arith.constant 0 : i32
    %dma_wait3A_165 = tpu.memref_slice %arg3[%dma_wait3A_164] : memref<100000xi32, #tpu.memory_space<hbm>> -> memref<128xi32, #tpu.memory_space<hbm>>
    %dma_wait3A_166 = arith.constant 0 : i32
    %dma_wait3A_167 = tpu.memref_slice %arg3[%dma_wait3A_166] : memref<100000xi32, #tpu.memory_space<hbm>> -> memref<128xi32, #tpu.memory_space<hbm>>
    tpu.wait_dma2 semaphore(%arg11 : memref<!tpu.dma_semaphore, #tpu.memory_space<semaphore_mem>>) src(%dma_wait3A_167 : memref<128xi32, #tpu.memory_space<hbm>>) dst(%arg6 : memref<128xi32, #tpu.memory_space<vmem>>)
    %dma_wait3A_168 = arith.constant 0 : i32
    %dma_wait3A_169 = arith.constant 0 : i32
    %dma_wait3A_170 = tpu.memref_slice %arg2[%dma_wait3A_168, %dma_wait3A_169] : memref<100000x128xf32, #tpu.memory_space<hbm>> -> memref<128x128xf32, #tpu.memory_space<hbm>>
    %dma_wait3A_171 = arith.constant 0 : i32
    %dma_wait3A_172 = arith.constant 0 : i32
    %dma_wait3A_173 = tpu.memref_slice %arg2[%dma_wait3A_171, %dma_wait3A_172] : memref<100000x128xf32, #tpu.memory_space<hbm>> -> memref<128x128xf32, #tpu.memory_space<hbm>>
    tpu.wait_dma2 semaphore(%arg11 : memref<!tpu.dma_semaphore, #tpu.memory_space<semaphore_mem>>) src(%dma_wait3A_173 : memref<128x128xf32, #tpu.memory_space<hbm>>) dst(%arg8 : memref<128x128xf32, #tpu.memory_space<vmem>>)
    %dma_start3A_174 = arith.constant 0 : i32
    %dma_start3A_175 = arith.constant 0 : i32
    %dma_start3A_176 = tpu.memref_slice %arg10[%dma_start3A_174, %dma_start3A_175] : memref<1025x128xf32, #tpu.memory_space<vmem_shared>> -> memref<1025x128xf32, #tpu.memory_space<vmem_shared>>
    tpu.enqueue_indirect_dma source(%arg8 : memref<128x128xf32, #tpu.memory_space<vmem>>) target(%dma_start3A_176 : memref<1025x128xf32, #tpu.memory_space<vmem_shared>>) offsets(%arg6 : memref<128xi32, #tpu.memory_space<vmem>>) semaphore(%arg13 : memref<!tpu.dma_semaphore, #tpu.memory_space<semaphore_mem>>) {add = true}
    %dma_wait3A_177 = arith.constant 0 : i32
    %dma_wait3A_178 = arith.constant 0 : i32
    %dma_wait3A_179 = tpu.memref_slice %arg10[%dma_wait3A_177, %dma_wait3A_178] : memref<1025x128xf32, #tpu.memory_space<vmem_shared>> -> memref<1025x128xf32, #tpu.memory_space<vmem_shared>>
    tpu.wait_indirect_dma semaphore(%arg14 : memref<!tpu.dma_semaphore, #tpu.memory_space<semaphore_mem>>) src(%arg9 : memref<128x128xf32, #tpu.memory_space<vmem>>) dst(%dma_wait3A_179 : memref<1025x128xf32, #tpu.memory_space<vmem_shared>>)
    %add3A_180 = arith.constant 224 : i32
    %add3A_181 = arith.addi %add3A, %add3A_180 : i32
    %mul3A_182 = arith.constant 128 : i32
    %mul3A_183 = arith.muli %add3A_181, %mul3A_182 : i32
    %dma_start3A_184 = tpu.memref_slice %arg3[%mul3A_183] : memref<100000xi32, #tpu.memory_space<hbm>> -> memref<128xi32, #tpu.memory_space<hbm>>
    %dma_start3A_185 = tpu.memref_slice %arg3[%mul3A_183] : memref<100000xi32, #tpu.memory_space<hbm>> -> memref<128xi32, #tpu.memory_space<hbm>>
    tpu.enqueue_dma source(%dma_start3A_185 : memref<128xi32, #tpu.memory_space<hbm>>) target(%arg7 : memref<128xi32, #tpu.memory_space<vmem>>) target_semaphore(%arg12 : memref<!tpu.dma_semaphore, #tpu.memory_space<semaphore_mem>>)
    %dma_start3A_186 = arith.constant 0 : i32
    %dma_start3A_187 = tpu.memref_slice %arg2[%mul3A_183, %dma_start3A_186] : memref<100000x128xf32, #tpu.memory_space<hbm>> -> memref<128x128xf32, #tpu.memory_space<hbm>>
    %dma_start3A_188 = arith.constant 0 : i32
    %dma_start3A_189 = tpu.memref_slice %arg2[%mul3A_183, %dma_start3A_188] : memref<100000x128xf32, #tpu.memory_space<hbm>> -> memref<128x128xf32, #tpu.memory_space<hbm>>
    tpu.enqueue_dma source(%dma_start3A_189 : memref<128x128xf32, #tpu.memory_space<hbm>>) target(%arg9 : memref<128x128xf32, #tpu.memory_space<vmem>>) target_semaphore(%arg12 : memref<!tpu.dma_semaphore, #tpu.memory_space<semaphore_mem>>)
    %dma_wait3A_190 = arith.constant 0 : i32
    %dma_wait3A_191 = tpu.memref_slice %arg3[%dma_wait3A_190] : memref<100000xi32, #tpu.memory_space<hbm>> -> memref<128xi32, #tpu.memory_space<hbm>>
    %dma_wait3A_192 = arith.constant 0 : i32
    %dma_wait3A_193 = tpu.memref_slice %arg3[%dma_wait3A_192] : memref<100000xi32, #tpu.memory_space<hbm>> -> memref<128xi32, #tpu.memory_space<hbm>>
    tpu.wait_dma2 semaphore(%arg12 : memref<!tpu.dma_semaphore, #tpu.memory_space<semaphore_mem>>) src(%dma_wait3A_193 : memref<128xi32, #tpu.memory_space<hbm>>) dst(%arg7 : memref<128xi32, #tpu.memory_space<vmem>>)
    %dma_wait3A_194 = arith.constant 0 : i32
    %dma_wait3A_195 = arith.constant 0 : i32
    %dma_wait3A_196 = tpu.memref_slice %arg2[%dma_wait3A_194, %dma_wait3A_195] : memref<100000x128xf32, #tpu.memory_space<hbm>> -> memref<128x128xf32, #tpu.memory_space<hbm>>
    %dma_wait3A_197 = arith.constant 0 : i32
    %dma_wait3A_198 = arith.constant 0 : i32
    %dma_wait3A_199 = tpu.memref_slice %arg2[%dma_wait3A_197, %dma_wait3A_198] : memref<100000x128xf32, #tpu.memory_space<hbm>> -> memref<128x128xf32, #tpu.memory_space<hbm>>
    tpu.wait_dma2 semaphore(%arg12 : memref<!tpu.dma_semaphore, #tpu.memory_space<semaphore_mem>>) src(%dma_wait3A_199 : memref<128x128xf32, #tpu.memory_space<hbm>>) dst(%arg9 : memref<128x128xf32, #tpu.memory_space<vmem>>)
    %dma_start3A_200 = arith.constant 0 : i32
    %dma_start3A_201 = arith.constant 0 : i32
    %dma_start3A_202 = tpu.memref_slice %arg10[%dma_start3A_200, %dma_start3A_201] : memref<1025x128xf32, #tpu.memory_space<vmem_shared>> -> memref<1025x128xf32, #tpu.memory_space<vmem_shared>>
    tpu.enqueue_indirect_dma source(%arg9 : memref<128x128xf32, #tpu.memory_space<vmem>>) target(%dma_start3A_202 : memref<1025x128xf32, #tpu.memory_space<vmem_shared>>) offsets(%arg7 : memref<128xi32, #tpu.memory_space<vmem>>) semaphore(%arg14 : memref<!tpu.dma_semaphore, #tpu.memory_space<semaphore_mem>>) {add = true}
    %dma_wait3A_203 = arith.constant 0 : i32
    %dma_wait3A_204 = arith.constant 0 : i32
    %dma_wait3A_205 = tpu.memref_slice %arg10[%dma_wait3A_203, %dma_wait3A_204] : memref<1025x128xf32, #tpu.memory_space<vmem_shared>> -> memref<1025x128xf32, #tpu.memory_space<vmem_shared>>
    tpu.wait_indirect_dma semaphore(%arg13 : memref<!tpu.dma_semaphore, #tpu.memory_space<semaphore_mem>>) src(%arg8 : memref<128x128xf32, #tpu.memory_space<vmem>>) dst(%dma_wait3A_205 : memref<1025x128xf32, #tpu.memory_space<vmem_shared>>)
    %add3A_206 = arith.constant 256 : i32
    %add3A_207 = arith.addi %add3A, %add3A_206 : i32
    %mul3A_208 = arith.constant 128 : i32
    %mul3A_209 = arith.muli %add3A_207, %mul3A_208 : i32
    %dma_start3A_210 = tpu.memref_slice %arg3[%mul3A_209] : memref<100000xi32, #tpu.memory_space<hbm>> -> memref<128xi32, #tpu.memory_space<hbm>>
    %dma_start3A_211 = tpu.memref_slice %arg3[%mul3A_209] : memref<100000xi32, #tpu.memory_space<hbm>> -> memref<128xi32, #tpu.memory_space<hbm>>
    tpu.enqueue_dma source(%dma_start3A_211 : memref<128xi32, #tpu.memory_space<hbm>>) target(%arg6 : memref<128xi32, #tpu.memory_space<vmem>>) target_semaphore(%arg11 : memref<!tpu.dma_semaphore, #tpu.memory_space<semaphore_mem>>)
    %dma_start3A_212 = arith.constant 0 : i32
    %dma_start3A_213 = tpu.memref_slice %arg2[%mul3A_209, %dma_start3A_212] : memref<100000x128xf32, #tpu.memory_space<hbm>> -> memref<128x128xf32, #tpu.memory_space<hbm>>
    %dma_start3A_214 = arith.constant 0 : i32
    %dma_start3A_215 = tpu.memref_slice %arg2[%mul3A_209, %dma_start3A_214] : memref<100000x128xf32, #tpu.memory_space<hbm>> -> memref<128x128xf32, #tpu.memory_space<hbm>>
    tpu.enqueue_dma source(%dma_start3A_215 : memref<128x128xf32, #tpu.memory_space<hbm>>) target(%arg8 : memref<128x128xf32, #tpu.memory_space<vmem>>) target_semaphore(%arg11 : memref<!tpu.dma_semaphore, #tpu.memory_space<semaphore_mem>>)
    %dma_wait3A_216 = arith.constant 0 : i32
    %dma_wait3A_217 = tpu.memref_slice %arg3[%dma_wait3A_216] : memref<100000xi32, #tpu.memory_space<hbm>> -> memref<128xi32, #tpu.memory_space<hbm>>
    %dma_wait3A_218 = arith.constant 0 : i32
    %dma_wait3A_219 = tpu.memref_slice %arg3[%dma_wait3A_218] : memref<100000xi32, #tpu.memory_space<hbm>> -> memref<128xi32, #tpu.memory_space<hbm>>
    tpu.wait_dma2 semaphore(%arg11 : memref<!tpu.dma_semaphore, #tpu.memory_space<semaphore_mem>>) src(%dma_wait3A_219 : memref<128xi32, #tpu.memory_space<hbm>>) dst(%arg6 : memref<128xi32, #tpu.memory_space<vmem>>)
    %dma_wait3A_220 = arith.constant 0 : i32
    %dma_wait3A_221 = arith.constant 0 : i32
    %dma_wait3A_222 = tpu.memref_slice %arg2[%dma_wait3A_220, %dma_wait3A_221] : memref<100000x128xf32, #tpu.memory_space<hbm>> -> memref<128x128xf32, #tpu.memory_space<hbm>>
    %dma_wait3A_223 = arith.constant 0 : i32
    %dma_wait3A_224 = arith.constant 0 : i32
    %dma_wait3A_225 = tpu.memref_slice %arg2[%dma_wait3A_223, %dma_wait3A_224] : memref<100000x128xf32, #tpu.memory_space<hbm>> -> memref<128x128xf32, #tpu.memory_space<hbm>>
    tpu.wait_dma2 semaphore(%arg11 : memref<!tpu.dma_semaphore, #tpu.memory_space<semaphore_mem>>) src(%dma_wait3A_225 : memref<128x128xf32, #tpu.memory_space<hbm>>) dst(%arg8 : memref<128x128xf32, #tpu.memory_space<vmem>>)
    %dma_start3A_226 = arith.constant 0 : i32
    %dma_start3A_227 = arith.constant 0 : i32
    %dma_start3A_228 = tpu.memref_slice %arg10[%dma_start3A_226, %dma_start3A_227] : memref<1025x128xf32, #tpu.memory_space<vmem_shared>> -> memref<1025x128xf32, #tpu.memory_space<vmem_shared>>
    tpu.enqueue_indirect_dma source(%arg8 : memref<128x128xf32, #tpu.memory_space<vmem>>) target(%dma_start3A_228 : memref<1025x128xf32, #tpu.memory_space<vmem_shared>>) offsets(%arg6 : memref<128xi32, #tpu.memory_space<vmem>>) semaphore(%arg13 : memref<!tpu.dma_semaphore, #tpu.memory_space<semaphore_mem>>) {add = true}
    %dma_wait3A_229 = arith.constant 0 : i32
    %dma_wait3A_230 = arith.constant 0 : i32
    %dma_wait3A_231 = tpu.memref_slice %arg10[%dma_wait3A_229, %dma_wait3A_230] : memref<1025x128xf32, #tpu.memory_space<vmem_shared>> -> memref<1025x128xf32, #tpu.memory_space<vmem_shared>>
    tpu.wait_indirect_dma semaphore(%arg14 : memref<!tpu.dma_semaphore, #tpu.memory_space<semaphore_mem>>) src(%arg9 : memref<128x128xf32, #tpu.memory_space<vmem>>) dst(%dma_wait3A_231 : memref<1025x128xf32, #tpu.memory_space<vmem_shared>>)
    %add3A_232 = arith.constant 288 : i32
    %add3A_233 = arith.addi %add3A, %add3A_232 : i32
    %mul3A_234 = arith.constant 128 : i32
    %mul3A_235 = arith.muli %add3A_233, %mul3A_234 : i32
    %dma_start3A_236 = tpu.memref_slice %arg3[%mul3A_235] : memref<100000xi32, #tpu.memory_space<hbm>> -> memref<128xi32, #tpu.memory_space<hbm>>
    %dma_start3A_237 = tpu.memref_slice %arg3[%mul3A_235] : memref<100000xi32, #tpu.memory_space<hbm>> -> memref<128xi32, #tpu.memory_space<hbm>>
    tpu.enqueue_dma source(%dma_start3A_237 : memref<128xi32, #tpu.memory_space<hbm>>) target(%arg7 : memref<128xi32, #tpu.memory_space<vmem>>) target_semaphore(%arg12 : memref<!tpu.dma_semaphore, #tpu.memory_space<semaphore_mem>>)
    %dma_start3A_238 = arith.constant 0 : i32
    %dma_start3A_239 = tpu.memref_slice %arg2[%mul3A_235, %dma_start3A_238] : memref<100000x128xf32, #tpu.memory_space<hbm>> -> memref<128x128xf32, #tpu.memory_space<hbm>>
    %dma_start3A_240 = arith.constant 0 : i32
    %dma_start3A_241 = tpu.memref_slice %arg2[%mul3A_235, %dma_start3A_240] : memref<100000x128xf32, #tpu.memory_space<hbm>> -> memref<128x128xf32, #tpu.memory_space<hbm>>
    tpu.enqueue_dma source(%dma_start3A_241 : memref<128x128xf32, #tpu.memory_space<hbm>>) target(%arg9 : memref<128x128xf32, #tpu.memory_space<vmem>>) target_semaphore(%arg12 : memref<!tpu.dma_semaphore, #tpu.memory_space<semaphore_mem>>)
    %dma_wait3A_242 = arith.constant 0 : i32
    %dma_wait3A_243 = tpu.memref_slice %arg3[%dma_wait3A_242] : memref<100000xi32, #tpu.memory_space<hbm>> -> memref<128xi32, #tpu.memory_space<hbm>>
    %dma_wait3A_244 = arith.constant 0 : i32
    %dma_wait3A_245 = tpu.memref_slice %arg3[%dma_wait3A_244] : memref<100000xi32, #tpu.memory_space<hbm>> -> memref<128xi32, #tpu.memory_space<hbm>>
    tpu.wait_dma2 semaphore(%arg12 : memref<!tpu.dma_semaphore, #tpu.memory_space<semaphore_mem>>) src(%dma_wait3A_245 : memref<128xi32, #tpu.memory_space<hbm>>) dst(%arg7 : memref<128xi32, #tpu.memory_space<vmem>>)
    %dma_wait3A_246 = arith.constant 0 : i32
    %dma_wait3A_247 = arith.constant 0 : i32
    %dma_wait3A_248 = tpu.memref_slice %arg2[%dma_wait3A_246, %dma_wait3A_247] : memref<100000x128xf32, #tpu.memory_space<hbm>> -> memref<128x128xf32, #tpu.memory_space<hbm>>
    %dma_wait3A_249 = arith.constant 0 : i32
    %dma_wait3A_250 = arith.constant 0 : i32
    %dma_wait3A_251 = tpu.memref_slice %arg2[%dma_wait3A_249, %dma_wait3A_250] : memref<100000x128xf32, #tpu.memory_space<hbm>> -> memref<128x128xf32, #tpu.memory_space<hbm>>
    tpu.wait_dma2 semaphore(%arg12 : memref<!tpu.dma_semaphore, #tpu.memory_space<semaphore_mem>>) src(%dma_wait3A_251 : memref<128x128xf32, #tpu.memory_space<hbm>>) dst(%arg9 : memref<128x128xf32, #tpu.memory_space<vmem>>)
    %dma_start3A_252 = arith.constant 0 : i32
    %dma_start3A_253 = arith.constant 0 : i32
    %dma_start3A_254 = tpu.memref_slice %arg10[%dma_start3A_252, %dma_start3A_253] : memref<1025x128xf32, #tpu.memory_space<vmem_shared>> -> memref<1025x128xf32, #tpu.memory_space<vmem_shared>>
    tpu.enqueue_indirect_dma source(%arg9 : memref<128x128xf32, #tpu.memory_space<vmem>>) target(%dma_start3A_254 : memref<1025x128xf32, #tpu.memory_space<vmem_shared>>) offsets(%arg7 : memref<128xi32, #tpu.memory_space<vmem>>) semaphore(%arg14 : memref<!tpu.dma_semaphore, #tpu.memory_space<semaphore_mem>>) {add = true}
    %dma_wait3A_255 = arith.constant 0 : i32
    %dma_wait3A_256 = arith.constant 0 : i32
    %dma_wait3A_257 = tpu.memref_slice %arg10[%dma_wait3A_255, %dma_wait3A_256] : memref<1025x128xf32, #tpu.memory_space<vmem_shared>> -> memref<1025x128xf32, #tpu.memory_space<vmem_shared>>
    tpu.wait_indirect_dma semaphore(%arg13 : memref<!tpu.dma_semaphore, #tpu.memory_space<semaphore_mem>>) src(%arg8 : memref<128x128xf32, #tpu.memory_space<vmem>>) dst(%dma_wait3A_257 : memref<1025x128xf32, #tpu.memory_space<vmem_shared>>)
    %add3A_258 = arith.constant 320 : i32
    %add3A_259 = arith.addi %add3A, %add3A_258 : i32
    %mul3A_260 = arith.constant 128 : i32
    %mul3A_261 = arith.muli %add3A_259, %mul3A_260 : i32
    %dma_start3A_262 = tpu.memref_slice %arg3[%mul3A_261] : memref<100000xi32, #tpu.memory_space<hbm>> -> memref<128xi32, #tpu.memory_space<hbm>>
    %dma_start3A_263 = tpu.memref_slice %arg3[%mul3A_261] : memref<100000xi32, #tpu.memory_space<hbm>> -> memref<128xi32, #tpu.memory_space<hbm>>
    tpu.enqueue_dma source(%dma_start3A_263 : memref<128xi32, #tpu.memory_space<hbm>>) target(%arg6 : memref<128xi32, #tpu.memory_space<vmem>>) target_semaphore(%arg11 : memref<!tpu.dma_semaphore, #tpu.memory_space<semaphore_mem>>)
    %dma_start3A_264 = arith.constant 0 : i32
    %dma_start3A_265 = tpu.memref_slice %arg2[%mul3A_261, %dma_start3A_264] : memref<100000x128xf32, #tpu.memory_space<hbm>> -> memref<128x128xf32, #tpu.memory_space<hbm>>
    %dma_start3A_266 = arith.constant 0 : i32
    %dma_start3A_267 = tpu.memref_slice %arg2[%mul3A_261, %dma_start3A_266] : memref<100000x128xf32, #tpu.memory_space<hbm>> -> memref<128x128xf32, #tpu.memory_space<hbm>>
    tpu.enqueue_dma source(%dma_start3A_267 : memref<128x128xf32, #tpu.memory_space<hbm>>) target(%arg8 : memref<128x128xf32, #tpu.memory_space<vmem>>) target_semaphore(%arg11 : memref<!tpu.dma_semaphore, #tpu.memory_space<semaphore_mem>>)
    %dma_wait3A_268 = arith.constant 0 : i32
    %dma_wait3A_269 = tpu.memref_slice %arg3[%dma_wait3A_268] : memref<100000xi32, #tpu.memory_space<hbm>> -> memref<128xi32, #tpu.memory_space<hbm>>
    %dma_wait3A_270 = arith.constant 0 : i32
    %dma_wait3A_271 = tpu.memref_slice %arg3[%dma_wait3A_270] : memref<100000xi32, #tpu.memory_space<hbm>> -> memref<128xi32, #tpu.memory_space<hbm>>
    tpu.wait_dma2 semaphore(%arg11 : memref<!tpu.dma_semaphore, #tpu.memory_space<semaphore_mem>>) src(%dma_wait3A_271 : memref<128xi32, #tpu.memory_space<hbm>>) dst(%arg6 : memref<128xi32, #tpu.memory_space<vmem>>)
    %dma_wait3A_272 = arith.constant 0 : i32
    %dma_wait3A_273 = arith.constant 0 : i32
    %dma_wait3A_274 = tpu.memref_slice %arg2[%dma_wait3A_272, %dma_wait3A_273] : memref<100000x128xf32, #tpu.memory_space<hbm>> -> memref<128x128xf32, #tpu.memory_space<hbm>>
    %dma_wait3A_275 = arith.constant 0 : i32
    %dma_wait3A_276 = arith.constant 0 : i32
    %dma_wait3A_277 = tpu.memref_slice %arg2[%dma_wait3A_275, %dma_wait3A_276] : memref<100000x128xf32, #tpu.memory_space<hbm>> -> memref<128x128xf32, #tpu.memory_space<hbm>>
    tpu.wait_dma2 semaphore(%arg11 : memref<!tpu.dma_semaphore, #tpu.memory_space<semaphore_mem>>) src(%dma_wait3A_277 : memref<128x128xf32, #tpu.memory_space<hbm>>) dst(%arg8 : memref<128x128xf32, #tpu.memory_space<vmem>>)
    %dma_start3A_278 = arith.constant 0 : i32
    %dma_start3A_279 = arith.constant 0 : i32
    %dma_start3A_280 = tpu.memref_slice %arg10[%dma_start3A_278, %dma_start3A_279] : memref<1025x128xf32, #tpu.memory_space<vmem_shared>> -> memref<1025x128xf32, #tpu.memory_space<vmem_shared>>
    tpu.enqueue_indirect_dma source(%arg8 : memref<128x128xf32, #tpu.memory_space<vmem>>) target(%dma_start3A_280 : memref<1025x128xf32, #tpu.memory_space<vmem_shared>>) offsets(%arg6 : memref<128xi32, #tpu.memory_space<vmem>>) semaphore(%arg13 : memref<!tpu.dma_semaphore, #tpu.memory_space<semaphore_mem>>) {add = true}
    %dma_wait3A_281 = arith.constant 0 : i32
    %dma_wait3A_282 = arith.constant 0 : i32
    %dma_wait3A_283 = tpu.memref_slice %arg10[%dma_wait3A_281, %dma_wait3A_282] : memref<1025x128xf32, #tpu.memory_space<vmem_shared>> -> memref<1025x128xf32, #tpu.memory_space<vmem_shared>>
    tpu.wait_indirect_dma semaphore(%arg14 : memref<!tpu.dma_semaphore, #tpu.memory_space<semaphore_mem>>) src(%arg9 : memref<128x128xf32, #tpu.memory_space<vmem>>) dst(%dma_wait3A_283 : memref<1025x128xf32, #tpu.memory_space<vmem_shared>>)
    %add3A_284 = arith.constant 352 : i32
    %add3A_285 = arith.addi %add3A, %add3A_284 : i32
    %mul3A_286 = arith.constant 128 : i32
    %mul3A_287 = arith.muli %add3A_285, %mul3A_286 : i32
    %dma_start3A_288 = tpu.memref_slice %arg3[%mul3A_287] : memref<100000xi32, #tpu.memory_space<hbm>> -> memref<128xi32, #tpu.memory_space<hbm>>
    %dma_start3A_289 = tpu.memref_slice %arg3[%mul3A_287] : memref<100000xi32, #tpu.memory_space<hbm>> -> memref<128xi32, #tpu.memory_space<hbm>>
    tpu.enqueue_dma source(%dma_start3A_289 : memref<128xi32, #tpu.memory_space<hbm>>) target(%arg7 : memref<128xi32, #tpu.memory_space<vmem>>) target_semaphore(%arg12 : memref<!tpu.dma_semaphore, #tpu.memory_space<semaphore_mem>>)
    %dma_start3A_290 = arith.constant 0 : i32
    %dma_start3A_291 = tpu.memref_slice %arg2[%mul3A_287, %dma_start3A_290] : memref<100000x128xf32, #tpu.memory_space<hbm>> -> memref<128x128xf32, #tpu.memory_space<hbm>>
    %dma_start3A_292 = arith.constant 0 : i32
    %dma_start3A_293 = tpu.memref_slice %arg2[%mul3A_287, %dma_start3A_292] : memref<100000x128xf32, #tpu.memory_space<hbm>> -> memref<128x128xf32, #tpu.memory_space<hbm>>
    tpu.enqueue_dma source(%dma_start3A_293 : memref<128x128xf32, #tpu.memory_space<hbm>>) target(%arg9 : memref<128x128xf32, #tpu.memory_space<vmem>>) target_semaphore(%arg12 : memref<!tpu.dma_semaphore, #tpu.memory_space<semaphore_mem>>)
    %dma_wait3A_294 = arith.constant 0 : i32
    %dma_wait3A_295 = tpu.memref_slice %arg3[%dma_wait3A_294] : memref<100000xi32, #tpu.memory_space<hbm>> -> memref<128xi32, #tpu.memory_space<hbm>>
    %dma_wait3A_296 = arith.constant 0 : i32
    %dma_wait3A_297 = tpu.memref_slice %arg3[%dma_wait3A_296] : memref<100000xi32, #tpu.memory_space<hbm>> -> memref<128xi32, #tpu.memory_space<hbm>>
    tpu.wait_dma2 semaphore(%arg12 : memref<!tpu.dma_semaphore, #tpu.memory_space<semaphore_mem>>) src(%dma_wait3A_297 : memref<128xi32, #tpu.memory_space<hbm>>) dst(%arg7 : memref<128xi32, #tpu.memory_space<vmem>>)
    %dma_wait3A_298 = arith.constant 0 : i32
    %dma_wait3A_299 = arith.constant 0 : i32
    %dma_wait3A_300 = tpu.memref_slice %arg2[%dma_wait3A_298, %dma_wait3A_299] : memref<100000x128xf32, #tpu.memory_space<hbm>> -> memref<128x128xf32, #tpu.memory_space<hbm>>
    %dma_wait3A_301 = arith.constant 0 : i32
    %dma_wait3A_302 = arith.constant 0 : i32
    %dma_wait3A_303 = tpu.memref_slice %arg2[%dma_wait3A_301, %dma_wait3A_302] : memref<100000x128xf32, #tpu.memory_space<hbm>> -> memref<128x128xf32, #tpu.memory_space<hbm>>
    tpu.wait_dma2 semaphore(%arg12 : memref<!tpu.dma_semaphore, #tpu.memory_space<semaphore_mem>>) src(%dma_wait3A_303 : memref<128x128xf32, #tpu.memory_space<hbm>>) dst(%arg9 : memref<128x128xf32, #tpu.memory_space<vmem>>)
    %dma_start3A_304 = arith.constant 0 : i32
    %dma_start3A_305 = arith.constant 0 : i32
    %dma_start3A_306 = tpu.memref_slice %arg10[%dma_start3A_304, %dma_start3A_305] : memref<1025x128xf32, #tpu.memory_space<vmem_shared>> -> memref<1025x128xf32, #tpu.memory_space<vmem_shared>>
    tpu.enqueue_indirect_dma source(%arg9 : memref<128x128xf32, #tpu.memory_space<vmem>>) target(%dma_start3A_306 : memref<1025x128xf32, #tpu.memory_space<vmem_shared>>) offsets(%arg7 : memref<128xi32, #tpu.memory_space<vmem>>) semaphore(%arg14 : memref<!tpu.dma_semaphore, #tpu.memory_space<semaphore_mem>>) {add = true}
    %dma_wait3A_307 = arith.constant 0 : i32
    %dma_wait3A_308 = arith.constant 0 : i32
    %dma_wait3A_309 = tpu.memref_slice %arg10[%dma_wait3A_307, %dma_wait3A_308] : memref<1025x128xf32, #tpu.memory_space<vmem_shared>> -> memref<1025x128xf32, #tpu.memory_space<vmem_shared>>
    tpu.wait_indirect_dma semaphore(%arg13 : memref<!tpu.dma_semaphore, #tpu.memory_space<semaphore_mem>>) src(%arg8 : memref<128x128xf32, #tpu.memory_space<vmem>>) dst(%dma_wait3A_309 : memref<1025x128xf32, #tpu.memory_space<vmem_shared>>)
    %add3A_310 = arith.constant 384 : i32
    %add3A_311 = arith.addi %add3A, %add3A_310 : i32
    %mul3A_312 = arith.constant 128 : i32
    %mul3A_313 = arith.muli %add3A_311, %mul3A_312 : i32
    %dma_start3A_314 = tpu.memref_slice %arg3[%mul3A_313] : memref<100000xi32, #tpu.memory_space<hbm>> -> memref<128xi32, #tpu.memory_space<hbm>>
    %dma_start3A_315 = tpu.memref_slice %arg3[%mul3A_313] : memref<100000xi32, #tpu.memory_space<hbm>> -> memref<128xi32, #tpu.memory_space<hbm>>
    tpu.enqueue_dma source(%dma_start3A_315 : memref<128xi32, #tpu.memory_space<hbm>>) target(%arg6 : memref<128xi32, #tpu.memory_space<vmem>>) target_semaphore(%arg11 : memref<!tpu.dma_semaphore, #tpu.memory_space<semaphore_mem>>)
    %dma_start3A_316 = arith.constant 0 : i32
    %dma_start3A_317 = tpu.memref_slice %arg2[%mul3A_313, %dma_start3A_316] : memref<100000x128xf32, #tpu.memory_space<hbm>> -> memref<128x128xf32, #tpu.memory_space<hbm>>
    %dma_start3A_318 = arith.constant 0 : i32
    %dma_start3A_319 = tpu.memref_slice %arg2[%mul3A_313, %dma_start3A_318] : memref<100000x128xf32, #tpu.memory_space<hbm>> -> memref<128x128xf32, #tpu.memory_space<hbm>>
    tpu.enqueue_dma source(%dma_start3A_319 : memref<128x128xf32, #tpu.memory_space<hbm>>) target(%arg8 : memref<128x128xf32, #tpu.memory_space<vmem>>) target_semaphore(%arg11 : memref<!tpu.dma_semaphore, #tpu.memory_space<semaphore_mem>>)
    %dma_wait3A_320 = arith.constant 0 : i32
    %dma_wait3A_321 = tpu.memref_slice %arg3[%dma_wait3A_320] : memref<100000xi32, #tpu.memory_space<hbm>> -> memref<128xi32, #tpu.memory_space<hbm>>
    %dma_wait3A_322 = arith.constant 0 : i32
    %dma_wait3A_323 = tpu.memref_slice %arg3[%dma_wait3A_322] : memref<100000xi32, #tpu.memory_space<hbm>> -> memref<128xi32, #tpu.memory_space<hbm>>
    tpu.wait_dma2 semaphore(%arg11 : memref<!tpu.dma_semaphore, #tpu.memory_space<semaphore_mem>>) src(%dma_wait3A_323 : memref<128xi32, #tpu.memory_space<hbm>>) dst(%arg6 : memref<128xi32, #tpu.memory_space<vmem>>)
    %dma_wait3A_324 = arith.constant 0 : i32
    %dma_wait3A_325 = arith.constant 0 : i32
    %dma_wait3A_326 = tpu.memref_slice %arg2[%dma_wait3A_324, %dma_wait3A_325] : memref<100000x128xf32, #tpu.memory_space<hbm>> -> memref<128x128xf32, #tpu.memory_space<hbm>>
    %dma_wait3A_327 = arith.constant 0 : i32
    %dma_wait3A_328 = arith.constant 0 : i32
    %dma_wait3A_329 = tpu.memref_slice %arg2[%dma_wait3A_327, %dma_wait3A_328] : memref<100000x128xf32, #tpu.memory_space<hbm>> -> memref<128x128xf32, #tpu.memory_space<hbm>>
    tpu.wait_dma2 semaphore(%arg11 : memref<!tpu.dma_semaphore, #tpu.memory_space<semaphore_mem>>) src(%dma_wait3A_329 : memref<128x128xf32, #tpu.memory_space<hbm>>) dst(%arg8 : memref<128x128xf32, #tpu.memory_space<vmem>>)
    %dma_start3A_330 = arith.constant 0 : i32
    %dma_start3A_331 = arith.constant 0 : i32
    %dma_start3A_332 = tpu.memref_slice %arg10[%dma_start3A_330, %dma_start3A_331] : memref<1025x128xf32, #tpu.memory_space<vmem_shared>> -> memref<1025x128xf32, #tpu.memory_space<vmem_shared>>
    tpu.enqueue_indirect_dma source(%arg8 : memref<128x128xf32, #tpu.memory_space<vmem>>) target(%dma_start3A_332 : memref<1025x128xf32, #tpu.memory_space<vmem_shared>>) offsets(%arg6 : memref<128xi32, #tpu.memory_space<vmem>>) semaphore(%arg13 : memref<!tpu.dma_semaphore, #tpu.memory_space<semaphore_mem>>) {add = true}
    %dma_wait3A_333 = arith.constant 0 : i32
    %dma_wait3A_334 = arith.constant 0 : i32
    %dma_wait3A_335 = tpu.memref_slice %arg10[%dma_wait3A_333, %dma_wait3A_334] : memref<1025x128xf32, #tpu.memory_space<vmem_shared>> -> memref<1025x128xf32, #tpu.memory_space<vmem_shared>>
    tpu.wait_indirect_dma semaphore(%arg14 : memref<!tpu.dma_semaphore, #tpu.memory_space<semaphore_mem>>) src(%arg9 : memref<128x128xf32, #tpu.memory_space<vmem>>) dst(%dma_wait3A_335 : memref<1025x128xf32, #tpu.memory_space<vmem_shared>>)
    %add3A_336 = arith.constant 416 : i32
    %add3A_337 = arith.addi %add3A, %add3A_336 : i32
    %mul3A_338 = arith.constant 128 : i32
    %mul3A_339 = arith.muli %add3A_337, %mul3A_338 : i32
    %dma_start3A_340 = tpu.memref_slice %arg3[%mul3A_339] : memref<100000xi32, #tpu.memory_space<hbm>> -> memref<128xi32, #tpu.memory_space<hbm>>
    %dma_start3A_341 = tpu.memref_slice %arg3[%mul3A_339] : memref<100000xi32, #tpu.memory_space<hbm>> -> memref<128xi32, #tpu.memory_space<hbm>>
    tpu.enqueue_dma source(%dma_start3A_341 : memref<128xi32, #tpu.memory_space<hbm>>) target(%arg7 : memref<128xi32, #tpu.memory_space<vmem>>) target_semaphore(%arg12 : memref<!tpu.dma_semaphore, #tpu.memory_space<semaphore_mem>>)
    %dma_start3A_342 = arith.constant 0 : i32
    %dma_start3A_343 = tpu.memref_slice %arg2[%mul3A_339, %dma_start3A_342] : memref<100000x128xf32, #tpu.memory_space<hbm>> -> memref<128x128xf32, #tpu.memory_space<hbm>>
    %dma_start3A_344 = arith.constant 0 : i32
    %dma_start3A_345 = tpu.memref_slice %arg2[%mul3A_339, %dma_start3A_344] : memref<100000x128xf32, #tpu.memory_space<hbm>> -> memref<128x128xf32, #tpu.memory_space<hbm>>
    tpu.enqueue_dma source(%dma_start3A_345 : memref<128x128xf32, #tpu.memory_space<hbm>>) target(%arg9 : memref<128x128xf32, #tpu.memory_space<vmem>>) target_semaphore(%arg12 : memref<!tpu.dma_semaphore, #tpu.memory_space<semaphore_mem>>)
    %dma_wait3A_346 = arith.constant 0 : i32
    %dma_wait3A_347 = tpu.memref_slice %arg3[%dma_wait3A_346] : memref<100000xi32, #tpu.memory_space<hbm>> -> memref<128xi32, #tpu.memory_space<hbm>>
    %dma_wait3A_348 = arith.constant 0 : i32
    %dma_wait3A_349 = tpu.memref_slice %arg3[%dma_wait3A_348] : memref<100000xi32, #tpu.memory_space<hbm>> -> memref<128xi32, #tpu.memory_space<hbm>>
    tpu.wait_dma2 semaphore(%arg12 : memref<!tpu.dma_semaphore, #tpu.memory_space<semaphore_mem>>) src(%dma_wait3A_349 : memref<128xi32, #tpu.memory_space<hbm>>) dst(%arg7 : memref<128xi32, #tpu.memory_space<vmem>>)
    %dma_wait3A_350 = arith.constant 0 : i32
    %dma_wait3A_351 = arith.constant 0 : i32
    %dma_wait3A_352 = tpu.memref_slice %arg2[%dma_wait3A_350, %dma_wait3A_351] : memref<100000x128xf32, #tpu.memory_space<hbm>> -> memref<128x128xf32, #tpu.memory_space<hbm>>
    %dma_wait3A_353 = arith.constant 0 : i32
    %dma_wait3A_354 = arith.constant 0 : i32
    %dma_wait3A_355 = tpu.memref_slice %arg2[%dma_wait3A_353, %dma_wait3A_354] : memref<100000x128xf32, #tpu.memory_space<hbm>> -> memref<128x128xf32, #tpu.memory_space<hbm>>
    tpu.wait_dma2 semaphore(%arg12 : memref<!tpu.dma_semaphore, #tpu.memory_space<semaphore_mem>>) src(%dma_wait3A_355 : memref<128x128xf32, #tpu.memory_space<hbm>>) dst(%arg9 : memref<128x128xf32, #tpu.memory_space<vmem>>)
    %dma_start3A_356 = arith.constant 0 : i32
    %dma_start3A_357 = arith.constant 0 : i32
    %dma_start3A_358 = tpu.memref_slice %arg10[%dma_start3A_356, %dma_start3A_357] : memref<1025x128xf32, #tpu.memory_space<vmem_shared>> -> memref<1025x128xf32, #tpu.memory_space<vmem_shared>>
    tpu.enqueue_indirect_dma source(%arg9 : memref<128x128xf32, #tpu.memory_space<vmem>>) target(%dma_start3A_358 : memref<1025x128xf32, #tpu.memory_space<vmem_shared>>) offsets(%arg7 : memref<128xi32, #tpu.memory_space<vmem>>) semaphore(%arg14 : memref<!tpu.dma_semaphore, #tpu.memory_space<semaphore_mem>>) {add = true}
    %dma_wait3A_359 = arith.constant 0 : i32
    %dma_wait3A_360 = arith.constant 0 : i32
    %dma_wait3A_361 = tpu.memref_slice %arg10[%dma_wait3A_359, %dma_wait3A_360] : memref<1025x128xf32, #tpu.memory_space<vmem_shared>> -> memref<1025x128xf32, #tpu.memory_space<vmem_shared>>
    tpu.wait_indirect_dma semaphore(%arg13 : memref<!tpu.dma_semaphore, #tpu.memory_space<semaphore_mem>>) src(%arg8 : memref<128x128xf32, #tpu.memory_space<vmem>>) dst(%dma_wait3A_361 : memref<1025x128xf32, #tpu.memory_space<vmem_shared>>)
    %add3A_362 = arith.constant 448 : i32
    %add3A_363 = arith.addi %add3A, %add3A_362 : i32
    %mul3A_364 = arith.constant 128 : i32
    %mul3A_365 = arith.muli %add3A_363, %mul3A_364 : i32
    %dma_start3A_366 = tpu.memref_slice %arg3[%mul3A_365] : memref<100000xi32, #tpu.memory_space<hbm>> -> memref<128xi32, #tpu.memory_space<hbm>>
    %dma_start3A_367 = tpu.memref_slice %arg3[%mul3A_365] : memref<100000xi32, #tpu.memory_space<hbm>> -> memref<128xi32, #tpu.memory_space<hbm>>
    tpu.enqueue_dma source(%dma_start3A_367 : memref<128xi32, #tpu.memory_space<hbm>>) target(%arg6 : memref<128xi32, #tpu.memory_space<vmem>>) target_semaphore(%arg11 : memref<!tpu.dma_semaphore, #tpu.memory_space<semaphore_mem>>)
    %dma_start3A_368 = arith.constant 0 : i32
    %dma_start3A_369 = tpu.memref_slice %arg2[%mul3A_365, %dma_start3A_368] : memref<100000x128xf32, #tpu.memory_space<hbm>> -> memref<128x128xf32, #tpu.memory_space<hbm>>
    %dma_start3A_370 = arith.constant 0 : i32
    %dma_start3A_371 = tpu.memref_slice %arg2[%mul3A_365, %dma_start3A_370] : memref<100000x128xf32, #tpu.memory_space<hbm>> -> memref<128x128xf32, #tpu.memory_space<hbm>>
    tpu.enqueue_dma source(%dma_start3A_371 : memref<128x128xf32, #tpu.memory_space<hbm>>) target(%arg8 : memref<128x128xf32, #tpu.memory_space<vmem>>) target_semaphore(%arg11 : memref<!tpu.dma_semaphore, #tpu.memory_space<semaphore_mem>>)
    %dma_wait3A_372 = arith.constant 0 : i32
    %dma_wait3A_373 = tpu.memref_slice %arg3[%dma_wait3A_372] : memref<100000xi32, #tpu.memory_space<hbm>> -> memref<128xi32, #tpu.memory_space<hbm>>
    %dma_wait3A_374 = arith.constant 0 : i32
    %dma_wait3A_375 = tpu.memref_slice %arg3[%dma_wait3A_374] : memref<100000xi32, #tpu.memory_space<hbm>> -> memref<128xi32, #tpu.memory_space<hbm>>
    tpu.wait_dma2 semaphore(%arg11 : memref<!tpu.dma_semaphore, #tpu.memory_space<semaphore_mem>>) src(%dma_wait3A_375 : memref<128xi32, #tpu.memory_space<hbm>>) dst(%arg6 : memref<128xi32, #tpu.memory_space<vmem>>)
    %dma_wait3A_376 = arith.constant 0 : i32
    %dma_wait3A_377 = arith.constant 0 : i32
    %dma_wait3A_378 = tpu.memref_slice %arg2[%dma_wait3A_376, %dma_wait3A_377] : memref<100000x128xf32, #tpu.memory_space<hbm>> -> memref<128x128xf32, #tpu.memory_space<hbm>>
    %dma_wait3A_379 = arith.constant 0 : i32
    %dma_wait3A_380 = arith.constant 0 : i32
    %dma_wait3A_381 = tpu.memref_slice %arg2[%dma_wait3A_379, %dma_wait3A_380] : memref<100000x128xf32, #tpu.memory_space<hbm>> -> memref<128x128xf32, #tpu.memory_space<hbm>>
    tpu.wait_dma2 semaphore(%arg11 : memref<!tpu.dma_semaphore, #tpu.memory_space<semaphore_mem>>) src(%dma_wait3A_381 : memref<128x128xf32, #tpu.memory_space<hbm>>) dst(%arg8 : memref<128x128xf32, #tpu.memory_space<vmem>>)
    %dma_start3A_382 = arith.constant 0 : i32
    %dma_start3A_383 = arith.constant 0 : i32
    %dma_start3A_384 = tpu.memref_slice %arg10[%dma_start3A_382, %dma_start3A_383] : memref<1025x128xf32, #tpu.memory_space<vmem_shared>> -> memref<1025x128xf32, #tpu.memory_space<vmem_shared>>
    tpu.enqueue_indirect_dma source(%arg8 : memref<128x128xf32, #tpu.memory_space<vmem>>) target(%dma_start3A_384 : memref<1025x128xf32, #tpu.memory_space<vmem_shared>>) offsets(%arg6 : memref<128xi32, #tpu.memory_space<vmem>>) semaphore(%arg13 : memref<!tpu.dma_semaphore, #tpu.memory_space<semaphore_mem>>) {add = true}
    %dma_wait3A_385 = arith.constant 0 : i32
    %dma_wait3A_386 = arith.constant 0 : i32
    %dma_wait3A_387 = tpu.memref_slice %arg10[%dma_wait3A_385, %dma_wait3A_386] : memref<1025x128xf32, #tpu.memory_space<vmem_shared>> -> memref<1025x128xf32, #tpu.memory_space<vmem_shared>>
    tpu.wait_indirect_dma semaphore(%arg14 : memref<!tpu.dma_semaphore, #tpu.memory_space<semaphore_mem>>) src(%arg9 : memref<128x128xf32, #tpu.memory_space<vmem>>) dst(%dma_wait3A_387 : memref<1025x128xf32, #tpu.memory_space<vmem_shared>>)
    %add3A_388 = arith.constant 480 : i32
    %add3A_389 = arith.addi %add3A, %add3A_388 : i32
    %mul3A_390 = arith.constant 128 : i32
    %mul3A_391 = arith.muli %add3A_389, %mul3A_390 : i32
    %dma_start3A_392 = tpu.memref_slice %arg3[%mul3A_391] : memref<100000xi32, #tpu.memory_space<hbm>> -> memref<128xi32, #tpu.memory_space<hbm>>
    %dma_start3A_393 = tpu.memref_slice %arg3[%mul3A_391] : memref<100000xi32, #tpu.memory_space<hbm>> -> memref<128xi32, #tpu.memory_space<hbm>>
    tpu.enqueue_dma source(%dma_start3A_393 : memref<128xi32, #tpu.memory_space<hbm>>) target(%arg7 : memref<128xi32, #tpu.memory_space<vmem>>) target_semaphore(%arg12 : memref<!tpu.dma_semaphore, #tpu.memory_space<semaphore_mem>>)
    %dma_start3A_394 = arith.constant 0 : i32
    %dma_start3A_395 = tpu.memref_slice %arg2[%mul3A_391, %dma_start3A_394] : memref<100000x128xf32, #tpu.memory_space<hbm>> -> memref<128x128xf32, #tpu.memory_space<hbm>>
    %dma_start3A_396 = arith.constant 0 : i32
    %dma_start3A_397 = tpu.memref_slice %arg2[%mul3A_391, %dma_start3A_396] : memref<100000x128xf32, #tpu.memory_space<hbm>> -> memref<128x128xf32, #tpu.memory_space<hbm>>
    tpu.enqueue_dma source(%dma_start3A_397 : memref<128x128xf32, #tpu.memory_space<hbm>>) target(%arg9 : memref<128x128xf32, #tpu.memory_space<vmem>>) target_semaphore(%arg12 : memref<!tpu.dma_semaphore, #tpu.memory_space<semaphore_mem>>)
    %dma_wait3A_398 = arith.constant 0 : i32
    %dma_wait3A_399 = tpu.memref_slice %arg3[%dma_wait3A_398] : memref<100000xi32, #tpu.memory_space<hbm>> -> memref<128xi32, #tpu.memory_space<hbm>>
    %dma_wait3A_400 = arith.constant 0 : i32
    %dma_wait3A_401 = tpu.memref_slice %arg3[%dma_wait3A_400] : memref<100000xi32, #tpu.memory_space<hbm>> -> memref<128xi32, #tpu.memory_space<hbm>>
    tpu.wait_dma2 semaphore(%arg12 : memref<!tpu.dma_semaphore, #tpu.memory_space<semaphore_mem>>) src(%dma_wait3A_401 : memref<128xi32, #tpu.memory_space<hbm>>) dst(%arg7 : memref<128xi32, #tpu.memory_space<vmem>>)
    %dma_wait3A_402 = arith.constant 0 : i32
    %dma_wait3A_403 = arith.constant 0 : i32
    %dma_wait3A_404 = tpu.memref_slice %arg2[%dma_wait3A_402, %dma_wait3A_403] : memref<100000x128xf32, #tpu.memory_space<hbm>> -> memref<128x128xf32, #tpu.memory_space<hbm>>
    %dma_wait3A_405 = arith.constant 0 : i32
    %dma_wait3A_406 = arith.constant 0 : i32
    %dma_wait3A_407 = tpu.memref_slice %arg2[%dma_wait3A_405, %dma_wait3A_406] : memref<100000x128xf32, #tpu.memory_space<hbm>> -> memref<128x128xf32, #tpu.memory_space<hbm>>
    tpu.wait_dma2 semaphore(%arg12 : memref<!tpu.dma_semaphore, #tpu.memory_space<semaphore_mem>>) src(%dma_wait3A_407 : memref<128x128xf32, #tpu.memory_space<hbm>>) dst(%arg9 : memref<128x128xf32, #tpu.memory_space<vmem>>)
    %dma_start3A_408 = arith.constant 0 : i32
    %dma_start3A_409 = arith.constant 0 : i32
    %dma_start3A_410 = tpu.memref_slice %arg10[%dma_start3A_408, %dma_start3A_409] : memref<1025x128xf32, #tpu.memory_space<vmem_shared>> -> memref<1025x128xf32, #tpu.memory_space<vmem_shared>>
    tpu.enqueue_indirect_dma source(%arg9 : memref<128x128xf32, #tpu.memory_space<vmem>>) target(%dma_start3A_410 : memref<1025x128xf32, #tpu.memory_space<vmem_shared>>) offsets(%arg7 : memref<128xi32, #tpu.memory_space<vmem>>) semaphore(%arg14 : memref<!tpu.dma_semaphore, #tpu.memory_space<semaphore_mem>>) {add = true}
    %dma_wait3A_411 = arith.constant 0 : i32
    %dma_wait3A_412 = arith.constant 0 : i32
    %dma_wait3A_413 = tpu.memref_slice %arg10[%dma_wait3A_411, %dma_wait3A_412] : memref<1025x128xf32, #tpu.memory_space<vmem_shared>> -> memref<1025x128xf32, #tpu.memory_space<vmem_shared>>
    tpu.wait_indirect_dma semaphore(%arg13 : memref<!tpu.dma_semaphore, #tpu.memory_space<semaphore_mem>>) src(%arg8 : memref<128x128xf32, #tpu.memory_space<vmem>>) dst(%dma_wait3A_413 : memref<1025x128xf32, #tpu.memory_space<vmem_shared>>)
    %add3A_414 = arith.constant 512 : i32
    %add3A_415 = arith.addi %add3A, %add3A_414 : i32
    %mul3A_416 = arith.constant 128 : i32
    %mul3A_417 = arith.muli %add3A_415, %mul3A_416 : i32
    %dma_start3A_418 = tpu.memref_slice %arg3[%mul3A_417] : memref<100000xi32, #tpu.memory_space<hbm>> -> memref<128xi32, #tpu.memory_space<hbm>>
    %dma_start3A_419 = tpu.memref_slice %arg3[%mul3A_417] : memref<100000xi32, #tpu.memory_space<hbm>> -> memref<128xi32, #tpu.memory_space<hbm>>
    tpu.enqueue_dma source(%dma_start3A_419 : memref<128xi32, #tpu.memory_space<hbm>>) target(%arg6 : memref<128xi32, #tpu.memory_space<vmem>>) target_semaphore(%arg11 : memref<!tpu.dma_semaphore, #tpu.memory_space<semaphore_mem>>)
    %dma_start3A_420 = arith.constant 0 : i32
    %dma_start3A_421 = tpu.memref_slice %arg2[%mul3A_417, %dma_start3A_420] : memref<100000x128xf32, #tpu.memory_space<hbm>> -> memref<128x128xf32, #tpu.memory_space<hbm>>
    %dma_start3A_422 = arith.constant 0 : i32
    %dma_start3A_423 = tpu.memref_slice %arg2[%mul3A_417, %dma_start3A_422] : memref<100000x128xf32, #tpu.memory_space<hbm>> -> memref<128x128xf32, #tpu.memory_space<hbm>>
    tpu.enqueue_dma source(%dma_start3A_423 : memref<128x128xf32, #tpu.memory_space<hbm>>) target(%arg8 : memref<128x128xf32, #tpu.memory_space<vmem>>) target_semaphore(%arg11 : memref<!tpu.dma_semaphore, #tpu.memory_space<semaphore_mem>>)
    %dma_wait3A_424 = arith.constant 0 : i32
    %dma_wait3A_425 = tpu.memref_slice %arg3[%dma_wait3A_424] : memref<100000xi32, #tpu.memory_space<hbm>> -> memref<128xi32, #tpu.memory_space<hbm>>
    %dma_wait3A_426 = arith.constant 0 : i32
    %dma_wait3A_427 = tpu.memref_slice %arg3[%dma_wait3A_426] : memref<100000xi32, #tpu.memory_space<hbm>> -> memref<128xi32, #tpu.memory_space<hbm>>
    tpu.wait_dma2 semaphore(%arg11 : memref<!tpu.dma_semaphore, #tpu.memory_space<semaphore_mem>>) src(%dma_wait3A_427 : memref<128xi32, #tpu.memory_space<hbm>>) dst(%arg6 : memref<128xi32, #tpu.memory_space<vmem>>)
    %dma_wait3A_428 = arith.constant 0 : i32
    %dma_wait3A_429 = arith.constant 0 : i32
    %dma_wait3A_430 = tpu.memref_slice %arg2[%dma_wait3A_428, %dma_wait3A_429] : memref<100000x128xf32, #tpu.memory_space<hbm>> -> memref<128x128xf32, #tpu.memory_space<hbm>>
    %dma_wait3A_431 = arith.constant 0 : i32
    %dma_wait3A_432 = arith.constant 0 : i32
    %dma_wait3A_433 = tpu.memref_slice %arg2[%dma_wait3A_431, %dma_wait3A_432] : memref<100000x128xf32, #tpu.memory_space<hbm>> -> memref<128x128xf32, #tpu.memory_space<hbm>>
    tpu.wait_dma2 semaphore(%arg11 : memref<!tpu.dma_semaphore, #tpu.memory_space<semaphore_mem>>) src(%dma_wait3A_433 : memref<128x128xf32, #tpu.memory_space<hbm>>) dst(%arg8 : memref<128x128xf32, #tpu.memory_space<vmem>>)
    %dma_start3A_434 = arith.constant 0 : i32
    %dma_start3A_435 = arith.constant 0 : i32
    %dma_start3A_436 = tpu.memref_slice %arg10[%dma_start3A_434, %dma_start3A_435] : memref<1025x128xf32, #tpu.memory_space<vmem_shared>> -> memref<1025x128xf32, #tpu.memory_space<vmem_shared>>
    tpu.enqueue_indirect_dma source(%arg8 : memref<128x128xf32, #tpu.memory_space<vmem>>) target(%dma_start3A_436 : memref<1025x128xf32, #tpu.memory_space<vmem_shared>>) offsets(%arg6 : memref<128xi32, #tpu.memory_space<vmem>>) semaphore(%arg13 : memref<!tpu.dma_semaphore, #tpu.memory_space<semaphore_mem>>) {add = true}
    %dma_wait3A_437 = arith.constant 0 : i32
    %dma_wait3A_438 = arith.constant 0 : i32
    %dma_wait3A_439 = tpu.memref_slice %arg10[%dma_wait3A_437, %dma_wait3A_438] : memref<1025x128xf32, #tpu.memory_space<vmem_shared>> -> memref<1025x128xf32, #tpu.memory_space<vmem_shared>>
    tpu.wait_indirect_dma semaphore(%arg14 : memref<!tpu.dma_semaphore, #tpu.memory_space<semaphore_mem>>) src(%arg9 : memref<128x128xf32, #tpu.memory_space<vmem>>) dst(%dma_wait3A_439 : memref<1025x128xf32, #tpu.memory_space<vmem_shared>>)
    %add3A_440 = arith.constant 544 : i32
    %add3A_441 = arith.addi %add3A, %add3A_440 : i32
    %mul3A_442 = arith.constant 128 : i32
    %mul3A_443 = arith.muli %add3A_441, %mul3A_442 : i32
    %dma_start3A_444 = tpu.memref_slice %arg3[%mul3A_443] : memref<100000xi32, #tpu.memory_space<hbm>> -> memref<128xi32, #tpu.memory_space<hbm>>
    %dma_start3A_445 = tpu.memref_slice %arg3[%mul3A_443] : memref<100000xi32, #tpu.memory_space<hbm>> -> memref<128xi32, #tpu.memory_space<hbm>>
    tpu.enqueue_dma source(%dma_start3A_445 : memref<128xi32, #tpu.memory_space<hbm>>) target(%arg7 : memref<128xi32, #tpu.memory_space<vmem>>) target_semaphore(%arg12 : memref<!tpu.dma_semaphore, #tpu.memory_space<semaphore_mem>>)
    %dma_start3A_446 = arith.constant 0 : i32
    %dma_start3A_447 = tpu.memref_slice %arg2[%mul3A_443, %dma_start3A_446] : memref<100000x128xf32, #tpu.memory_space<hbm>> -> memref<128x128xf32, #tpu.memory_space<hbm>>
    %dma_start3A_448 = arith.constant 0 : i32
    %dma_start3A_449 = tpu.memref_slice %arg2[%mul3A_443, %dma_start3A_448] : memref<100000x128xf32, #tpu.memory_space<hbm>> -> memref<128x128xf32, #tpu.memory_space<hbm>>
    tpu.enqueue_dma source(%dma_start3A_449 : memref<128x128xf32, #tpu.memory_space<hbm>>) target(%arg9 : memref<128x128xf32, #tpu.memory_space<vmem>>) target_semaphore(%arg12 : memref<!tpu.dma_semaphore, #tpu.memory_space<semaphore_mem>>)
    %dma_wait3A_450 = arith.constant 0 : i32
    %dma_wait3A_451 = tpu.memref_slice %arg3[%dma_wait3A_450] : memref<100000xi32, #tpu.memory_space<hbm>> -> memref<128xi32, #tpu.memory_space<hbm>>
    %dma_wait3A_452 = arith.constant 0 : i32
    %dma_wait3A_453 = tpu.memref_slice %arg3[%dma_wait3A_452] : memref<100000xi32, #tpu.memory_space<hbm>> -> memref<128xi32, #tpu.memory_space<hbm>>
    tpu.wait_dma2 semaphore(%arg12 : memref<!tpu.dma_semaphore, #tpu.memory_space<semaphore_mem>>) src(%dma_wait3A_453 : memref<128xi32, #tpu.memory_space<hbm>>) dst(%arg7 : memref<128xi32, #tpu.memory_space<vmem>>)
    %dma_wait3A_454 = arith.constant 0 : i32
    %dma_wait3A_455 = arith.constant 0 : i32
    %dma_wait3A_456 = tpu.memref_slice %arg2[%dma_wait3A_454, %dma_wait3A_455] : memref<100000x128xf32, #tpu.memory_space<hbm>> -> memref<128x128xf32, #tpu.memory_space<hbm>>
    %dma_wait3A_457 = arith.constant 0 : i32
    %dma_wait3A_458 = arith.constant 0 : i32
    %dma_wait3A_459 = tpu.memref_slice %arg2[%dma_wait3A_457, %dma_wait3A_458] : memref<100000x128xf32, #tpu.memory_space<hbm>> -> memref<128x128xf32, #tpu.memory_space<hbm>>
    tpu.wait_dma2 semaphore(%arg12 : memref<!tpu.dma_semaphore, #tpu.memory_space<semaphore_mem>>) src(%dma_wait3A_459 : memref<128x128xf32, #tpu.memory_space<hbm>>) dst(%arg9 : memref<128x128xf32, #tpu.memory_space<vmem>>)
    %dma_start3A_460 = arith.constant 0 : i32
    %dma_start3A_461 = arith.constant 0 : i32
    %dma_start3A_462 = tpu.memref_slice %arg10[%dma_start3A_460, %dma_start3A_461] : memref<1025x128xf32, #tpu.memory_space<vmem_shared>> -> memref<1025x128xf32, #tpu.memory_space<vmem_shared>>
    tpu.enqueue_indirect_dma source(%arg9 : memref<128x128xf32, #tpu.memory_space<vmem>>) target(%dma_start3A_462 : memref<1025x128xf32, #tpu.memory_space<vmem_shared>>) offsets(%arg7 : memref<128xi32, #tpu.memory_space<vmem>>) semaphore(%arg14 : memref<!tpu.dma_semaphore, #tpu.memory_space<semaphore_mem>>) {add = true}
    %dma_wait3A_463 = arith.constant 0 : i32
    %dma_wait3A_464 = arith.constant 0 : i32
    %dma_wait3A_465 = tpu.memref_slice %arg10[%dma_wait3A_463, %dma_wait3A_464] : memref<1025x128xf32, #tpu.memory_space<vmem_shared>> -> memref<1025x128xf32, #tpu.memory_space<vmem_shared>>
    tpu.wait_indirect_dma semaphore(%arg13 : memref<!tpu.dma_semaphore, #tpu.memory_space<semaphore_mem>>) src(%arg8 : memref<128x128xf32, #tpu.memory_space<vmem>>) dst(%dma_wait3A_465 : memref<1025x128xf32, #tpu.memory_space<vmem_shared>>)
    %add3A_466 = arith.constant 576 : i32
    %add3A_467 = arith.addi %add3A, %add3A_466 : i32
    %mul3A_468 = arith.constant 128 : i32
    %mul3A_469 = arith.muli %add3A_467, %mul3A_468 : i32
    %dma_start3A_470 = tpu.memref_slice %arg3[%mul3A_469] : memref<100000xi32, #tpu.memory_space<hbm>> -> memref<128xi32, #tpu.memory_space<hbm>>
    %dma_start3A_471 = tpu.memref_slice %arg3[%mul3A_469] : memref<100000xi32, #tpu.memory_space<hbm>> -> memref<128xi32, #tpu.memory_space<hbm>>
    tpu.enqueue_dma source(%dma_start3A_471 : memref<128xi32, #tpu.memory_space<hbm>>) target(%arg6 : memref<128xi32, #tpu.memory_space<vmem>>) target_semaphore(%arg11 : memref<!tpu.dma_semaphore, #tpu.memory_space<semaphore_mem>>)
    %dma_start3A_472 = arith.constant 0 : i32
    %dma_start3A_473 = tpu.memref_slice %arg2[%mul3A_469, %dma_start3A_472] : memref<100000x128xf32, #tpu.memory_space<hbm>> -> memref<128x128xf32, #tpu.memory_space<hbm>>
    %dma_start3A_474 = arith.constant 0 : i32
    %dma_start3A_475 = tpu.memref_slice %arg2[%mul3A_469, %dma_start3A_474] : memref<100000x128xf32, #tpu.memory_space<hbm>> -> memref<128x128xf32, #tpu.memory_space<hbm>>
    tpu.enqueue_dma source(%dma_start3A_475 : memref<128x128xf32, #tpu.memory_space<hbm>>) target(%arg8 : memref<128x128xf32, #tpu.memory_space<vmem>>) target_semaphore(%arg11 : memref<!tpu.dma_semaphore, #tpu.memory_space<semaphore_mem>>)
    %dma_wait3A_476 = arith.constant 0 : i32
    %dma_wait3A_477 = tpu.memref_slice %arg3[%dma_wait3A_476] : memref<100000xi32, #tpu.memory_space<hbm>> -> memref<128xi32, #tpu.memory_space<hbm>>
    %dma_wait3A_478 = arith.constant 0 : i32
    %dma_wait3A_479 = tpu.memref_slice %arg3[%dma_wait3A_478] : memref<100000xi32, #tpu.memory_space<hbm>> -> memref<128xi32, #tpu.memory_space<hbm>>
    tpu.wait_dma2 semaphore(%arg11 : memref<!tpu.dma_semaphore, #tpu.memory_space<semaphore_mem>>) src(%dma_wait3A_479 : memref<128xi32, #tpu.memory_space<hbm>>) dst(%arg6 : memref<128xi32, #tpu.memory_space<vmem>>)
    %dma_wait3A_480 = arith.constant 0 : i32
    %dma_wait3A_481 = arith.constant 0 : i32
    %dma_wait3A_482 = tpu.memref_slice %arg2[%dma_wait3A_480, %dma_wait3A_481] : memref<100000x128xf32, #tpu.memory_space<hbm>> -> memref<128x128xf32, #tpu.memory_space<hbm>>
    %dma_wait3A_483 = arith.constant 0 : i32
    %dma_wait3A_484 = arith.constant 0 : i32
    %dma_wait3A_485 = tpu.memref_slice %arg2[%dma_wait3A_483, %dma_wait3A_484] : memref<100000x128xf32, #tpu.memory_space<hbm>> -> memref<128x128xf32, #tpu.memory_space<hbm>>
    tpu.wait_dma2 semaphore(%arg11 : memref<!tpu.dma_semaphore, #tpu.memory_space<semaphore_mem>>) src(%dma_wait3A_485 : memref<128x128xf32, #tpu.memory_space<hbm>>) dst(%arg8 : memref<128x128xf32, #tpu.memory_space<vmem>>)
    %dma_start3A_486 = arith.constant 0 : i32
    %dma_start3A_487 = arith.constant 0 : i32
    %dma_start3A_488 = tpu.memref_slice %arg10[%dma_start3A_486, %dma_start3A_487] : memref<1025x128xf32, #tpu.memory_space<vmem_shared>> -> memref<1025x128xf32, #tpu.memory_space<vmem_shared>>
    tpu.enqueue_indirect_dma source(%arg8 : memref<128x128xf32, #tpu.memory_space<vmem>>) target(%dma_start3A_488 : memref<1025x128xf32, #tpu.memory_space<vmem_shared>>) offsets(%arg6 : memref<128xi32, #tpu.memory_space<vmem>>) semaphore(%arg13 : memref<!tpu.dma_semaphore, #tpu.memory_space<semaphore_mem>>) {add = true}
    %dma_wait3A_489 = arith.constant 0 : i32
    %dma_wait3A_490 = arith.constant 0 : i32
    %dma_wait3A_491 = tpu.memref_slice %arg10[%dma_wait3A_489, %dma_wait3A_490] : memref<1025x128xf32, #tpu.memory_space<vmem_shared>> -> memref<1025x128xf32, #tpu.memory_space<vmem_shared>>
    tpu.wait_indirect_dma semaphore(%arg14 : memref<!tpu.dma_semaphore, #tpu.memory_space<semaphore_mem>>) src(%arg9 : memref<128x128xf32, #tpu.memory_space<vmem>>) dst(%dma_wait3A_491 : memref<1025x128xf32, #tpu.memory_space<vmem_shared>>)
    %add3A_492 = arith.constant 608 : i32
    %add3A_493 = arith.addi %add3A, %add3A_492 : i32
    %mul3A_494 = arith.constant 128 : i32
    %mul3A_495 = arith.muli %add3A_493, %mul3A_494 : i32
    %dma_start3A_496 = tpu.memref_slice %arg3[%mul3A_495] : memref<100000xi32, #tpu.memory_space<hbm>> -> memref<128xi32, #tpu.memory_space<hbm>>
    %dma_start3A_497 = tpu.memref_slice %arg3[%mul3A_495] : memref<100000xi32, #tpu.memory_space<hbm>> -> memref<128xi32, #tpu.memory_space<hbm>>
    tpu.enqueue_dma source(%dma_start3A_497 : memref<128xi32, #tpu.memory_space<hbm>>) target(%arg7 : memref<128xi32, #tpu.memory_space<vmem>>) target_semaphore(%arg12 : memref<!tpu.dma_semaphore, #tpu.memory_space<semaphore_mem>>)
    %dma_start3A_498 = arith.constant 0 : i32
    %dma_start3A_499 = tpu.memref_slice %arg2[%mul3A_495, %dma_start3A_498] : memref<100000x128xf32, #tpu.memory_space<hbm>> -> memref<128x128xf32, #tpu.memory_space<hbm>>
    %dma_start3A_500 = arith.constant 0 : i32
    %dma_start3A_501 = tpu.memref_slice %arg2[%mul3A_495, %dma_start3A_500] : memref<100000x128xf32, #tpu.memory_space<hbm>> -> memref<128x128xf32, #tpu.memory_space<hbm>>
    tpu.enqueue_dma source(%dma_start3A_501 : memref<128x128xf32, #tpu.memory_space<hbm>>) target(%arg9 : memref<128x128xf32, #tpu.memory_space<vmem>>) target_semaphore(%arg12 : memref<!tpu.dma_semaphore, #tpu.memory_space<semaphore_mem>>)
    %dma_wait3A_502 = arith.constant 0 : i32
    %dma_wait3A_503 = tpu.memref_slice %arg3[%dma_wait3A_502] : memref<100000xi32, #tpu.memory_space<hbm>> -> memref<128xi32, #tpu.memory_space<hbm>>
    %dma_wait3A_504 = arith.constant 0 : i32
    %dma_wait3A_505 = tpu.memref_slice %arg3[%dma_wait3A_504] : memref<100000xi32, #tpu.memory_space<hbm>> -> memref<128xi32, #tpu.memory_space<hbm>>
    tpu.wait_dma2 semaphore(%arg12 : memref<!tpu.dma_semaphore, #tpu.memory_space<semaphore_mem>>) src(%dma_wait3A_505 : memref<128xi32, #tpu.memory_space<hbm>>) dst(%arg7 : memref<128xi32, #tpu.memory_space<vmem>>)
    %dma_wait3A_506 = arith.constant 0 : i32
    %dma_wait3A_507 = arith.constant 0 : i32
    %dma_wait3A_508 = tpu.memref_slice %arg2[%dma_wait3A_506, %dma_wait3A_507] : memref<100000x128xf32, #tpu.memory_space<hbm>> -> memref<128x128xf32, #tpu.memory_space<hbm>>
    %dma_wait3A_509 = arith.constant 0 : i32
    %dma_wait3A_510 = arith.constant 0 : i32
    %dma_wait3A_511 = tpu.memref_slice %arg2[%dma_wait3A_509, %dma_wait3A_510] : memref<100000x128xf32, #tpu.memory_space<hbm>> -> memref<128x128xf32, #tpu.memory_space<hbm>>
    tpu.wait_dma2 semaphore(%arg12 : memref<!tpu.dma_semaphore, #tpu.memory_space<semaphore_mem>>) src(%dma_wait3A_511 : memref<128x128xf32, #tpu.memory_space<hbm>>) dst(%arg9 : memref<128x128xf32, #tpu.memory_space<vmem>>)
    %dma_start3A_512 = arith.constant 0 : i32
    %dma_start3A_513 = arith.constant 0 : i32
    %dma_start3A_514 = tpu.memref_slice %arg10[%dma_start3A_512, %dma_start3A_513] : memref<1025x128xf32, #tpu.memory_space<vmem_shared>> -> memref<1025x128xf32, #tpu.memory_space<vmem_shared>>
    tpu.enqueue_indirect_dma source(%arg9 : memref<128x128xf32, #tpu.memory_space<vmem>>) target(%dma_start3A_514 : memref<1025x128xf32, #tpu.memory_space<vmem_shared>>) offsets(%arg7 : memref<128xi32, #tpu.memory_space<vmem>>) semaphore(%arg14 : memref<!tpu.dma_semaphore, #tpu.memory_space<semaphore_mem>>) {add = true}
    %dma_wait3A_515 = arith.constant 0 : i32
    %dma_wait3A_516 = arith.constant 0 : i32
    %dma_wait3A_517 = tpu.memref_slice %arg10[%dma_wait3A_515, %dma_wait3A_516] : memref<1025x128xf32, #tpu.memory_space<vmem_shared>> -> memref<1025x128xf32, #tpu.memory_space<vmem_shared>>
    tpu.wait_indirect_dma semaphore(%arg13 : memref<!tpu.dma_semaphore, #tpu.memory_space<semaphore_mem>>) src(%arg8 : memref<128x128xf32, #tpu.memory_space<vmem>>) dst(%dma_wait3A_517 : memref<1025x128xf32, #tpu.memory_space<vmem_shared>>)
    %add3A_518 = arith.constant 640 : i32
    %add3A_519 = arith.addi %add3A, %add3A_518 : i32
    %mul3A_520 = arith.constant 128 : i32
    %mul3A_521 = arith.muli %add3A_519, %mul3A_520 : i32
    %dma_start3A_522 = tpu.memref_slice %arg3[%mul3A_521] : memref<100000xi32, #tpu.memory_space<hbm>> -> memref<128xi32, #tpu.memory_space<hbm>>
    %dma_start3A_523 = tpu.memref_slice %arg3[%mul3A_521] : memref<100000xi32, #tpu.memory_space<hbm>> -> memref<128xi32, #tpu.memory_space<hbm>>
    tpu.enqueue_dma source(%dma_start3A_523 : memref<128xi32, #tpu.memory_space<hbm>>) target(%arg6 : memref<128xi32, #tpu.memory_space<vmem>>) target_semaphore(%arg11 : memref<!tpu.dma_semaphore, #tpu.memory_space<semaphore_mem>>)
    %dma_start3A_524 = arith.constant 0 : i32
    %dma_start3A_525 = tpu.memref_slice %arg2[%mul3A_521, %dma_start3A_524] : memref<100000x128xf32, #tpu.memory_space<hbm>> -> memref<128x128xf32, #tpu.memory_space<hbm>>
    %dma_start3A_526 = arith.constant 0 : i32
    %dma_start3A_527 = tpu.memref_slice %arg2[%mul3A_521, %dma_start3A_526] : memref<100000x128xf32, #tpu.memory_space<hbm>> -> memref<128x128xf32, #tpu.memory_space<hbm>>
    tpu.enqueue_dma source(%dma_start3A_527 : memref<128x128xf32, #tpu.memory_space<hbm>>) target(%arg8 : memref<128x128xf32, #tpu.memory_space<vmem>>) target_semaphore(%arg11 : memref<!tpu.dma_semaphore, #tpu.memory_space<semaphore_mem>>)
    %dma_wait3A_528 = arith.constant 0 : i32
    %dma_wait3A_529 = tpu.memref_slice %arg3[%dma_wait3A_528] : memref<100000xi32, #tpu.memory_space<hbm>> -> memref<128xi32, #tpu.memory_space<hbm>>
    %dma_wait3A_530 = arith.constant 0 : i32
    %dma_wait3A_531 = tpu.memref_slice %arg3[%dma_wait3A_530] : memref<100000xi32, #tpu.memory_space<hbm>> -> memref<128xi32, #tpu.memory_space<hbm>>
    tpu.wait_dma2 semaphore(%arg11 : memref<!tpu.dma_semaphore, #tpu.memory_space<semaphore_mem>>) src(%dma_wait3A_531 : memref<128xi32, #tpu.memory_space<hbm>>) dst(%arg6 : memref<128xi32, #tpu.memory_space<vmem>>)
    %dma_wait3A_532 = arith.constant 0 : i32
    %dma_wait3A_533 = arith.constant 0 : i32
    %dma_wait3A_534 = tpu.memref_slice %arg2[%dma_wait3A_532, %dma_wait3A_533] : memref<100000x128xf32, #tpu.memory_space<hbm>> -> memref<128x128xf32, #tpu.memory_space<hbm>>
    %dma_wait3A_535 = arith.constant 0 : i32
    %dma_wait3A_536 = arith.constant 0 : i32
    %dma_wait3A_537 = tpu.memref_slice %arg2[%dma_wait3A_535, %dma_wait3A_536] : memref<100000x128xf32, #tpu.memory_space<hbm>> -> memref<128x128xf32, #tpu.memory_space<hbm>>
    tpu.wait_dma2 semaphore(%arg11 : memref<!tpu.dma_semaphore, #tpu.memory_space<semaphore_mem>>) src(%dma_wait3A_537 : memref<128x128xf32, #tpu.memory_space<hbm>>) dst(%arg8 : memref<128x128xf32, #tpu.memory_space<vmem>>)
    %dma_start3A_538 = arith.constant 0 : i32
    %dma_start3A_539 = arith.constant 0 : i32
    %dma_start3A_540 = tpu.memref_slice %arg10[%dma_start3A_538, %dma_start3A_539] : memref<1025x128xf32, #tpu.memory_space<vmem_shared>> -> memref<1025x128xf32, #tpu.memory_space<vmem_shared>>
    tpu.enqueue_indirect_dma source(%arg8 : memref<128x128xf32, #tpu.memory_space<vmem>>) target(%dma_start3A_540 : memref<1025x128xf32, #tpu.memory_space<vmem_shared>>) offsets(%arg6 : memref<128xi32, #tpu.memory_space<vmem>>) semaphore(%arg13 : memref<!tpu.dma_semaphore, #tpu.memory_space<semaphore_mem>>) {add = true}
    %dma_wait3A_541 = arith.constant 0 : i32
    %dma_wait3A_542 = arith.constant 0 : i32
    %dma_wait3A_543 = tpu.memref_slice %arg10[%dma_wait3A_541, %dma_wait3A_542] : memref<1025x128xf32, #tpu.memory_space<vmem_shared>> -> memref<1025x128xf32, #tpu.memory_space<vmem_shared>>
    tpu.wait_indirect_dma semaphore(%arg14 : memref<!tpu.dma_semaphore, #tpu.memory_space<semaphore_mem>>) src(%arg9 : memref<128x128xf32, #tpu.memory_space<vmem>>) dst(%dma_wait3A_543 : memref<1025x128xf32, #tpu.memory_space<vmem_shared>>)
    %add3A_544 = arith.constant 672 : i32
    %add3A_545 = arith.addi %add3A, %add3A_544 : i32
    %mul3A_546 = arith.constant 128 : i32
    %mul3A_547 = arith.muli %add3A_545, %mul3A_546 : i32
    %dma_start3A_548 = tpu.memref_slice %arg3[%mul3A_547] : memref<100000xi32, #tpu.memory_space<hbm>> -> memref<128xi32, #tpu.memory_space<hbm>>
    %dma_start3A_549 = tpu.memref_slice %arg3[%mul3A_547] : memref<100000xi32, #tpu.memory_space<hbm>> -> memref<128xi32, #tpu.memory_space<hbm>>
    tpu.enqueue_dma source(%dma_start3A_549 : memref<128xi32, #tpu.memory_space<hbm>>) target(%arg7 : memref<128xi32, #tpu.memory_space<vmem>>) target_semaphore(%arg12 : memref<!tpu.dma_semaphore, #tpu.memory_space<semaphore_mem>>)
    %dma_start3A_550 = arith.constant 0 : i32
    %dma_start3A_551 = tpu.memref_slice %arg2[%mul3A_547, %dma_start3A_550] : memref<100000x128xf32, #tpu.memory_space<hbm>> -> memref<128x128xf32, #tpu.memory_space<hbm>>
    %dma_start3A_552 = arith.constant 0 : i32
    %dma_start3A_553 = tpu.memref_slice %arg2[%mul3A_547, %dma_start3A_552] : memref<100000x128xf32, #tpu.memory_space<hbm>> -> memref<128x128xf32, #tpu.memory_space<hbm>>
    tpu.enqueue_dma source(%dma_start3A_553 : memref<128x128xf32, #tpu.memory_space<hbm>>) target(%arg9 : memref<128x128xf32, #tpu.memory_space<vmem>>) target_semaphore(%arg12 : memref<!tpu.dma_semaphore, #tpu.memory_space<semaphore_mem>>)
    %dma_wait3A_554 = arith.constant 0 : i32
    %dma_wait3A_555 = tpu.memref_slice %arg3[%dma_wait3A_554] : memref<100000xi32, #tpu.memory_space<hbm>> -> memref<128xi32, #tpu.memory_space<hbm>>
    %dma_wait3A_556 = arith.constant 0 : i32
    %dma_wait3A_557 = tpu.memref_slice %arg3[%dma_wait3A_556] : memref<100000xi32, #tpu.memory_space<hbm>> -> memref<128xi32, #tpu.memory_space<hbm>>
    tpu.wait_dma2 semaphore(%arg12 : memref<!tpu.dma_semaphore, #tpu.memory_space<semaphore_mem>>) src(%dma_wait3A_557 : memref<128xi32, #tpu.memory_space<hbm>>) dst(%arg7 : memref<128xi32, #tpu.memory_space<vmem>>)
    %dma_wait3A_558 = arith.constant 0 : i32
    %dma_wait3A_559 = arith.constant 0 : i32
    %dma_wait3A_560 = tpu.memref_slice %arg2[%dma_wait3A_558, %dma_wait3A_559] : memref<100000x128xf32, #tpu.memory_space<hbm>> -> memref<128x128xf32, #tpu.memory_space<hbm>>
    %dma_wait3A_561 = arith.constant 0 : i32
    %dma_wait3A_562 = arith.constant 0 : i32
    %dma_wait3A_563 = tpu.memref_slice %arg2[%dma_wait3A_561, %dma_wait3A_562] : memref<100000x128xf32, #tpu.memory_space<hbm>> -> memref<128x128xf32, #tpu.memory_space<hbm>>
    tpu.wait_dma2 semaphore(%arg12 : memref<!tpu.dma_semaphore, #tpu.memory_space<semaphore_mem>>) src(%dma_wait3A_563 : memref<128x128xf32, #tpu.memory_space<hbm>>) dst(%arg9 : memref<128x128xf32, #tpu.memory_space<vmem>>)
    %dma_start3A_564 = arith.constant 0 : i32
    %dma_start3A_565 = arith.constant 0 : i32
    %dma_start3A_566 = tpu.memref_slice %arg10[%dma_start3A_564, %dma_start3A_565] : memref<1025x128xf32, #tpu.memory_space<vmem_shared>> -> memref<1025x128xf32, #tpu.memory_space<vmem_shared>>
    tpu.enqueue_indirect_dma source(%arg9 : memref<128x128xf32, #tpu.memory_space<vmem>>) target(%dma_start3A_566 : memref<1025x128xf32, #tpu.memory_space<vmem_shared>>) offsets(%arg7 : memref<128xi32, #tpu.memory_space<vmem>>) semaphore(%arg14 : memref<!tpu.dma_semaphore, #tpu.memory_space<semaphore_mem>>) {add = true}
    %dma_wait3A_567 = arith.constant 0 : i32
    %dma_wait3A_568 = arith.constant 0 : i32
    %dma_wait3A_569 = tpu.memref_slice %arg10[%dma_wait3A_567, %dma_wait3A_568] : memref<1025x128xf32, #tpu.memory_space<vmem_shared>> -> memref<1025x128xf32, #tpu.memory_space<vmem_shared>>
    tpu.wait_indirect_dma semaphore(%arg13 : memref<!tpu.dma_semaphore, #tpu.memory_space<semaphore_mem>>) src(%arg8 : memref<128x128xf32, #tpu.memory_space<vmem>>) dst(%dma_wait3A_569 : memref<1025x128xf32, #tpu.memory_space<vmem_shared>>)
    %add3A_570 = arith.constant 704 : i32
    %add3A_571 = arith.addi %add3A, %add3A_570 : i32
    %mul3A_572 = arith.constant 128 : i32
    %mul3A_573 = arith.muli %add3A_571, %mul3A_572 : i32
    %dma_start3A_574 = tpu.memref_slice %arg3[%mul3A_573] : memref<100000xi32, #tpu.memory_space<hbm>> -> memref<128xi32, #tpu.memory_space<hbm>>
    %dma_start3A_575 = tpu.memref_slice %arg3[%mul3A_573] : memref<100000xi32, #tpu.memory_space<hbm>> -> memref<128xi32, #tpu.memory_space<hbm>>
    tpu.enqueue_dma source(%dma_start3A_575 : memref<128xi32, #tpu.memory_space<hbm>>) target(%arg6 : memref<128xi32, #tpu.memory_space<vmem>>) target_semaphore(%arg11 : memref<!tpu.dma_semaphore, #tpu.memory_space<semaphore_mem>>)
    %dma_start3A_576 = arith.constant 0 : i32
    %dma_start3A_577 = tpu.memref_slice %arg2[%mul3A_573, %dma_start3A_576] : memref<100000x128xf32, #tpu.memory_space<hbm>> -> memref<128x128xf32, #tpu.memory_space<hbm>>
    %dma_start3A_578 = arith.constant 0 : i32
    %dma_start3A_579 = tpu.memref_slice %arg2[%mul3A_573, %dma_start3A_578] : memref<100000x128xf32, #tpu.memory_space<hbm>> -> memref<128x128xf32, #tpu.memory_space<hbm>>
    tpu.enqueue_dma source(%dma_start3A_579 : memref<128x128xf32, #tpu.memory_space<hbm>>) target(%arg8 : memref<128x128xf32, #tpu.memory_space<vmem>>) target_semaphore(%arg11 : memref<!tpu.dma_semaphore, #tpu.memory_space<semaphore_mem>>)
    %dma_wait3A_580 = arith.constant 0 : i32
    %dma_wait3A_581 = tpu.memref_slice %arg3[%dma_wait3A_580] : memref<100000xi32, #tpu.memory_space<hbm>> -> memref<128xi32, #tpu.memory_space<hbm>>
    %dma_wait3A_582 = arith.constant 0 : i32
    %dma_wait3A_583 = tpu.memref_slice %arg3[%dma_wait3A_582] : memref<100000xi32, #tpu.memory_space<hbm>> -> memref<128xi32, #tpu.memory_space<hbm>>
    tpu.wait_dma2 semaphore(%arg11 : memref<!tpu.dma_semaphore, #tpu.memory_space<semaphore_mem>>) src(%dma_wait3A_583 : memref<128xi32, #tpu.memory_space<hbm>>) dst(%arg6 : memref<128xi32, #tpu.memory_space<vmem>>)
    %dma_wait3A_584 = arith.constant 0 : i32
    %dma_wait3A_585 = arith.constant 0 : i32
    %dma_wait3A_586 = tpu.memref_slice %arg2[%dma_wait3A_584, %dma_wait3A_585] : memref<100000x128xf32, #tpu.memory_space<hbm>> -> memref<128x128xf32, #tpu.memory_space<hbm>>
    %dma_wait3A_587 = arith.constant 0 : i32
    %dma_wait3A_588 = arith.constant 0 : i32
    %dma_wait3A_589 = tpu.memref_slice %arg2[%dma_wait3A_587, %dma_wait3A_588] : memref<100000x128xf32, #tpu.memory_space<hbm>> -> memref<128x128xf32, #tpu.memory_space<hbm>>
    tpu.wait_dma2 semaphore(%arg11 : memref<!tpu.dma_semaphore, #tpu.memory_space<semaphore_mem>>) src(%dma_wait3A_589 : memref<128x128xf32, #tpu.memory_space<hbm>>) dst(%arg8 : memref<128x128xf32, #tpu.memory_space<vmem>>)
    %dma_start3A_590 = arith.constant 0 : i32
    %dma_start3A_591 = arith.constant 0 : i32
    %dma_start3A_592 = tpu.memref_slice %arg10[%dma_start3A_590, %dma_start3A_591] : memref<1025x128xf32, #tpu.memory_space<vmem_shared>> -> memref<1025x128xf32, #tpu.memory_space<vmem_shared>>
    tpu.enqueue_indirect_dma source(%arg8 : memref<128x128xf32, #tpu.memory_space<vmem>>) target(%dma_start3A_592 : memref<1025x128xf32, #tpu.memory_space<vmem_shared>>) offsets(%arg6 : memref<128xi32, #tpu.memory_space<vmem>>) semaphore(%arg13 : memref<!tpu.dma_semaphore, #tpu.memory_space<semaphore_mem>>) {add = true}
    %dma_wait3A_593 = arith.constant 0 : i32
    %dma_wait3A_594 = arith.constant 0 : i32
    %dma_wait3A_595 = tpu.memref_slice %arg10[%dma_wait3A_593, %dma_wait3A_594] : memref<1025x128xf32, #tpu.memory_space<vmem_shared>> -> memref<1025x128xf32, #tpu.memory_space<vmem_shared>>
    tpu.wait_indirect_dma semaphore(%arg14 : memref<!tpu.dma_semaphore, #tpu.memory_space<semaphore_mem>>) src(%arg9 : memref<128x128xf32, #tpu.memory_space<vmem>>) dst(%dma_wait3A_595 : memref<1025x128xf32, #tpu.memory_space<vmem_shared>>)
    %add3A_596 = arith.constant 736 : i32
    %add3A_597 = arith.addi %add3A, %add3A_596 : i32
    %mul3A_598 = arith.constant 128 : i32
    %mul3A_599 = arith.muli %add3A_597, %mul3A_598 : i32
    %dma_start3A_600 = tpu.memref_slice %arg3[%mul3A_599] : memref<100000xi32, #tpu.memory_space<hbm>> -> memref<128xi32, #tpu.memory_space<hbm>>
    %dma_start3A_601 = tpu.memref_slice %arg3[%mul3A_599] : memref<100000xi32, #tpu.memory_space<hbm>> -> memref<128xi32, #tpu.memory_space<hbm>>
    tpu.enqueue_dma source(%dma_start3A_601 : memref<128xi32, #tpu.memory_space<hbm>>) target(%arg7 : memref<128xi32, #tpu.memory_space<vmem>>) target_semaphore(%arg12 : memref<!tpu.dma_semaphore, #tpu.memory_space<semaphore_mem>>)
    %dma_start3A_602 = arith.constant 0 : i32
    %dma_start3A_603 = tpu.memref_slice %arg2[%mul3A_599, %dma_start3A_602] : memref<100000x128xf32, #tpu.memory_space<hbm>> -> memref<128x128xf32, #tpu.memory_space<hbm>>
    %dma_start3A_604 = arith.constant 0 : i32
    %dma_start3A_605 = tpu.memref_slice %arg2[%mul3A_599, %dma_start3A_604] : memref<100000x128xf32, #tpu.memory_space<hbm>> -> memref<128x128xf32, #tpu.memory_space<hbm>>
    tpu.enqueue_dma source(%dma_start3A_605 : memref<128x128xf32, #tpu.memory_space<hbm>>) target(%arg9 : memref<128x128xf32, #tpu.memory_space<vmem>>) target_semaphore(%arg12 : memref<!tpu.dma_semaphore, #tpu.memory_space<semaphore_mem>>)
    %dma_wait3A_606 = arith.constant 0 : i32
    %dma_wait3A_607 = tpu.memref_slice %arg3[%dma_wait3A_606] : memref<100000xi32, #tpu.memory_space<hbm>> -> memref<128xi32, #tpu.memory_space<hbm>>
    %dma_wait3A_608 = arith.constant 0 : i32
    %dma_wait3A_609 = tpu.memref_slice %arg3[%dma_wait3A_608] : memref<100000xi32, #tpu.memory_space<hbm>> -> memref<128xi32, #tpu.memory_space<hbm>>
    tpu.wait_dma2 semaphore(%arg12 : memref<!tpu.dma_semaphore, #tpu.memory_space<semaphore_mem>>) src(%dma_wait3A_609 : memref<128xi32, #tpu.memory_space<hbm>>) dst(%arg7 : memref<128xi32, #tpu.memory_space<vmem>>)
    %dma_wait3A_610 = arith.constant 0 : i32
    %dma_wait3A_611 = arith.constant 0 : i32
    %dma_wait3A_612 = tpu.memref_slice %arg2[%dma_wait3A_610, %dma_wait3A_611] : memref<100000x128xf32, #tpu.memory_space<hbm>> -> memref<128x128xf32, #tpu.memory_space<hbm>>
    %dma_wait3A_613 = arith.constant 0 : i32
    %dma_wait3A_614 = arith.constant 0 : i32
    %dma_wait3A_615 = tpu.memref_slice %arg2[%dma_wait3A_613, %dma_wait3A_614] : memref<100000x128xf32, #tpu.memory_space<hbm>> -> memref<128x128xf32, #tpu.memory_space<hbm>>
    tpu.wait_dma2 semaphore(%arg12 : memref<!tpu.dma_semaphore, #tpu.memory_space<semaphore_mem>>) src(%dma_wait3A_615 : memref<128x128xf32, #tpu.memory_space<hbm>>) dst(%arg9 : memref<128x128xf32, #tpu.memory_space<vmem>>)
    %dma_start3A_616 = arith.constant 0 : i32
    %dma_start3A_617 = arith.constant 0 : i32
    %dma_start3A_618 = tpu.memref_slice %arg10[%dma_start3A_616, %dma_start3A_617] : memref<1025x128xf32, #tpu.memory_space<vmem_shared>> -> memref<1025x128xf32, #tpu.memory_space<vmem_shared>>
    tpu.enqueue_indirect_dma source(%arg9 : memref<128x128xf32, #tpu.memory_space<vmem>>) target(%dma_start3A_618 : memref<1025x128xf32, #tpu.memory_space<vmem_shared>>) offsets(%arg7 : memref<128xi32, #tpu.memory_space<vmem>>) semaphore(%arg14 : memref<!tpu.dma_semaphore, #tpu.memory_space<semaphore_mem>>) {add = true}
    %dma_wait3A_619 = arith.constant 0 : i32
    %dma_wait3A_620 = arith.constant 0 : i32
    %dma_wait3A_621 = tpu.memref_slice %arg10[%dma_wait3A_619, %dma_wait3A_620] : memref<1025x128xf32, #tpu.memory_space<vmem_shared>> -> memref<1025x128xf32, #tpu.memory_space<vmem_shared>>
    tpu.wait_indirect_dma semaphore(%arg13 : memref<!tpu.dma_semaphore, #tpu.memory_space<semaphore_mem>>) src(%arg8 : memref<128x128xf32, #tpu.memory_space<vmem>>) dst(%dma_wait3A_621 : memref<1025x128xf32, #tpu.memory_space<vmem_shared>>)
    %dma_wait3A_622 = arith.constant 0 : i32
    %dma_wait3A_623 = arith.constant 0 : i32
    %dma_wait3A_624 = tpu.memref_slice %arg10[%dma_wait3A_622, %dma_wait3A_623] : memref<1025x128xf32, #tpu.memory_space<vmem_shared>> -> memref<1025x128xf32, #tpu.memory_space<vmem_shared>>
    tpu.wait_indirect_dma semaphore(%arg14 : memref<!tpu.dma_semaphore, #tpu.memory_space<semaphore_mem>>) src(%arg9 : memref<128x128xf32, #tpu.memory_space<vmem>>) dst(%dma_wait3A_624 : memref<1025x128xf32, #tpu.memory_space<vmem_shared>>)
    %lt3A = arith.constant 14 : i32
    %lt3A_625 = arith.cmpi slt, %add3A, %lt3A : i32
    %convert_element_type3A = arith.extui %lt3A_625 : i1 to i32
    %cond3A = arith.constant 0 : i32
    %cond3A_626 = arith.cmpi ne, %convert_element_type3A, %cond3A : i32
    scf.if %cond3A_626 {
      %eq3A = arith.constant 13 : i32
      %eq3A_632 = arith.cmpi eq, %add3A, %eq3A : i32
      %add3A_633 = arith.constant 768 : i32
      %add3A_634 = arith.addi %add3A, %add3A_633 : i32
      %mul3A_635 = arith.constant 128 : i32
      %mul3A_636 = arith.muli %add3A_634, %mul3A_635 : i32
      %jit3A = arith.constant 99872 : i32
      %select_n3A = arith.select %eq3A_632, %jit3A, %mul3A_636 : i32
      %jit3A_637 = arith.constant 96 : i32
      %jit3A_638 = arith.constant 0 : i32
      %select_n3A_639 = arith.select %eq3A_632, %jit3A_637, %jit3A_638 : i32
      "tpu.region"() ({
        %run_scoped3A = tpu.sem_alloc : memref<!tpu.dma_semaphore, #tpu.memory_space<semaphore_mem>>
        %dma_start3A_764 = tpu.memref_slice %arg3[%select_n3A] : memref<100000xi32, #tpu.memory_space<hbm>> -> memref<128xi32, #tpu.memory_space<hbm>>
        %dma_start3A_765 = tpu.memref_slice %arg3[%select_n3A] : memref<100000xi32, #tpu.memory_space<hbm>> -> memref<128xi32, #tpu.memory_space<hbm>>
        tpu.enqueue_dma source(%dma_start3A_765 : memref<128xi32, #tpu.memory_space<hbm>>) target(%arg6 : memref<128xi32, #tpu.memory_space<vmem>>) target_semaphore(%run_scoped3A : memref<!tpu.dma_semaphore, #tpu.memory_space<semaphore_mem>>)
        %dma_wait3A_766 = tpu.memref_slice %arg3[%select_n3A] : memref<100000xi32, #tpu.memory_space<hbm>> -> memref<128xi32, #tpu.memory_space<hbm>>
        %dma_wait3A_767 = tpu.memref_slice %arg3[%select_n3A] : memref<100000xi32, #tpu.memory_space<hbm>> -> memref<128xi32, #tpu.memory_space<hbm>>
        tpu.wait_dma2 semaphore(%run_scoped3A : memref<!tpu.dma_semaphore, #tpu.memory_space<semaphore_mem>>) src(%dma_wait3A_767 : memref<128xi32, #tpu.memory_space<hbm>>) dst(%arg6 : memref<128xi32, #tpu.memory_space<vmem>>)
        tpu.yield
      }) : () -> ()
      "tpu.region"() ({
        %run_scoped3A = tpu.sem_alloc : memref<!tpu.dma_semaphore, #tpu.memory_space<semaphore_mem>>
        %dma_start3A_764 = arith.constant 0 : i32
        %dma_start3A_765 = tpu.memref_slice %arg2[%select_n3A, %dma_start3A_764] : memref<100000x128xf32, #tpu.memory_space<hbm>> -> memref<128x128xf32, #tpu.memory_space<hbm>>
        %dma_start3A_766 = arith.constant 0 : i32
        %dma_start3A_767 = tpu.memref_slice %arg2[%select_n3A, %dma_start3A_766] : memref<100000x128xf32, #tpu.memory_space<hbm>> -> memref<128x128xf32, #tpu.memory_space<hbm>>
        tpu.enqueue_dma source(%dma_start3A_767 : memref<128x128xf32, #tpu.memory_space<hbm>>) target(%arg8 : memref<128x128xf32, #tpu.memory_space<vmem>>) target_semaphore(%run_scoped3A : memref<!tpu.dma_semaphore, #tpu.memory_space<semaphore_mem>>)
        %dma_wait3A_768 = arith.constant 0 : i32
        %dma_wait3A_769 = tpu.memref_slice %arg2[%select_n3A, %dma_wait3A_768] : memref<100000x128xf32, #tpu.memory_space<hbm>> -> memref<128x128xf32, #tpu.memory_space<hbm>>
        %dma_wait3A_770 = arith.constant 0 : i32
        %dma_wait3A_771 = tpu.memref_slice %arg2[%select_n3A, %dma_wait3A_770] : memref<100000x128xf32, #tpu.memory_space<hbm>> -> memref<128x128xf32, #tpu.memory_space<hbm>>
        tpu.wait_dma2 semaphore(%run_scoped3A : memref<!tpu.dma_semaphore, #tpu.memory_space<semaphore_mem>>) src(%dma_wait3A_771 : memref<128x128xf32, #tpu.memory_space<hbm>>) dst(%arg8 : memref<128x128xf32, #tpu.memory_space<vmem>>)
        tpu.yield
      }) : () -> ()
      %get3A = arith.constant 0 : index
      %get3A_640 = tpu.vector_load %arg6[%get3A] {strides = array<i32>} : memref<128xi32, #tpu.memory_space<vmem>>, vector<16xi32>,
      %get3A_641 = vector.shape_cast %get3A_640 : vector<16xi32> to vector<16xi32>
      %iota3A = tpu.iota {dimensions = array<i32: 0>} : vector<16xi32>
      %add3A_642 = arith.constant 0 : i32
      %add3A_643 = vector.broadcast %add3A_642 : i32 to vector<16xi32>
      %add3A_644 = arith.addi %iota3A, %add3A_643 : vector<16xi32>
      %lt3A_645 = vector.broadcast %select_n3A_639 : i32 to vector<16xi32>
      %lt3A_646 = arith.cmpi slt, %add3A_644, %lt3A_645 : vector<16xi32>
      %jit3A_647 = arith.constant 1024 : i32
      %broadcast_in_dim3A = vector.broadcast %jit3A_647 : i32 to vector<16xi32>
      %select_n3A_648 = arith.select %lt3A_646, %broadcast_in_dim3A, %get3A_641 : vector<16xi1>, vector<16xi32>
      %swap3A = arith.constant 0 : index
      %swap3A_649 = tpu.vector_load %arg6[%swap3A] {strides = array<i32>} : memref<128xi32, #tpu.memory_space<vmem>>, vector<16xi32>,
      %swap3A_650 = vector.shape_cast %swap3A_649 : vector<16xi32> to vector<16xi32>
      %swap3A_651 = vector.shape_cast %select_n3A_648 : vector<16xi32> to vector<16xi32>
      tpu.vector_store %arg6[%swap3A], %swap3A_651 {strides = array<i32>} : memref<128xi32, #tpu.memory_space<vmem>>, vector<16xi32>,
      %get3A_652 = arith.constant 16 : index
      %get3A_653 = tpu.vector_load %arg6[%get3A_652] {strides = array<i32>} : memref<128xi32, #tpu.memory_space<vmem>>, vector<16xi32>,
      %get3A_654 = vector.shape_cast %get3A_653 : vector<16xi32> to vector<16xi32>
      %iota3A_655 = tpu.iota {dimensions = array<i32: 0>} : vector<16xi32>
      %add3A_656 = arith.constant 16 : i32
      %add3A_657 = vector.broadcast %add3A_656 : i32 to vector<16xi32>
      %add3A_658 = arith.addi %iota3A_655, %add3A_657 : vector<16xi32>
      %lt3A_659 = vector.broadcast %select_n3A_639 : i32 to vector<16xi32>
      %lt3A_660 = arith.cmpi slt, %add3A_658, %lt3A_659 : vector<16xi32>
      %jit3A_661 = arith.constant 1024 : i32
      %broadcast_in_dim3A_662 = vector.broadcast %jit3A_661 : i32 to vector<16xi32>
      %select_n3A_663 = arith.select %lt3A_660, %broadcast_in_dim3A_662, %get3A_654 : vector<16xi1>, vector<16xi32>
      %swap3A_664 = arith.constant 16 : index
      %swap3A_665 = tpu.vector_load %arg6[%swap3A_664] {strides = array<i32>} : memref<128xi32, #tpu.memory_space<vmem>>, vector<16xi32>,
      %swap3A_666 = vector.shape_cast %swap3A_665 : vector<16xi32> to vector<16xi32>
      %swap3A_667 = vector.shape_cast %select_n3A_663 : vector<16xi32> to vector<16xi32>
      tpu.vector_store %arg6[%swap3A_664], %swap3A_667 {strides = array<i32>} : memref<128xi32, #tpu.memory_space<vmem>>, vector<16xi32>,
      %get3A_668 = arith.constant 32 : index
      %get3A_669 = tpu.vector_load %arg6[%get3A_668] {strides = array<i32>} : memref<128xi32, #tpu.memory_space<vmem>>, vector<16xi32>,
      %get3A_670 = vector.shape_cast %get3A_669 : vector<16xi32> to vector<16xi32>
      %iota3A_671 = tpu.iota {dimensions = array<i32: 0>} : vector<16xi32>
      %add3A_672 = arith.constant 32 : i32
      %add3A_673 = vector.broadcast %add3A_672 : i32 to vector<16xi32>
      %add3A_674 = arith.addi %iota3A_671, %add3A_673 : vector<16xi32>
      %lt3A_675 = vector.broadcast %select_n3A_639 : i32 to vector<16xi32>
      %lt3A_676 = arith.cmpi slt, %add3A_674, %lt3A_675 : vector<16xi32>
      %jit3A_677 = arith.constant 1024 : i32
      %broadcast_in_dim3A_678 = vector.broadcast %jit3A_677 : i32 to vector<16xi32>
      %select_n3A_679 = arith.select %lt3A_676, %broadcast_in_dim3A_678, %get3A_670 : vector<16xi1>, vector<16xi32>
      %swap3A_680 = arith.constant 32 : index
      %swap3A_681 = tpu.vector_load %arg6[%swap3A_680] {strides = array<i32>} : memref<128xi32, #tpu.memory_space<vmem>>, vector<16xi32>,
      %swap3A_682 = vector.shape_cast %swap3A_681 : vector<16xi32> to vector<16xi32>
      %swap3A_683 = vector.shape_cast %select_n3A_679 : vector<16xi32> to vector<16xi32>
      tpu.vector_store %arg6[%swap3A_680], %swap3A_683 {strides = array<i32>} : memref<128xi32, #tpu.memory_space<vmem>>, vector<16xi32>,
      %get3A_684 = arith.constant 48 : index
      %get3A_685 = tpu.vector_load %arg6[%get3A_684] {strides = array<i32>} : memref<128xi32, #tpu.memory_space<vmem>>, vector<16xi32>,
      %get3A_686 = vector.shape_cast %get3A_685 : vector<16xi32> to vector<16xi32>
      %iota3A_687 = tpu.iota {dimensions = array<i32: 0>} : vector<16xi32>
      %add3A_688 = arith.constant 48 : i32
      %add3A_689 = vector.broadcast %add3A_688 : i32 to vector<16xi32>
      %add3A_690 = arith.addi %iota3A_687, %add3A_689 : vector<16xi32>
      %lt3A_691 = vector.broadcast %select_n3A_639 : i32 to vector<16xi32>
      %lt3A_692 = arith.cmpi slt, %add3A_690, %lt3A_691 : vector<16xi32>
      %jit3A_693 = arith.constant 1024 : i32
      %broadcast_in_dim3A_694 = vector.broadcast %jit3A_693 : i32 to vector<16xi32>
      %select_n3A_695 = arith.select %lt3A_692, %broadcast_in_dim3A_694, %get3A_686 : vector<16xi1>, vector<16xi32>
      %swap3A_696 = arith.constant 48 : index
      %swap3A_697 = tpu.vector_load %arg6[%swap3A_696] {strides = array<i32>} : memref<128xi32, #tpu.memory_space<vmem>>, vector<16xi32>,
      %swap3A_698 = vector.shape_cast %swap3A_697 : vector<16xi32> to vector<16xi32>
      %swap3A_699 = vector.shape_cast %select_n3A_695 : vector<16xi32> to vector<16xi32>
      tpu.vector_store %arg6[%swap3A_696], %swap3A_699 {strides = array<i32>} : memref<128xi32, #tpu.memory_space<vmem>>, vector<16xi32>,
      %get3A_700 = arith.constant 64 : index
      %get3A_701 = tpu.vector_load %arg6[%get3A_700] {strides = array<i32>} : memref<128xi32, #tpu.memory_space<vmem>>, vector<16xi32>,
      %get3A_702 = vector.shape_cast %get3A_701 : vector<16xi32> to vector<16xi32>
      %iota3A_703 = tpu.iota {dimensions = array<i32: 0>} : vector<16xi32>
      %add3A_704 = arith.constant 64 : i32
      %add3A_705 = vector.broadcast %add3A_704 : i32 to vector<16xi32>
      %add3A_706 = arith.addi %iota3A_703, %add3A_705 : vector<16xi32>
      %lt3A_707 = vector.broadcast %select_n3A_639 : i32 to vector<16xi32>
      %lt3A_708 = arith.cmpi slt, %add3A_706, %lt3A_707 : vector<16xi32>
      %jit3A_709 = arith.constant 1024 : i32
      %broadcast_in_dim3A_710 = vector.broadcast %jit3A_709 : i32 to vector<16xi32>
      %select_n3A_711 = arith.select %lt3A_708, %broadcast_in_dim3A_710, %get3A_702 : vector<16xi1>, vector<16xi32>
      %swap3A_712 = arith.constant 64 : index
      %swap3A_713 = tpu.vector_load %arg6[%swap3A_712] {strides = array<i32>} : memref<128xi32, #tpu.memory_space<vmem>>, vector<16xi32>,
      %swap3A_714 = vector.shape_cast %swap3A_713 : vector<16xi32> to vector<16xi32>
      %swap3A_715 = vector.shape_cast %select_n3A_711 : vector<16xi32> to vector<16xi32>
      tpu.vector_store %arg6[%swap3A_712], %swap3A_715 {strides = array<i32>} : memref<128xi32, #tpu.memory_space<vmem>>, vector<16xi32>,
      %get3A_716 = arith.constant 80 : index
      %get3A_717 = tpu.vector_load %arg6[%get3A_716] {strides = array<i32>} : memref<128xi32, #tpu.memory_space<vmem>>, vector<16xi32>,
      %get3A_718 = vector.shape_cast %get3A_717 : vector<16xi32> to vector<16xi32>
      %iota3A_719 = tpu.iota {dimensions = array<i32: 0>} : vector<16xi32>
      %add3A_720 = arith.constant 80 : i32
      %add3A_721 = vector.broadcast %add3A_720 : i32 to vector<16xi32>
      %add3A_722 = arith.addi %iota3A_719, %add3A_721 : vector<16xi32>
      %lt3A_723 = vector.broadcast %select_n3A_639 : i32 to vector<16xi32>
      %lt3A_724 = arith.cmpi slt, %add3A_722, %lt3A_723 : vector<16xi32>
      %jit3A_725 = arith.constant 1024 : i32
      %broadcast_in_dim3A_726 = vector.broadcast %jit3A_725 : i32 to vector<16xi32>
      %select_n3A_727 = arith.select %lt3A_724, %broadcast_in_dim3A_726, %get3A_718 : vector<16xi1>, vector<16xi32>
      %swap3A_728 = arith.constant 80 : index
      %swap3A_729 = tpu.vector_load %arg6[%swap3A_728] {strides = array<i32>} : memref<128xi32, #tpu.memory_space<vmem>>, vector<16xi32>,
      %swap3A_730 = vector.shape_cast %swap3A_729 : vector<16xi32> to vector<16xi32>
      %swap3A_731 = vector.shape_cast %select_n3A_727 : vector<16xi32> to vector<16xi32>
      tpu.vector_store %arg6[%swap3A_728], %swap3A_731 {strides = array<i32>} : memref<128xi32, #tpu.memory_space<vmem>>, vector<16xi32>,
      %get3A_732 = arith.constant 96 : index
      %get3A_733 = tpu.vector_load %arg6[%get3A_732] {strides = array<i32>} : memref<128xi32, #tpu.memory_space<vmem>>, vector<16xi32>,
      %get3A_734 = vector.shape_cast %get3A_733 : vector<16xi32> to vector<16xi32>
      %iota3A_735 = tpu.iota {dimensions = array<i32: 0>} : vector<16xi32>
      %add3A_736 = arith.constant 96 : i32
      %add3A_737 = vector.broadcast %add3A_736 : i32 to vector<16xi32>
      %add3A_738 = arith.addi %iota3A_735, %add3A_737 : vector<16xi32>
      %lt3A_739 = vector.broadcast %select_n3A_639 : i32 to vector<16xi32>
      %lt3A_740 = arith.cmpi slt, %add3A_738, %lt3A_739 : vector<16xi32>
      %jit3A_741 = arith.constant 1024 : i32
      %broadcast_in_dim3A_742 = vector.broadcast %jit3A_741 : i32 to vector<16xi32>
      %select_n3A_743 = arith.select %lt3A_740, %broadcast_in_dim3A_742, %get3A_734 : vector<16xi1>, vector<16xi32>
      %swap3A_744 = arith.constant 96 : index
      %swap3A_745 = tpu.vector_load %arg6[%swap3A_744] {strides = array<i32>} : memref<128xi32, #tpu.memory_space<vmem>>, vector<16xi32>,
      %swap3A_746 = vector.shape_cast %swap3A_745 : vector<16xi32> to vector<16xi32>
      %swap3A_747 = vector.shape_cast %select_n3A_743 : vector<16xi32> to vector<16xi32>
      tpu.vector_store %arg6[%swap3A_744], %swap3A_747 {strides = array<i32>} : memref<128xi32, #tpu.memory_space<vmem>>, vector<16xi32>,
      %get3A_748 = arith.constant 112 : index
      %get3A_749 = tpu.vector_load %arg6[%get3A_748] {strides = array<i32>} : memref<128xi32, #tpu.memory_space<vmem>>, vector<16xi32>,
      %get3A_750 = vector.shape_cast %get3A_749 : vector<16xi32> to vector<16xi32>
      %iota3A_751 = tpu.iota {dimensions = array<i32: 0>} : vector<16xi32>
      %add3A_752 = arith.constant 112 : i32
      %add3A_753 = vector.broadcast %add3A_752 : i32 to vector<16xi32>
      %add3A_754 = arith.addi %iota3A_751, %add3A_753 : vector<16xi32>
      %lt3A_755 = vector.broadcast %select_n3A_639 : i32 to vector<16xi32>
      %lt3A_756 = arith.cmpi slt, %add3A_754, %lt3A_755 : vector<16xi32>
      %jit3A_757 = arith.constant 1024 : i32
      %broadcast_in_dim3A_758 = vector.broadcast %jit3A_757 : i32 to vector<16xi32>
      %select_n3A_759 = arith.select %lt3A_756, %broadcast_in_dim3A_758, %get3A_750 : vector<16xi1>, vector<16xi32>
      %swap3A_760 = arith.constant 112 : index
      %swap3A_761 = tpu.vector_load %arg6[%swap3A_760] {strides = array<i32>} : memref<128xi32, #tpu.memory_space<vmem>>, vector<16xi32>,
      %swap3A_762 = vector.shape_cast %swap3A_761 : vector<16xi32> to vector<16xi32>
      %swap3A_763 = vector.shape_cast %select_n3A_759 : vector<16xi32> to vector<16xi32>
      tpu.vector_store %arg6[%swap3A_760], %swap3A_763 {strides = array<i32>} : memref<128xi32, #tpu.memory_space<vmem>>, vector<16xi32>,
      "tpu.region"() ({
        %run_scoped3A = tpu.sem_alloc : memref<!tpu.dma_semaphore, #tpu.memory_space<semaphore_mem>>
        %dma_start3A_764 = arith.constant 0 : i32
        %dma_start3A_765 = arith.constant 0 : i32
        %dma_start3A_766 = tpu.memref_slice %arg10[%dma_start3A_764, %dma_start3A_765] : memref<1025x128xf32, #tpu.memory_space<vmem_shared>> -> memref<1025x128xf32, #tpu.memory_space<vmem_shared>>
        tpu.enqueue_indirect_dma source(%arg8 : memref<128x128xf32, #tpu.memory_space<vmem>>) target(%dma_start3A_766 : memref<1025x128xf32, #tpu.memory_space<vmem_shared>>) offsets(%arg6 : memref<128xi32, #tpu.memory_space<vmem>>) semaphore(%run_scoped3A : memref<!tpu.dma_semaphore, #tpu.memory_space<semaphore_mem>>) {add = true}
        %dma_wait3A_767 = arith.constant 0 : i32
        %dma_wait3A_768 = arith.constant 0 : i32
        %dma_wait3A_769 = tpu.memref_slice %arg10[%dma_wait3A_767, %dma_wait3A_768] : memref<1025x128xf32, #tpu.memory_space<vmem_shared>> -> memref<1025x128xf32, #tpu.memory_space<vmem_shared>>
        tpu.wait_indirect_dma semaphore(%run_scoped3A : memref<!tpu.dma_semaphore, #tpu.memory_space<semaphore_mem>>) src(%arg8 : memref<128x128xf32, #tpu.memory_space<vmem>>) dst(%dma_wait3A_769 : memref<1025x128xf32, #tpu.memory_space<vmem_shared>>)
        tpu.yield
      }) : () -> ()
    } else {
    }
    %barrier3A_627 = arith.constant 0 : index
    tpu.barrier barrier_id(%barrier3A_627)
    %mul3A_628 = arith.constant 64 : i32
    %mul3A_629 = arith.muli %arg1, %mul3A_628 : i32
    %mul3A_630 = arith.constant 64 : i32
    %mul3A_631 = arith.muli %arg1, %mul3A_630 : i32
    "tpu.region"() ({
      %run_scoped3A = tpu.sem_alloc : memref<!tpu.dma_semaphore, #tpu.memory_space<semaphore_mem>>
      %dma_start3A_632 = arith.constant 0 : i32
      %dma_start3A_633 = arith.constant 0 : i32
      %dma_start3A_634 = tpu.memref_slice %arg5[%arg0, %dma_start3A_632, %dma_start3A_633] : memref<2x1024x128xf32, #tpu.memory_space<hbm>> -> memref<1x1024x128xf32, #tpu.memory_space<hbm>>
      %dma_start3A_635 = tpu.memref_squeeze %dma_start3A_634 : memref<1x1024x128xf32, #tpu.memory_space<hbm>> -> memref<1024x128xf32, #tpu.memory_space<hbm>>
      %dma_start3A_636 = arith.constant 0 : i32
      %dma_start3A_637 = tpu.memref_slice %dma_start3A_635[%mul3A_631, %dma_start3A_636] : memref<1024x128xf32, #tpu.memory_space<hbm>> -> memref<64x128xf32, #tpu.memory_space<hbm>>
      %dma_start3A_638 = arith.constant 0 : i32
      %dma_start3A_639 = tpu.memref_slice %arg10[%mul3A_629, %dma_start3A_638] : memref<1025x128xf32, #tpu.memory_space<vmem_shared>> -> memref<64x128xf32, #tpu.memory_space<vmem_shared>>
      tpu.enqueue_dma source(%dma_start3A_639 : memref<64x128xf32, #tpu.memory_space<vmem_shared>>) target(%dma_start3A_637 : memref<64x128xf32, #tpu.memory_space<hbm>>) target_semaphore(%run_scoped3A : memref<!tpu.dma_semaphore, #tpu.memory_space<semaphore_mem>>)
      %dma_wait3A_640 = arith.constant 0 : i32
      %dma_wait3A_641 = arith.constant 0 : i32
      %dma_wait3A_642 = tpu.memref_slice %arg5[%arg0, %dma_wait3A_640, %dma_wait3A_641] : memref<2x1024x128xf32, #tpu.memory_space<hbm>> -> memref<1x1024x128xf32, #tpu.memory_space<hbm>>
      %dma_wait3A_643 = tpu.memref_squeeze %dma_wait3A_642 : memref<1x1024x128xf32, #tpu.memory_space<hbm>> -> memref<1024x128xf32, #tpu.memory_space<hbm>>
      %dma_wait3A_644 = arith.constant 0 : i32
      %dma_wait3A_645 = tpu.memref_slice %dma_wait3A_643[%mul3A_631, %dma_wait3A_644] : memref<1024x128xf32, #tpu.memory_space<hbm>> -> memref<64x128xf32, #tpu.memory_space<hbm>>
      %dma_wait3A_646 = arith.constant 0 : i32
      %dma_wait3A_647 = tpu.memref_slice %arg10[%mul3A_629, %dma_wait3A_646] : memref<1025x128xf32, #tpu.memory_space<vmem_shared>> -> memref<64x128xf32, #tpu.memory_space<vmem_shared>>
      tpu.wait_dma2 semaphore(%run_scoped3A : memref<!tpu.dma_semaphore, #tpu.memory_space<semaphore_mem>>) src(%dma_wait3A_647 : memref<64x128xf32, #tpu.memory_space<vmem_shared>>) dst(%dma_wait3A_645 : memref<64x128xf32, #tpu.memory_space<hbm>>)
      tpu.yield
    }) : () -> ()
    return
  }
}

module attributes {stable_mosaic.version = 14 : i64} {
  func.func @_node_mlp_body(%arg0: i32, %arg1: memref<10000x128xf32, #tpu.memory_space<vmem>>, %arg2: memref<1x1x10000xi32, #tpu.memory_space<vmem>>, %arg3: memref<128x64xf32, #tpu.memory_space<vmem>>, %arg4: memref<1x64xf32, #tpu.memory_space<vmem>>, %arg5: memref<64x64xf32, #tpu.memory_space<vmem>>, %arg6: memref<1x64xf32, #tpu.memory_space<vmem>>, %arg7: memref<1024x64xf32, #tpu.memory_space<vmem>>, %arg8: memref<1024x1xf32, #tpu.memory_space<vmem>>, %arg9: memref<1024x64xf32, #tpu.memory_space<vmem>>, %arg10: memref<1024x1xf32, #tpu.memory_space<vmem>>) attributes {dimension_semantics = [#tpu.dimension_semantics<arbitrary>], iteration_bounds = array<i64: 10>, scalar_prefetch = 0 : i64, scratch_operands = 2 : i64, tpu.core_type = #tpu.core_type<tc>, window_params = [{transform_indices = @transform_0, window_bounds = array<i64: 10000, 128>}, {transform_indices = @transform_1, window_bounds = array<i64: 1, 1, 10000>}, {pipeline_mode = #tpu.pipeline_mode<synchronous>, transform_indices = @transform_2, window_bounds = array<i64: 128, 64>}, {pipeline_mode = #tpu.pipeline_mode<synchronous>, transform_indices = @transform_3, window_bounds = array<i64: 1, 64>}, {pipeline_mode = #tpu.pipeline_mode<synchronous>, transform_indices = @transform_4, window_bounds = array<i64: 64, 64>}, {pipeline_mode = #tpu.pipeline_mode<synchronous>, transform_indices = @transform_5, window_bounds = array<i64: 1, 64>}, {pipeline_mode = #tpu.pipeline_mode<synchronous>, transform_indices = @transform_6, window_bounds = array<i64: 1024, 64>}, {pipeline_mode = #tpu.pipeline_mode<synchronous>, transform_indices = @transform_7, window_bounds = array<i64: 1024, 1>}]} {
    %eq3A = arith.constant 0 : i32
    %eq3A_0 = arith.cmpi eq, %arg0, %eq3A : i32
    %convert_element_type3A = arith.extui %eq3A_0 : i1 to i32
    %cond3A = arith.constant 0 : i32
    %cond3A_1 = arith.cmpi ne, %convert_element_type3A, %cond3A : i32
    scf.if %cond3A_1 {
      %broadcast_in_dim3A = arith.constant 0.000000e+00 : f32
      %broadcast_in_dim3A_111 = vector.broadcast %broadcast_in_dim3A : f32 to vector<1024x64xf32>
      %swap3A = arith.constant 0 : index
      %swap3A_112 = arith.constant 0 : index
      %swap3A_113 = vector.load %arg9[%swap3A, %swap3A_112] : memref<1024x64xf32, #tpu.memory_space<vmem>>, vector<1024x64xf32>
      tpu.vector_store %arg9[%swap3A, %swap3A_112], %broadcast_in_dim3A_111 {strides = array<i32>} : memref<1024x64xf32, #tpu.memory_space<vmem>>, vector<1024x64xf32>,
      %broadcast_in_dim3A_114 = arith.constant 0.000000e+00 : f32
      %broadcast_in_dim3A_115 = vector.broadcast %broadcast_in_dim3A_114 : f32 to vector<1024x1xf32>
      %swap3A_116 = arith.constant 0 : index
      %swap3A_117 = arith.constant 0 : index
      %swap3A_118 = vector.load %arg10[%swap3A_116, %swap3A_117] : memref<1024x1xf32, #tpu.memory_space<vmem>>, vector<1024x1xf32>
      tpu.vector_store %arg10[%swap3A_116, %swap3A_117], %broadcast_in_dim3A_115 {strides = array<i32>} : memref<1024x1xf32, #tpu.memory_space<vmem>>, vector<1024x1xf32>,
    } else {
    }
    %get3A = arith.constant 0 : index
    %get3A_2 = arith.constant 0 : index
    %get3A_3 = vector.load %arg1[%get3A, %get3A_2] : memref<10000x128xf32, #tpu.memory_space<vmem>>, vector<10000x128xf32>
    %get3A_4 = arith.constant 0 : index
    %get3A_5 = arith.constant 0 : index
    %get3A_6 = vector.load %arg3[%get3A_4, %get3A_5] : memref<128x64xf32, #tpu.memory_space<vmem>>, vector<128x64xf32>
    %dot_general3A = arith.constant dense<0.000000e+00> : vector<10000x64xf32>
    %dot_general3A_7 = tpu.matmul %get3A_3, %get3A_6, %dot_general3A {dimension_numbers = #tpu.dot_dimension_numbers<[1], [0], [0], [1], [0, 0, 1, 1], [], []>, transpose_lhs_hint = false} : vector<10000x128xf32>, vector<128x64xf32>, vector<10000x64xf32> -> vector<10000x64xf32>
    %get3A_8 = arith.constant 0 : index
    %get3A_9 = arith.constant 0 : index
    %get3A_10 = vector.load %arg4[%get3A_8, %get3A_9] : memref<1x64xf32, #tpu.memory_space<vmem>>, vector<1x64xf32>
    %add3A = vector.broadcast %get3A_10 : vector<1x64xf32> to vector<10000x64xf32>
    %add3A_11 = arith.addf %dot_general3A_7, %add3A : vector<10000x64xf32>
    %mul3A = arith.constant 5.000000e-01 : f32
    %mul3A_12 = vector.broadcast %mul3A : f32 to vector<10000x64xf32>
    %mul3A_13 = arith.mulf %mul3A_12, %add3A_11 : vector<10000x64xf32>
    %tanh3A = math.tanh %mul3A_13 : vector<10000x64xf32>
    %mul3A_14 = arith.constant 5.000000e-01 : f32
    %mul3A_15 = vector.broadcast %mul3A_14 : f32 to vector<10000x64xf32>
    %mul3A_16 = arith.mulf %mul3A_15, %tanh3A : vector<10000x64xf32>
    %add3A_17 = arith.constant 5.000000e-01 : f32
    %add3A_18 = vector.broadcast %add3A_17 : f32 to vector<10000x64xf32>
    %add3A_19 = arith.addf %mul3A_16, %add3A_18 : vector<10000x64xf32>
    %mul3A_20 = arith.mulf %add3A_11, %add3A_19 : vector<10000x64xf32>
    %get3A_21 = arith.constant 0 : index
    %get3A_22 = arith.constant 0 : index
    %get3A_23 = vector.load %arg5[%get3A_21, %get3A_22] : memref<64x64xf32, #tpu.memory_space<vmem>>, vector<64x64xf32>
    %dot_general3A_24 = arith.constant dense<0.000000e+00> : vector<10000x64xf32>
    %dot_general3A_25 = tpu.matmul %mul3A_20, %get3A_23, %dot_general3A_24 {dimension_numbers = #tpu.dot_dimension_numbers<[1], [0], [0], [1], [0, 0, 1, 1], [], []>, transpose_lhs_hint = false} : vector<10000x64xf32>, vector<64x64xf32>, vector<10000x64xf32> -> vector<10000x64xf32>
    %get3A_26 = arith.constant 0 : index
    %get3A_27 = arith.constant 0 : index
    %get3A_28 = vector.load %arg6[%get3A_26, %get3A_27] : memref<1x64xf32, #tpu.memory_space<vmem>>, vector<1x64xf32>
    %add3A_29 = vector.broadcast %get3A_28 : vector<1x64xf32> to vector<10000x64xf32>
    %add3A_30 = arith.addf %dot_general3A_25, %add3A_29 : vector<10000x64xf32>
    %mul3A_31 = arith.constant 5.000000e-01 : f32
    %mul3A_32 = vector.broadcast %mul3A_31 : f32 to vector<10000x64xf32>
    %mul3A_33 = arith.mulf %mul3A_32, %add3A_30 : vector<10000x64xf32>
    %tanh3A_34 = math.tanh %mul3A_33 : vector<10000x64xf32>
    %mul3A_35 = arith.constant 5.000000e-01 : f32
    %mul3A_36 = vector.broadcast %mul3A_35 : f32 to vector<10000x64xf32>
    %mul3A_37 = arith.mulf %mul3A_36, %tanh3A_34 : vector<10000x64xf32>
    %add3A_38 = arith.constant 5.000000e-01 : f32
    %add3A_39 = vector.broadcast %add3A_38 : f32 to vector<10000x64xf32>
    %add3A_40 = arith.addf %mul3A_37, %add3A_39 : vector<10000x64xf32>
    %mul3A_41 = arith.mulf %add3A_30, %add3A_40 : vector<10000x64xf32>
    %get3A_42 = arith.constant 0 : index
    %get3A_43 = arith.constant 0 : index
    %get3A_44 = arith.constant 0 : index
    %get3A_45 = vector.load %arg2[%get3A_42, %get3A_43, %get3A_44] : memref<1x1x10000xi32, #tpu.memory_space<vmem>>, vector<1x1x10000xi32>
    %get3A_46 = vector.shape_cast %get3A_45 : vector<1x1x10000xi32> to vector<1x10000xi32>
    %get3A_47 = arith.constant 0 : index
    %get3A_48 = arith.constant 0 : index
    %get3A_49 = arith.constant 0 : index
    %get3A_50 = vector.load %arg2[%get3A_47, %get3A_48, %get3A_49] : memref<1x1x10000xi32, #tpu.memory_space<vmem>>, vector<1x1x1xi32>
    %get3A_51 = vector.extract %get3A_50[0, 0, 0] : i32 from vector<1x1x1xi32>
    %jit3A = arith.constant 64 : i32
    %div3A = arith.divsi %get3A_51, %jit3A : i32
    %sign3A = arith.constant 0 : i32
    %sign3A_52 = arith.cmpi sgt, %get3A_51, %sign3A : i32
    %sign3A_53 = arith.extui %sign3A_52 : i1 to i32
    %sign3A_54 = arith.constant 0 : i32
    %sign3A_55 = arith.cmpi slt, %get3A_51, %sign3A_54 : i32
    %sign3A_56 = arith.extui %sign3A_55 : i1 to i32
    %sign3A_57 = arith.subi %sign3A_53, %sign3A_56 : i32
    %sign3A_58 = arith.constant 0 : i32
    %sign3A_59 = arith.cmpi sgt, %jit3A, %sign3A_58 : i32
    %sign3A_60 = arith.extui %sign3A_59 : i1 to i32
    %sign3A_61 = arith.constant 0 : i32
    %sign3A_62 = arith.cmpi slt, %jit3A, %sign3A_61 : i32
    %sign3A_63 = arith.extui %sign3A_62 : i1 to i32
    %sign3A_64 = arith.subi %sign3A_60, %sign3A_63 : i32
    %ne3A = arith.cmpi ne, %sign3A_57, %sign3A_64 : i32
    %rem3A = arith.remsi %get3A_51, %jit3A : i32
    %ne3A_65 = arith.constant 0 : i32
    %ne3A_66 = arith.cmpi ne, %rem3A, %ne3A_65 : i32
    %and3A = arith.andi %ne3A, %ne3A_66 : i1
    %sub3A = arith.constant 1 : i32
    %sub3A_67 = arith.subi %div3A, %sub3A : i32
    %select_n3A = arith.select %and3A, %sub3A_67, %div3A : i32
    %get3A_68 = arith.constant 0 : index
    %get3A_69 = arith.constant 0 : index
    %get3A_70 = arith.constant 9999 : index
    %get3A_71 = vector.load %arg2[%get3A_68, %get3A_69, %get3A_70] : memref<1x1x10000xi32, #tpu.memory_space<vmem>>, vector<1x1x1xi32>
    %get3A_72 = vector.extract %get3A_71[0, 0, 0] : i32 from vector<1x1x1xi32>
    %jit3A_73 = arith.constant 64 : i32
    %div3A_74 = arith.divsi %get3A_72, %jit3A_73 : i32
    %sign3A_75 = arith.constant 0 : i32
    %sign3A_76 = arith.cmpi sgt, %get3A_72, %sign3A_75 : i32
    %sign3A_77 = arith.extui %sign3A_76 : i1 to i32
    %sign3A_78 = arith.constant 0 : i32
    %sign3A_79 = arith.cmpi slt, %get3A_72, %sign3A_78 : i32
    %sign3A_80 = arith.extui %sign3A_79 : i1 to i32
    %sign3A_81 = arith.subi %sign3A_77, %sign3A_80 : i32
    %sign3A_82 = arith.constant 0 : i32
    %sign3A_83 = arith.cmpi sgt, %jit3A_73, %sign3A_82 : i32
    %sign3A_84 = arith.extui %sign3A_83 : i1 to i32
    %sign3A_85 = arith.constant 0 : i32
    %sign3A_86 = arith.cmpi slt, %jit3A_73, %sign3A_85 : i32
    %sign3A_87 = arith.extui %sign3A_86 : i1 to i32
    %sign3A_88 = arith.subi %sign3A_84, %sign3A_87 : i32
    %ne3A_89 = arith.cmpi ne, %sign3A_81, %sign3A_88 : i32
    %rem3A_90 = arith.remsi %get3A_72, %jit3A_73 : i32
    %ne3A_91 = arith.constant 0 : i32
    %ne3A_92 = arith.cmpi ne, %rem3A_90, %ne3A_91 : i32
    %and3A_93 = arith.andi %ne3A_89, %ne3A_92 : i1
    %sub3A_94 = arith.constant 1 : i32
    %sub3A_95 = arith.subi %div3A_74, %sub3A_94 : i32
    %select_n3A_96 = arith.select %and3A_93, %sub3A_95, %div3A_74 : i32
    %iota3A = tpu.iota {dimensions = array<i32: 0>} : vector<64x1xi32>
    %add3A_97 = arith.constant 1 : i32
    %add3A_98 = arith.addi %select_n3A_96, %add3A_97 : i32
    %while3A = arith.subi %add3A_98, %select_n3A : i32
    %while3A_99 = arith.addi %select_n3A, %while3A : i32
    %while3A_100 = arith.constant 1 : i32
    %while3A_101 = arith.divsi %while3A, %while3A_100 : i32
    %while3A_102 = arith.muli %while3A_101, %while3A_100 : i32
    %while3A_103 = arith.addi %select_n3A, %while3A_102 : i32
    %while3A_104 = arith.constant 1 : i32
    scf.for %while3A_111 = %select_n3A to %while3A_103 step %while3A_104  : i32 {
      %mul3A_112 = arith.constant 64 : i32
      %mul3A_113 = arith.muli %while3A_111, %mul3A_112 : i32
      %add3A_114 = vector.broadcast %mul3A_113 : i32 to vector<64x1xi32>
      %add3A_115 = arith.addi %iota3A, %add3A_114 : vector<64x1xi32>
      %eq3A_116 = vector.broadcast %add3A_115 : vector<64x1xi32> to vector<64x10000xi32>
      %eq3A_117 = vector.broadcast %get3A_46 : vector<1x10000xi32> to vector<64x10000xi32>
      %eq3A_118 = arith.cmpi eq, %eq3A_116, %eq3A_117 : vector<64x10000xi32>
      %convert_element_type3A_119 = arith.extui %eq3A_118 : vector<64x10000xi1> to vector<64x10000xi32>
      %convert_element_type3A_120 = arith.sitofp %convert_element_type3A_119 : vector<64x10000xi32> to vector<64x10000xf32>
      %dot_general3A_121 = arith.constant dense<0.000000e+00> : vector<64x64xf32>
      %dot_general3A_122 = tpu.matmul %convert_element_type3A_120, %mul3A_41, %dot_general3A_121 {dimension_numbers = #tpu.dot_dimension_numbers<[1], [0], [0], [1], [0, 0, 1, 1], [], []>, transpose_lhs_hint = false} : vector<64x10000xf32>, vector<10000x64xf32>, vector<64x64xf32> -> vector<64x64xf32>
      %mul3A_123 = arith.constant 64 : i32
      %mul3A_124 = arith.muli %while3A_111, %mul3A_123 : i32
      %get3A_125 = arith.index_cast %mul3A_124 : i32 to index
      %get3A_126 = arith.constant 0 : index
      %get3A_127 = vector.load %arg9[%get3A_125, %get3A_126] : memref<1024x64xf32, #tpu.memory_space<vmem>>, vector<64x64xf32>
      %add3A_128 = arith.addf %get3A_127, %dot_general3A_122 : vector<64x64xf32>
      %swap3A = arith.index_cast %mul3A_124 : i32 to index
      %swap3A_129 = arith.constant 0 : index
      %swap3A_130 = vector.load %arg9[%swap3A, %swap3A_129] : memref<1024x64xf32, #tpu.memory_space<vmem>>, vector<64x64xf32>
      tpu.vector_store %arg9[%swap3A, %swap3A_129], %add3A_128 {strides = array<i32>} : memref<1024x64xf32, #tpu.memory_space<vmem>>, vector<64x64xf32>,
      %mul3A_131 = arith.constant 64 : i32
      %mul3A_132 = arith.muli %while3A_111, %mul3A_131 : i32
      %get3A_133 = arith.index_cast %mul3A_132 : i32 to index
      %get3A_134 = arith.constant 0 : index
      %get3A_135 = vector.load %arg10[%get3A_133, %get3A_134] : memref<1024x1xf32, #tpu.memory_space<vmem>>, vector<64x1xf32>
      %reduce_sum3A = arith.constant dense<0.000000e+00> : vector<64xf32>
      %reduce_sum3A_136 = vector.multi_reduction <add>, %convert_element_type3A_120, %reduce_sum3A [1] : vector<64x10000xf32> to vector<64xf32>
      %broadcast_in_dim3A = vector.shape_cast %reduce_sum3A_136 : vector<64xf32> to vector<64x1xf32>
      %add3A_137 = arith.addf %get3A_135, %broadcast_in_dim3A : vector<64x1xf32>
      %swap3A_138 = arith.index_cast %mul3A_132 : i32 to index
      %swap3A_139 = arith.constant 0 : index
      %swap3A_140 = vector.load %arg10[%swap3A_138, %swap3A_139] : memref<1024x1xf32, #tpu.memory_space<vmem>>, vector<64x1xf32>
      tpu.vector_store %arg10[%swap3A_138, %swap3A_139], %add3A_137 {strides = array<i32>} : memref<1024x1xf32, #tpu.memory_space<vmem>>, vector<64x1xf32>,
    }
    %while3A_105 = arith.constant 1 : i32
    scf.for %while3A_111 = %while3A_103 to %while3A_99 step %while3A_105  : i32 {
      %mul3A_112 = arith.constant 64 : i32
      %mul3A_113 = arith.muli %while3A_111, %mul3A_112 : i32
      %add3A_114 = vector.broadcast %mul3A_113 : i32 to vector<64x1xi32>
      %add3A_115 = arith.addi %iota3A, %add3A_114 : vector<64x1xi32>
      %eq3A_116 = vector.broadcast %add3A_115 : vector<64x1xi32> to vector<64x10000xi32>
      %eq3A_117 = vector.broadcast %get3A_46 : vector<1x10000xi32> to vector<64x10000xi32>
      %eq3A_118 = arith.cmpi eq, %eq3A_116, %eq3A_117 : vector<64x10000xi32>
      %convert_element_type3A_119 = arith.extui %eq3A_118 : vector<64x10000xi1> to vector<64x10000xi32>
      %convert_element_type3A_120 = arith.sitofp %convert_element_type3A_119 : vector<64x10000xi32> to vector<64x10000xf32>
      %dot_general3A_121 = arith.constant dense<0.000000e+00> : vector<64x64xf32>
      %dot_general3A_122 = tpu.matmul %convert_element_type3A_120, %mul3A_41, %dot_general3A_121 {dimension_numbers = #tpu.dot_dimension_numbers<[1], [0], [0], [1], [0, 0, 1, 1], [], []>, transpose_lhs_hint = false} : vector<64x10000xf32>, vector<10000x64xf32>, vector<64x64xf32> -> vector<64x64xf32>
      %mul3A_123 = arith.constant 64 : i32
      %mul3A_124 = arith.muli %while3A_111, %mul3A_123 : i32
      %get3A_125 = arith.index_cast %mul3A_124 : i32 to index
      %get3A_126 = arith.constant 0 : index
      %get3A_127 = vector.load %arg9[%get3A_125, %get3A_126] : memref<1024x64xf32, #tpu.memory_space<vmem>>, vector<64x64xf32>
      %add3A_128 = arith.addf %get3A_127, %dot_general3A_122 : vector<64x64xf32>
      %swap3A = arith.index_cast %mul3A_124 : i32 to index
      %swap3A_129 = arith.constant 0 : index
      %swap3A_130 = vector.load %arg9[%swap3A, %swap3A_129] : memref<1024x64xf32, #tpu.memory_space<vmem>>, vector<64x64xf32>
      tpu.vector_store %arg9[%swap3A, %swap3A_129], %add3A_128 {strides = array<i32>} : memref<1024x64xf32, #tpu.memory_space<vmem>>, vector<64x64xf32>,
      %mul3A_131 = arith.constant 64 : i32
      %mul3A_132 = arith.muli %while3A_111, %mul3A_131 : i32
      %get3A_133 = arith.index_cast %mul3A_132 : i32 to index
      %get3A_134 = arith.constant 0 : index
      %get3A_135 = vector.load %arg10[%get3A_133, %get3A_134] : memref<1024x1xf32, #tpu.memory_space<vmem>>, vector<64x1xf32>
      %reduce_sum3A = arith.constant dense<0.000000e+00> : vector<64xf32>
      %reduce_sum3A_136 = vector.multi_reduction <add>, %convert_element_type3A_120, %reduce_sum3A [1] : vector<64x10000xf32> to vector<64xf32>
      %broadcast_in_dim3A = vector.shape_cast %reduce_sum3A_136 : vector<64xf32> to vector<64x1xf32>
      %add3A_137 = arith.addf %get3A_135, %broadcast_in_dim3A : vector<64x1xf32>
      %swap3A_138 = arith.index_cast %mul3A_132 : i32 to index
      %swap3A_139 = arith.constant 0 : index
      %swap3A_140 = vector.load %arg10[%swap3A_138, %swap3A_139] : memref<1024x1xf32, #tpu.memory_space<vmem>>, vector<64x1xf32>
      tpu.vector_store %arg10[%swap3A_138, %swap3A_139], %add3A_137 {strides = array<i32>} : memref<1024x1xf32, #tpu.memory_space<vmem>>, vector<64x1xf32>,
    }
    %eq3A_106 = arith.constant 9 : i32
    %eq3A_107 = arith.cmpi eq, %arg0, %eq3A_106 : i32
    %convert_element_type3A_108 = arith.extui %eq3A_107 : i1 to i32
    %cond3A_109 = arith.constant 0 : i32
    %cond3A_110 = arith.cmpi ne, %convert_element_type3A_108, %cond3A_109 : i32
    scf.if %cond3A_110 {
      %get3A_111 = arith.constant 0 : index
      %get3A_112 = arith.constant 0 : index
      %get3A_113 = vector.load %arg9[%get3A_111, %get3A_112] : memref<1024x64xf32, #tpu.memory_space<vmem>>, vector<1024x64xf32>
      %swap3A = arith.constant 0 : index
      %swap3A_114 = arith.constant 0 : index
      %swap3A_115 = vector.load %arg7[%swap3A, %swap3A_114] : memref<1024x64xf32, #tpu.memory_space<vmem>>, vector<1024x64xf32>
      tpu.vector_store %arg7[%swap3A, %swap3A_114], %get3A_113 {strides = array<i32>} : memref<1024x64xf32, #tpu.memory_space<vmem>>, vector<1024x64xf32>,
      %get3A_116 = arith.constant 0 : index
      %get3A_117 = arith.constant 0 : index
      %get3A_118 = vector.load %arg10[%get3A_116, %get3A_117] : memref<1024x1xf32, #tpu.memory_space<vmem>>, vector<1024x1xf32>
      %swap3A_119 = arith.constant 0 : index
      %swap3A_120 = arith.constant 0 : index
      %swap3A_121 = vector.load %arg8[%swap3A_119, %swap3A_120] : memref<1024x1xf32, #tpu.memory_space<vmem>>, vector<1024x1xf32>
      tpu.vector_store %arg8[%swap3A_119, %swap3A_120], %get3A_118 {strides = array<i32>} : memref<1024x1xf32, #tpu.memory_space<vmem>>, vector<1024x1xf32>,
    } else {
    }
    return
  }
  func.func @transform_0(%arg0: i32) -> (i32, i32) {
    %c0_i32 = arith.constant 0 : i32
    %c0_i32_0 = arith.constant 0 : i32
    return %arg0, %c0_i32 : i32, i32
  }
  func.func @transform_1(%arg0: i32) -> (i32, i32, i32) {
    %c0_i32 = arith.constant 0 : i32
    %c0_i32_0 = arith.constant 0 : i32
    %c0_i32_1 = arith.constant 0 : i32
    return %arg0, %c0_i32, %c0_i32_0 : i32, i32, i32
  }
  func.func @transform_2(%arg0: i32) -> (i32, i32) {
    %c0_i32 = arith.constant 0 : i32
    %c0_i32_0 = arith.constant 0 : i32
    %c0_i32_1 = arith.constant 0 : i32
    return %c0_i32, %c0_i32_0 : i32, i32
  }
  func.func @transform_3(%arg0: i32) -> (i32, i32) {
    %c0_i32 = arith.constant 0 : i32
    %c0_i32_0 = arith.constant 0 : i32
    %c0_i32_1 = arith.constant 0 : i32
    return %c0_i32, %c0_i32_0 : i32, i32
  }
  func.func @transform_4(%arg0: i32) -> (i32, i32) {
    %c0_i32 = arith.constant 0 : i32
    %c0_i32_0 = arith.constant 0 : i32
    %c0_i32_1 = arith.constant 0 : i32
    return %c0_i32, %c0_i32_0 : i32, i32
  }
  func.func @transform_5(%arg0: i32) -> (i32, i32) {
    %c0_i32 = arith.constant 0 : i32
    %c0_i32_0 = arith.constant 0 : i32
    %c0_i32_1 = arith.constant 0 : i32
    return %c0_i32, %c0_i32_0 : i32, i32
  }
  func.func @transform_6(%arg0: i32) -> (i32, i32) {
    %c0_i32 = arith.constant 0 : i32
    %c0_i32_0 = arith.constant 0 : i32
    %c0_i32_1 = arith.constant 0 : i32
    return %c0_i32, %c0_i32_0 : i32, i32
  }
  func.func @transform_7(%arg0: i32) -> (i32, i32) {
    %c0_i32 = arith.constant 0 : i32
    %c0_i32_0 = arith.constant 0 : i32
    %c0_i32_1 = arith.constant 0 : i32
    return %c0_i32, %c0_i32_0 : i32, i32
  }
}

module attributes {stable_mosaic.version = 14 : i64} {
  func.func @_final_body(%arg0: memref<2x1024x128xf32, #tpu.memory_space<vmem>>, %arg1: memref<1024x64xf32, #tpu.memory_space<vmem>>, %arg2: memref<1024x1xf32, #tpu.memory_space<vmem>>, %arg3: memref<128x64xf32, #tpu.memory_space<vmem>>, %arg4: memref<1x64xf32, #tpu.memory_space<vmem>>, %arg5: memref<64x64xf32, #tpu.memory_space<vmem>>, %arg6: memref<1x64xf32, #tpu.memory_space<vmem>>, %arg7: memref<64x1xf32, #tpu.memory_space<vmem>>, %arg8: memref<64x1xf32, #tpu.memory_space<vmem>>, %arg9: memref<1x1xf32, #tpu.memory_space<vmem>>, %arg10: memref<1024x1xf32, #tpu.memory_space<vmem>>) attributes {dimension_semantics = [], scalar_prefetch = 0 : i64, scratch_operands = 0 : i64, tpu.core_type = #tpu.core_type<tc>} {
    %get3A = arith.constant 0 : index
    %get3A_0 = arith.constant 0 : index
    %get3A_1 = arith.constant 0 : index
    %get3A_2 = vector.load %arg0[%get3A, %get3A_0, %get3A_1] : memref<2x1024x128xf32, #tpu.memory_space<vmem>>, vector<1x1024x128xf32>
    %get3A_3 = vector.shape_cast %get3A_2 : vector<1x1024x128xf32> to vector<1024x128xf32>
    %get3A_4 = arith.constant 1 : index
    %get3A_5 = arith.constant 0 : index
    %get3A_6 = arith.constant 0 : index
    %get3A_7 = vector.load %arg0[%get3A_4, %get3A_5, %get3A_6] : memref<2x1024x128xf32, #tpu.memory_space<vmem>>, vector<1x1024x128xf32>
    %get3A_8 = vector.shape_cast %get3A_7 : vector<1x1024x128xf32> to vector<1024x128xf32>
    %add3A = arith.addf %get3A_3, %get3A_8 : vector<1024x128xf32>
    %get3A_9 = arith.constant 0 : index
    %get3A_10 = arith.constant 0 : index
    %get3A_11 = vector.load %arg1[%get3A_9, %get3A_10] : memref<1024x64xf32, #tpu.memory_space<vmem>>, vector<1024x64xf32>
    %get3A_12 = arith.constant 0 : index
    %get3A_13 = arith.constant 0 : index
    %get3A_14 = vector.load %arg2[%get3A_12, %get3A_13] : memref<1024x1xf32, #tpu.memory_space<vmem>>, vector<1024x1xf32>
    %max3A = arith.constant 1.000000e+00 : f32
    %max3A_15 = vector.broadcast %max3A : f32 to vector<1024x1xf32>
    %max3A_16 = arith.maximumf %get3A_14, %max3A_15 : vector<1024x1xf32>
    %div3A = vector.broadcast %max3A_16 : vector<1024x1xf32> to vector<1024x128xf32>
    %div3A_17 = arith.divf %add3A, %div3A : vector<1024x128xf32>
    %get3A_18 = arith.constant 0 : index
    %get3A_19 = arith.constant 0 : index
    %get3A_20 = vector.load %arg3[%get3A_18, %get3A_19] : memref<128x64xf32, #tpu.memory_space<vmem>>, vector<128x64xf32>
    %dot_general3A = arith.constant dense<0.000000e+00> : vector<1024x64xf32>
    %dot_general3A_21 = tpu.matmul %div3A_17, %get3A_20, %dot_general3A {dimension_numbers = #tpu.dot_dimension_numbers<[1], [0], [0], [1], [0, 0, 1, 1], [], []>, transpose_lhs_hint = false} : vector<1024x128xf32>, vector<128x64xf32>, vector<1024x64xf32> -> vector<1024x64xf32>
    %get3A_22 = arith.constant 0 : index
    %get3A_23 = arith.constant 0 : index
    %get3A_24 = vector.load %arg4[%get3A_22, %get3A_23] : memref<1x64xf32, #tpu.memory_space<vmem>>, vector<1x64xf32>
    %add3A_25 = vector.broadcast %get3A_24 : vector<1x64xf32> to vector<1024x64xf32>
    %add3A_26 = arith.addf %dot_general3A_21, %add3A_25 : vector<1024x64xf32>
    %logistic3A = arith.negf %add3A_26 : vector<1024x64xf32>
    %logistic3A_27 = math.exp %logistic3A : vector<1024x64xf32>
    %logistic3A_28 = arith.constant 1.000000e+00 : f32
    %logistic3A_29 = vector.broadcast %logistic3A_28 : f32 to vector<1024x64xf32>
    %logistic3A_30 = arith.addf %logistic3A_29, %logistic3A_27 : vector<1024x64xf32>
    %logistic3A_31 = arith.divf %logistic3A_29, %logistic3A_30 : vector<1024x64xf32>
    %mul3A = arith.mulf %add3A_26, %logistic3A_31 : vector<1024x64xf32>
    %get3A_32 = arith.constant 0 : index
    %get3A_33 = arith.constant 0 : index
    %get3A_34 = vector.load %arg5[%get3A_32, %get3A_33] : memref<64x64xf32, #tpu.memory_space<vmem>>, vector<64x64xf32>
    %dot_general3A_35 = arith.constant dense<0.000000e+00> : vector<1024x64xf32>
    %dot_general3A_36 = tpu.matmul %mul3A, %get3A_34, %dot_general3A_35 {dimension_numbers = #tpu.dot_dimension_numbers<[1], [0], [0], [1], [0, 0, 1, 1], [], []>, transpose_lhs_hint = false} : vector<1024x64xf32>, vector<64x64xf32>, vector<1024x64xf32> -> vector<1024x64xf32>
    %get3A_37 = arith.constant 0 : index
    %get3A_38 = arith.constant 0 : index
    %get3A_39 = vector.load %arg6[%get3A_37, %get3A_38] : memref<1x64xf32, #tpu.memory_space<vmem>>, vector<1x64xf32>
    %add3A_40 = vector.broadcast %get3A_39 : vector<1x64xf32> to vector<1024x64xf32>
    %add3A_41 = arith.addf %dot_general3A_36, %add3A_40 : vector<1024x64xf32>
    %logistic3A_42 = arith.negf %add3A_41 : vector<1024x64xf32>
    %logistic3A_43 = math.exp %logistic3A_42 : vector<1024x64xf32>
    %logistic3A_44 = arith.constant 1.000000e+00 : f32
    %logistic3A_45 = vector.broadcast %logistic3A_44 : f32 to vector<1024x64xf32>
    %logistic3A_46 = arith.addf %logistic3A_45, %logistic3A_43 : vector<1024x64xf32>
    %logistic3A_47 = arith.divf %logistic3A_45, %logistic3A_46 : vector<1024x64xf32>
    %mul3A_48 = arith.mulf %add3A_41, %logistic3A_47 : vector<1024x64xf32>
    %get3A_49 = arith.constant 0 : index
    %get3A_50 = arith.constant 0 : index
    %get3A_51 = vector.load %arg7[%get3A_49, %get3A_50] : memref<64x1xf32, #tpu.memory_space<vmem>>, vector<64x1xf32>
    %dot_general3A_52 = arith.constant dense<0.000000e+00> : vector<1024x1xf32>
    %dot_general3A_53 = tpu.matmul %mul3A_48, %get3A_51, %dot_general3A_52 {dimension_numbers = #tpu.dot_dimension_numbers<[1], [0], [0], [1], [0, 0, 1, 1], [], []>, transpose_lhs_hint = false} : vector<1024x64xf32>, vector<64x1xf32>, vector<1024x1xf32> -> vector<1024x1xf32>
    %get3A_54 = arith.constant 0 : index
    %get3A_55 = arith.constant 0 : index
    %get3A_56 = vector.load %arg8[%get3A_54, %get3A_55] : memref<64x1xf32, #tpu.memory_space<vmem>>, vector<64x1xf32>
    %dot_general3A_57 = arith.constant dense<0.000000e+00> : vector<1024x1xf32>
    %dot_general3A_58 = tpu.matmul %get3A_11, %get3A_56, %dot_general3A_57 {dimension_numbers = #tpu.dot_dimension_numbers<[1], [0], [0], [1], [0, 0, 1, 1], [], []>, transpose_lhs_hint = false} : vector<1024x64xf32>, vector<64x1xf32>, vector<1024x1xf32> -> vector<1024x1xf32>
    %add3A_59 = arith.addf %dot_general3A_53, %dot_general3A_58 : vector<1024x1xf32>
    %get3A_60 = arith.constant 0 : index
    %get3A_61 = arith.constant 0 : index
    %get3A_62 = vector.load %arg9[%get3A_60, %get3A_61] : memref<1x1xf32, #tpu.memory_space<vmem>>, vector<1x1xf32>
    %add3A_63 = vector.broadcast %get3A_62 : vector<1x1xf32> to vector<1024x1xf32>
    %add3A_64 = arith.addf %add3A_59, %add3A_63 : vector<1024x1xf32>
    %swap3A = arith.constant 0 : index
    %swap3A_65 = arith.constant 0 : index
    %swap3A_66 = vector.load %arg10[%swap3A, %swap3A_65] : memref<1024x1xf32, #tpu.memory_space<vmem>>, vector<1024x1xf32>
    tpu.vector_store %arg10[%swap3A, %swap3A_65], %add3A_64 {strides = array<i32>} : memref<1024x1xf32, #tpu.memory_space<vmem>>, vector<1024x1xf32>,
    return
  }
}

</mosaic_0001>

<sc_bundles>
// kernel: kernel.5.cloned.1.call-start
scs
__scs_entry_jumppad:
0x0: {  	(pc) =	sbr.rel $0x88, $3  }
0x1: {  	(tag) =	ssettag $0x0;
	lr =	simm.s32 $0x1  }
0x2: {  	[smem:$0x3F95] =	sst lr;
	_ =	strace $0xD0000000  }
0x3: {  	_ = 	snop  }
0x4: {  	_ = 	snop  }
0x5: {  	_ = 	snop  }
0x6: {  	_ = 	snop  }
0x7: {  	_ = 	snop  }
__scs_overlays_trampoline_lowered:
0x8: {  	[smem:$0x3FA4] =	sst s0  }
0x9: {  	[smem:$0x3FA5] =	sst s1  }
0xa: {  	[smem:$0x3FA6] =	sst s2  }
0xb: {  	[smem:$0x3FA7] =	sst s3  }
0xc: {  	[smem:$0x3FA8] =	sst s4  }
0xd: {  	[smem:$0x3FA9] =	sst s5  }
0xe: {  	[smem:$0x3FAA] =	sst s6  }
0xf: {  	[smem:$0x3FAB] =	sst s7  }
0x10: {  	[smem:$0x3FAC] =	sst s8  }
0x11: {  	[smem:$0x3FAD] =	sst s9;
	s0 =	simm.s32 @!p0 $0x0  }
0x12: {  	s1 =	sld [smem:$0x3F93];
	s0 =	simm.s32 @p0 $0x1  }
0x13: {  	[smem:$0x3FAE] =	sst s0;
	s0 =	simm.s32 @!p1 $0x0  }
0x14: {  	s2 =	sld [smem:$0x3F92];
	s0 =	simm.s32 @p1 $0x1  }
0x15: {  	[smem:$0x3FAF] =	sst s0;
	s0 =	simm.s32 @!p2 $0x0  }
0x16: {  	s3 =	sld [smem:$0x3FDB];
	s0 =	simm.s32 @p2 $0x1  }
0x17: {  	s4 =	simm.s32 $0x1BF5;
	[smem:$0x3FB1] =	sst s0  }
0x18: {  	s0 =	sld [smem:$0x3F94];
	_ =	swait.ge [sflag:s4], $0x0  }
0x19: {  	s7 =	sld [smem:$0x3F95]  }
0x1a: {  	s8 =	sadd.s32 $0xFFFFE003, lr  }
0x1b: {  	s9 =	sadd.s32 $0xFFFFFEF7, lr;
	s5 =	simm.s32 $0xFFFFFFFF;
	p2 =	slt.u32 s8, $0xFFFFF086  }
0x1c: {  	p1 =	slt.u32 s9, $0xF7A;
	s5 =	simm.s32 @!p2 $0x0  }
0x1d: {  	s5 =	simm.s32 @p1 $0x1;
	p0 =	seq.s32 s7, s2  }
0x1e: {  	s7 =	smul.u32 @!p0 $0xF7A, s2;
	p2 =	seq.s32 @!p0 s5, $0x0  }
0x1f: {  	s9 =	smul.u32 $0xF7A, s1;
	s8 =	simm.s32 @!p0 $0x1BF5;
	p2 =	por !p2, p0  }
0x20: {  	[sflag:s8] =	ssyncset.s32 @!p0 $0xFFFFF086;
	s6 =	sadd.s32 @!p0 s3, s7;
	s7 =	simm.s32 @!p0 $0x108  }
0x21: {  	s3 =	sadd.s32 s3, s9;
	s6 =	sadd.s32 @!p0 $0x88, s6;
	s7 =	simm.s32 @p2 $0x1082  }
0x22: {  	[simem:s7], [sflag:s8] =	dma.local @!p0 [hbm:s6], $0xF7A  }
0x23: {  	s9 =	sor.u32 $0xD0000000, s2;
	s6 =	simm.s32 $0x108;
	_ =	swait.ge @!p0 [sflag:s8], $0x0  }
0x24: {  	s3 =	sadd.s32 $0x88, s3;
	s6 =	simm.s32 @!p1 $0x1082;
	[sflag:s4] =	ssyncset.s32 $0xFFFFF086  }
0x25: {  	[simem:s6], [sflag:s4] =	dma.local [hbm:s3], $0xF7A  }
0x26: {  	[smem:$0x3F95] =	sst s1;
	(tag) =	ssettag s2;
	_ =	strace s9  }
0x27: {  	s1 =	sld [smem:$0x3FA5]  }
0x28: {  	s2 =	sld [smem:$0x3FA6]  }
0x29: {  	s4 =	sld [smem:$0x3FA8]  }
0x2a: {  	p0 =	seq.s32 s5, $0x0;
	s5 =	sld [smem:$0x3FA9]  }
0x2b: {  	s6 =	sld [smem:$0x3FAA]  }
0x2c: {  	s7 =	sld [smem:$0x3FAB]  }
0x2d: {  	s3 =	simm.s32 $0x108;
	s8 =	sld [smem:$0x3FAC]  }
0x2e: {  	s3 =	simm.s32 @!p0 $0x1082;
	s9 =	sld [smem:$0x3FAD]  }
0x2f: {  	lr =	sadd.s32 s0, s3;
	s0 =	sld [smem:$0x3FA4]  }
0x30: {  	s3 =	sld [smem:$0x3FA7]  }
0x31: {  	[smem:$0x3FB0] =	sst s10  }
0x32: {  	s10 =	sld [smem:$0x3FAE];
	_ =	sdelay $0x3  }
0x33: {  	p0 =	seq.s32 s10, $0x1;
	s10 =	sld [smem:$0x3FB0];
	_ =	sdelay $0x3  }
0x34: {  	[smem:$0x3FB0] =	sst s10  }
0x35: {  	s10 =	sld [smem:$0x3FAF];
	_ =	sdelay $0x3  }
0x36: {  	p1 =	seq.s32 s10, $0x1;
	s10 =	sld [smem:$0x3FB0];
	_ =	sdelay $0x3  }
0x37: {  	[smem:$0x3FB0] =	sst s10  }
0x38: {  	s10 =	sld [smem:$0x3FB1]  }
0x39: {  	_ = 	snop;
	(pc) =	sbr.ind lr, $3  }
0x3a: {  	_ = 	snop  }
0x3b: {  	_ = 	snop  }
0x3c: {  	p2 =	seq.s32 s10, $0x1;
	s10 =	sld [smem:$0x3FB0]  }
0x3d: {  	_ =	shalt  }
0x3e: {  	_ =	shalt  }
0x3f: {  	_ =	shalt  }
0x40: {  	_ =	shalt  }
0x41: {  	_ =	shalt  }
0x42: {  	_ =	shalt  }
0x43: {  	_ =	shalt  }
0x44: {  	_ =	shalt  }
0x45: {  	_ =	shalt  }
0x46: {  	_ =	shalt  }
0x47: {  	_ =	shalt  }
0x48: {  	_ =	shalt  }
0x49: {  	_ =	shalt  }
0x4a: {  	_ =	shalt  }
0x4b: {  	_ =	shalt  }
0x4c: {  	_ =	shalt  }
0x4d: {  	_ =	shalt  }
0x4e: {  	_ =	shalt  }
0x4f: {  	_ =	shalt  }
0x50: {  	_ =	shalt  }
0x51: {  	_ =	shalt  }
0x52: {  	_ =	shalt  }
0x53: {  	_ =	shalt  }
0x54: {  	_ =	shalt  }
0x55: {  	_ =	shalt  }
0x56: {  	_ =	shalt  }
0x57: {  	_ =	shalt  }
0x58: {  	_ =	shalt  }
0x59: {  	_ =	shalt  }
0x5a: {  	_ =	shalt  }
0x5b: {  	_ =	shalt  }
0x5c: {  	_ =	shalt  }
0x5d: {  	_ =	shalt  }
0x5e: {  	_ =	shalt  }
0x5f: {  	_ =	shalt  }
0x60: {  	_ =	shalt  }
0x61: {  	_ =	shalt  }
0x62: {  	_ =	shalt  }
0x63: {  	_ =	shalt  }
0x64: {  	_ =	shalt  }
0x65: {  	_ =	shalt  }
0x66: {  	_ =	shalt  }
0x67: {  	_ =	shalt  }
0x68: {  	_ =	shalt  }
0x69: {  	_ =	shalt  }
0x6a: {  	_ =	shalt  }
0x6b: {  	_ =	shalt  }
0x6c: {  	_ =	shalt  }
0x6d: {  	_ =	shalt  }
0x6e: {  	_ =	shalt  }
0x6f: {  	_ =	shalt  }
0x70: {  	_ =	shalt  }
0x71: {  	_ =	shalt  }
0x72: {  	_ =	shalt  }
0x73: {  	_ =	shalt  }
0x74: {  	_ =	shalt  }
0x75: {  	_ =	shalt  }
0x76: {  	_ =	shalt  }
0x77: {  	_ =	shalt  }
0x78: {  	_ =	shalt  }
0x79: {  	_ =	shalt  }
0x7a: {  	_ =	shalt  }
0x7b: {  	_ =	shalt  }
0x7c: {  	_ =	shalt  }
0x7d: {  	_ =	shalt  }
0x7e: {  	_ =	shalt  }
0x7f: {  	_ =	shalt  }
0x80: {  	_ =	shalt  }
0x81: {  	_ =	shalt  }
0x82: {  	_ =	shalt  }
0x83: {  	_ =	shalt  }
0x84: {  	_ =	shalt  }
0x85: {  	_ =	shalt  }
0x86: {  	_ =	shalt  }
0x87: {  	_ =	shalt  }
.Lfunc_end0:
.L_simem_size_0:
called_computation_lowered:
.L_overlay_start_0:
0x88: {  	s2 =	sld [smem:$0x3FD9]  }
0x89: {  	s3 =	sld [smem:$0x3FFE];
	_ =	sdelay $0x1  }
0x8a: {  	s1 =	srdreg.scid  }
0x8b: {  	s0 =	sand.u32 $0x1, s1  }
0x8c: {  	s17 =	sshll.u32 s0, $0xA;
	s2 =	sadd.s32 s3, s2  }
0x8d: {  	s2 =	sadd.s32 s2, s17  }
0x8e: {  	[smem:$0x3FBC] =	sst s2  }
0x8f: {  	_ = 	snop  }
0x90: {  	s2 =	sld [smem:$0x3FC9]  }
0x91: {  	s18 =	sld [smem:$0x3FC8];
	(tm) =	ssettm $0x1  }
0x92: {  	s4 =	sld [smem:$0x3FFB];
	_ =	sdelay $0x3  }
0x93: {  	_ =	strace s4  }
0x94: {  	s4 =	sld [smem:$0x3FFC];
	_ =	sdelay $0x3  }
0x95: {  	_ =	strace s4  }
0x96: {  	s4 =	sld [smem:$0x3FFD];
	_ =	sdelay $0x3  }
0x97: {  	_ =	strace s4  }
0x98: {  	_ =	strace $0x8FFFFFFF  }
0x99: {  	s19 =	sld [smem:$0x3FDB];
	_ =	sdelay $0x1  }
0x9a: {  	s5 =	simm.s32 $_scs_section_size  }
0x9b: {  	s6 =	simm.s32 $_size__tile_overlayer_lowered;
	s7 =	simm.s32 $_tile_overlayer_lowered  }
0x9c: {  	s22 =	simm.s32 $0x1BFF;
	s21 =	sshll.u32 s7, $0x1;
	s4 =	sadd.s32 s5, s19  }
0x9d: {  	s8 =	simm.s32 $0x0;
	s20 =	sshll.u32 s6, $0x1;
	s6 =	sadd.s32 s21, s4  }
0x9e: {  	[timem:s8], [sflag:s22] =	dma.local [hbm:s6], s20  }
0x9f: {  	_ =	swait.ge [sflag:s22], s20  }
0xa0: {  	s5 =	ssub.s32 $0x0, s20;
	[sflag:s22] =	ssyncset.done $0x0  }
0xa1: {  	[sflag:s22] =	ssyncadd.s32 s5;
	_ =	sdelay $0x1  }
0xa2: {  	s23 =	simm.s32 $0x1B8B  }
0xa3: {  	_ =	swait.ge [sflag:s23], $0x1  }
0xa4: {  	[sflag:s23] =	ssyncset.done $0x0  }
0xa5: {  	s25 =	simm.s32 $0x1B8E;
	s24 =	sld [smem:$0x3FFE];
	[sflag:s23] =	ssyncadd.s32 $0xFFFFFFFF  }
0xa6: {  	s26 =	simm.s32 $execute0_lowered;
	[smem:$0x3FD2] =	sst s25  }
0xa7: {  	s6 =	sshll.u32 s26, $0x1;
	_ =	strace $0x80000046;
	[dreg:$0x1] =	wrdreg $0xFFFFFFFF  }
0xa8: {  	s28 =	simm.s32 $_size_execute0_lowered;
	s4 =	sadd.s32 s4, s6;
	[dreg:$0x0] =	wrdreg $0x0  }
0xa9: {  	s6 =	sshll.u32 s28, $0x1;
	[dreg:$0x2] =	wrdreg s4  }
0xaa: {  	[dreg:$0x3] =	wrdreg s6  }
0xab: {  	[dreg:$0x4] =	wrdreg $0xC0  }
0xac: {  	_ =	task [dreg:s8], $0x5FFFF  }
0xad: {  	[dreg:$0x1] =	wrdreg $0xFFFFFFFF  }
0xae: {  	[dreg:$0x0] =	wrdreg $0x60  }
0xaf: {  	[dreg:$0x2] =	wrdreg s2  }
0xb0: {  	[dreg:$0x3] =	wrdreg s18  }
0xb1: {  	[dreg:$0x4] =	wrdreg s24  }
0xb2: {  	[dreg:$0x5] =	wrdreg $0x81000  }
0xb3: {  	[dreg:$0x6] =	wrdreg $0x9  }
0xb4: {  	_ =	task.clear_ibuf [dreg:s8], $0x7FFFF;
	_ =	strace $0x90000046  }
0xb5: {  	s29 =	simm.s32 $0x9;
	_ =	strace $0x80000048  }
0xb6: {  	_ =	swait.ge [sflag:s29], $0x1  }
0xb7: {  	[sflag:s29] =	ssyncadd.s32 $0xFFFFFFFF  }
0xb8: {  	_ =	strace $0x90000048  }
0xb9: {  	_ =	sfence  }
0xba: {  	s30 =	sld [smem:$0x0];
	_ =	sdelay $0x2  }
0xbb: {  	s31 =	sshll.u32 s1, $0xD;
	s1 =	sshrl.u32 s1, $0x2  }
0xbc: {  	s3 =	sand.u32 $0x4000, s31;
	s1 =	sadd.s32 s1, s30  }
0xbd: {  	s0 =	sor.u32 s3, s0;
	s1 =	sshll.u32 s1, $0x11  }
0xbe: {  	s0 =	sor.u32 s1, s0  }
0xbf: {  	s0 =	sadd.s32 $0x8F2B, s0  }
0xc0: {  	[sflag:s0] =	ssyncadd.remote.s32 $0x1  }
0xc1: {  	_ =	sfence.sel $0xFFFF  }
0xc2: {  	[dreg:$0x0] =	wrdreg $0xFFFFFFFF;
	(pc) =	sbr.abs _section_cstart, $3  }
0xc3: {  	[dreg:$0x1] =	wrdreg $0xFFFFFFFF  }
0xc4: {  	_ =	task.clear_ibuf [dreg:s8], $0x2FFFF;
	_ =	strace $0x9FFFFFFF  }
0xc5: {  	(tm) =	ssettm $0x7FFFFFFF  }
tec
execute0_lowered:
.L_overlay_start_1:
0x0: {  	(tag) =	ssettag $0x1  }
0x1: {  	s29 =	rddreg [dreg:$0x0]  }
0x2: {  	s25 =	rddreg [dreg:$0x1]  }
0x3: {  	s0 =	rddreg [dreg:$0x2]  }
0x4: {  	s2 =	rddreg [dreg:$0x3]  }
0x5: {  	s3 =	simm.s32 $0x0;
	s1 =	srdreg.scid;
	s19 =	stileid.u32  }
0x6: {  	[smem:$0x7FF] =	sst s3;
	s4 =	sadd.s32 $0x1E00, s0;
	s1 =	sand.u32 $0x1, s1  }
0x7: {  	s5 =	sshll.u32 s19, $0x1;
	s6 =	sshll.u32 s19, $0xD;
	_ =	strace $0x80000047  }
0x8: {  	[dreg:$0x5] =	wrdreg s4;
	s26 =	sor.u32 s1, s5;
	s20 =	sadd.s32 s6, s2  }
0x9: {  	s0 =	stileid.u32;
	[dreg:$0x6] =	wrdreg s20;
	s21 =	sshll.u32 s26, $0x4  }
0xa: {  	s28 =	sshll.u32 s26, $0x7;
	s5 =	sshll.u32 s26, $0xB;
	s4 =	sadd.s32 s25, s21  }
0xb: {  	s22 =	sor.u32 $0x1000, s28;
	s23 =	sadd.s32 s29, s5;
	s10 =	sor.u32 $0x2000, s28  }
0xc: {  	s12 =	sor.u32 $0x3000, s28;
	s18 =	sor.u32 $0x4000, s28;
	s20 =	sor.u32 $0x5000, s28  }
0xd: {  	s6 =	sor.u32 $0x6000, s28;
	[dreg:$0x7] =	wrdreg s4;
	s24 =	sshrl.u32 s22, $0x3  }
0xe: {  	[dreg:$0x8] =	wrdreg s23;
	s8 =	sshll.u32 s22, $0x4;
	s11 =	sshrl.u32 s10, $0x3  }
0xf: {  	s5 =	sshll.u32 s10, $0x4;
	s14 =	sshrl.u32 s12, $0x3;
	s16 =	sshll.u32 s12, $0x4  }
0x10: {  	s19 =	sshrl.u32 s18, $0x3;
	s22 =	sshrl.u32 s20, $0x3;
	s7 =	sadd.s32 s25, s24  }
0x11: {  	s9 =	sadd.s32 s29, s8;
	s4 =	sadd.s32 s25, s11;
	[dreg:$0x9] =	wrdreg s7  }
0x12: {  	s13 =	sadd.s32 s29, s5;
	s15 =	sadd.s32 s25, s14;
	[dreg:$0xa] =	wrdreg s9  }
0x13: {  	s17 =	sadd.s32 s29, s16;
	s5 =	sshll.u32 s18, $0x4;
	[dreg:$0xb] =	wrdreg s4  }
0x14: {  	s23 =	sadd.s32 s25, s22;
	s24 =	sshll.u32 s20, $0x4;
	[dreg:$0xc] =	wrdreg s13  }
0x15: {  	s8 =	sor.u32 $0x7000, s28;
	s14 =	sor.u32 $0x8000, s28;
	[dreg:$0xd] =	wrdreg s15  }
0x16: {  	s16 =	sor.u32 $0x9000, s28;
	s22 =	sor.u32 $0xA000, s28;
	[dreg:$0xe] =	wrdreg s17  }
0x17: {  	s4 =	sadd.s32 s25, s19;
	s21 =	sadd.s32 s29, s5;
	[dreg:$0x11] =	wrdreg s23  }
0x18: {  	s5 =	sadd.s32 s29, s24;
	s7 =	sshrl.u32 s6, $0x3;
	s10 =	sshrl.u32 s8, $0x3  }
0x19: {  	s12 =	sshll.u32 s8, $0x4;
	s15 =	sshrl.u32 s14, $0x3;
	[dreg:$0xf] =	wrdreg s4  }
0x1a: {  	s18 =	sshrl.u32 s16, $0x3;
	s20 =	sshll.u32 s16, $0x4;
	[dreg:$0x10] =	wrdreg s21  }
0x1b: {  	s23 =	sshrl.u32 s22, $0x3;
	[dreg:$0x12] =	wrdreg s5;
	s4 =	sadd.s32 s25, s7  }
0x1c: {  	s24 =	sor.u32 $0xB000, s28;
	s11 =	sadd.s32 s25, s10;
	[dreg:$0x13] =	wrdreg s4  }
0x1d: {  	s5 =	sshll.u32 s6, $0x4;
	s13 =	sadd.s32 s29, s12;
	[dreg:$0x15] =	wrdreg s11  }
0x1e: {  	s19 =	sadd.s32 s25, s18;
	s21 =	sadd.s32 s29, s20;
	[dreg:$0x16] =	wrdreg s13  }
0x1f: {  	s8 =	sshrl.u32 s24, $0x3;
	s10 =	sshll.u32 s24, $0x4;
	[dreg:$0x19] =	wrdreg s19  }
0x20: {  	s12 =	sor.u32 $0xC000, s28;
	s9 =	sadd.s32 s29, s5;
	[dreg:$0x1a] =	wrdreg s21  }
0x21: {  	s20 =	sor.u32 $0xE000, s28;
	s4 =	sadd.s32 s25, s15;
	[dreg:$0x14] =	wrdreg s9  }
0x22: {  	s5 =	sshll.u32 s14, $0x4;
	s11 =	sadd.s32 s29, s10;
	[dreg:$0x17] =	wrdreg s4  }
0x23: {  	s13 =	sshrl.u32 s12, $0x3;
	s17 =	sadd.s32 s29, s5;
	[dreg:$0x1e] =	wrdreg s11  }
0x24: {  	s14 =	sor.u32 $0xD000, s28;
	s4 =	sadd.s32 s25, s23;
	[dreg:$0x18] =	wrdreg s17  }
0x25: {  	s5 =	sshll.u32 s22, $0x4;
	s9 =	sadd.s32 s25, s8;
	[dreg:$0x1b] =	wrdreg s4  }
0x26: {  	s21 =	sshrl.u32 s20, $0x3;
	s7 =	sadd.s32 s29, s5;
	[dreg:$0x1d] =	wrdreg s9  }
0x27: {  	s16 =	sshrl.u32 s14, $0x3;
	s4 =	sadd.s32 s25, s13;
	[dreg:$0x1c] =	wrdreg s7  }
0x28: {  	s18 =	sshll.u32 s14, $0x4;
	s17 =	sadd.s32 s25, s16;
	[dreg:$0x1f] =	wrdreg s4  }
0x29: {  	s22 =	sor.u32 $0xF000, s28;
	s19 =	sadd.s32 s29, s18;
	[smem:$0x7F2] =	sst s17  }
0x2a: {  	s11 =	sor.u32 $0x11000, s28;
	s5 =	sshll.u32 s12, $0x4;
	[smem:$0x7F3] =	sst s19  }
0x2b: {  	s24 =	sshrl.u32 s22, $0x3;
	s15 =	sadd.s32 s29, s5;
	s17 =	rddreg [dreg:$0x6]  }
0x2c: {  	s13 =	sshrl.u32 s11, $0x3;
	s4 =	sadd.s32 s25, s21;
	[smem:$0x7F1] =	sst s15  }
0x2d: {  	s5 =	sshll.u32 s20, $0x4;
	s14 =	sadd.s32 s25, s13;
	[smem:$0x7F4] =	sst s4  }
0x2e: {  	s9 =	sor.u32 $0x10000, s28;
	s23 =	sadd.s32 s29, s5;
	[smem:$0x7FA] =	sst s14  }
0x2f: {  	s7 =	sshll.u32 s22, $0x4;
	s5 =	sadd.s32 s25, s24;
	[smem:$0x7F5] =	sst s23  }
0x30: {  	s10 =	sshrl.u32 s9, $0x3;
	s8 =	sadd.s32 s29, s7;
	[smem:$0x7F6] =	sst s5  }
0x31: {  	s16 =	sshll.u32 s11, $0x4;
	s4 =	sadd.s32 s25, s10;
	[smem:$0x7F7] =	sst s8  }
0x32: {  	s15 =	sshll.u32 s0, $0x6;
	s14 =	sor.u32 $0x12000, s28;
	[smem:$0x7F8] =	sst s4  }
0x33: {  	s7 =	sadd.s32 s29, s16;
	s5 =	sshll.u32 s9, $0x4;
	s9 =	rddreg [dreg:$0x5]  }
0x34: {  	s8 =	sshrl.u32 s14, $0x3;
	[smem:$0x7FB] =	sst s7;
	s12 =	sadd.s32 s29, s5  }
0x35: {  	s6 =	sshrl.u32 s17, $0x3;
	s18 =	sadd.s32 s25, s8;
	[smem:$0x7F9] =	sst s12  }
0x36: {  	s4 =	sor.u32 $0x1C05, s15;
	s5 =	simm.s32 $0x5;
	[smem:$0x7FC] =	sst s18  }
0x37: {  	[spmem:s6], [sflag:s4] =	dma.local [hbm:s9], $0x400  }
0x38: {  	_ =	swait.ge [sflag:s5], $0x400  }
0x39: {  	[sflag:s5] =	ssyncset.done $0x0  }
0x3a: {  	[sflag:s5] =	ssyncadd.s32 $0xFFFFFC00  }
0x3b: {  	[bflag:$0x0] =	sbarrier.arrive $0xFFFF  }
0x3c: {  	s19 =	rddreg [dreg:$0x7]  }
0x3d: {  	[tilespmem:s3], [sflag:$0x1] =	stream.linear.gather [hbm4b:s19+s3], $0x80, $0x38;
	[tilespmem:$0xA108] =	vst v63  }
0x3e: {  	s7 =	simm.s32 $0x100;
	s8 =	simm.s32 $0x1;
	s20 =	rddreg [dreg:$0x8]  }
0x3f: {  	[tilespmem:s7], [sflag:$0x1] =	stream.linear.gather [hbm4b:s20+s3], $0x4000, $0x38;
	[tilespmem:$0xA108] =	vst v63  }
0x40: {  	_ =	swait.ge [sflag:s8], $0x80  }
0x41: {  	[sflag:s8] =	ssyncset.done $0x0  }
0x42: {  	[sflag:s8] =	ssyncadd.s32 $0xFFFFFF80  }
0x43: {  	_ =	swait.ge [sflag:s8], $0x4000  }
0x44: {  	[sflag:s8] =	ssyncset.done $0x0  }
0x45: {  	s9 =	simm.s32 $0x80;
	[sflag:s8] =	ssyncadd.s32 $0xFFFFC000  }
0x46: {  	[spmem:s2] =	stream.indirect.scatter.add.f32 [tilespmem:s7], [sflag:$0x3], $0x80, s3, s9, $0xb8;
	[tilespmem:$0xA108] =	vst v63  }
0x47: {  	s10 =	rddreg [dreg:$0x9]  }
0x48: {  	[tilespmem:s9], [sflag:$0x2] =	stream.linear.gather [hbm4b:s10+s3], $0x80, $0x38;
	[tilespmem:$0xA108] =	vst v63  }
0x49: {  	s11 =	simm.s32 $0x2;
	s12 =	rddreg [dreg:$0xa];
	s10 =	simm.s32 $0x4100  }
0x4a: {  	[tilespmem:s10], [sflag:$0x2] =	stream.linear.gather [hbm4b:s12+s3], $0x4000, $0x38;
	[tilespmem:$0xA108] =	vst v63  }
0x4b: {  	_ =	swait.ge [sflag:s11], $0x80  }
0x4c: {  	[sflag:s11] =	ssyncset.done $0x0  }
0x4d: {  	[sflag:s11] =	ssyncadd.s32 $0xFFFFFF80  }
0x4e: {  	_ =	swait.ge [sflag:s11], $0x4000  }
0x4f: {  	[sflag:s11] =	ssyncset.done $0x0  }
0x50: {  	s12 =	simm.s32 $0x3;
	[sflag:s11] =	ssyncadd.s32 $0xFFFFC000  }
0x51: {  	[spmem:s2] =	stream.indirect.scatter.add.f32 [tilespmem:s10], [sflag:$0x4], $0x80, s9, s9, $0xb8;
	[tilespmem:$0xA108] =	vst v63  }
0x52: {  	_ =	swait.ge [sflag:s12], $0x4000  }
0x53: {  	[sflag:s12] =	ssyncset.done $0x0  }
0x54: {  	s13 =	rddreg [dreg:$0xb];
	[sflag:s12] =	ssyncadd.s32 $0xFFFFC000  }
0x55: {  	[tilespmem:s3], [sflag:$0x1] =	stream.linear.gather [hbm4b:s13+s3], $0x80, $0x38;
	[tilespmem:$0xA108] =	vst v63  }
0x56: {  	s15 =	rddreg [dreg:$0xc]  }
0x57: {  	[tilespmem:s7], [sflag:$0x1] =	stream.linear.gather [hbm4b:s15+s3], $0x4000, $0x38;
	[tilespmem:$0xA108] =	vst v63  }
0x58: {  	_ =	swait.ge [sflag:s8], $0x80  }
0x59: {  	[sflag:s8] =	ssyncset.done $0x0  }
0x5a: {  	[sflag:s8] =	ssyncadd.s32 $0xFFFFFF80  }
0x5b: {  	_ =	swait.ge [sflag:s8], $0x4000  }
0x5c: {  	[sflag:s8] =	ssyncset.done $0x0  }
0x5d: {  	s13 =	simm.s32 $0x4;
	[sflag:s8] =	ssyncadd.s32 $0xFFFFC000  }
0x5e: {  	[spmem:s2] =	stream.indirect.scatter.add.f32 [tilespmem:s7], [sflag:$0x3], $0x80, s3, s9, $0xb8;
	[tilespmem:$0xA108] =	vst v63  }
0x5f: {  	_ =	swait.ge [sflag:s13], $0x4000  }
0x60: {  	[sflag:s13] =	ssyncset.done $0x0  }
0x61: {  	s21 =	rddreg [dreg:$0xd];
	[sflag:s13] =	ssyncadd.s32 $0xFFFFC000  }
0x62: {  	[tilespmem:s9], [sflag:$0x2] =	stream.linear.gather [hbm4b:s21+s3], $0x80, $0x38;
	[tilespmem:$0xA108] =	vst v63  }
0x63: {  	s16 =	rddreg [dreg:$0xe]  }
0x64: {  	[tilespmem:s10], [sflag:$0x2] =	stream.linear.gather [hbm4b:s16+s3], $0x4000, $0x38;
	[tilespmem:$0xA108] =	vst v63  }
0x65: {  	_ =	swait.ge [sflag:s11], $0x80  }
0x66: {  	[sflag:s11] =	ssyncset.done $0x0  }
0x67: {  	[sflag:s11] =	ssyncadd.s32 $0xFFFFFF80  }
0x68: {  	_ =	swait.ge [sflag:s11], $0x4000  }
0x69: {  	[sflag:s11] =	ssyncset.done $0x0  }
0x6a: {  	[sflag:s11] =	ssyncadd.s32 $0xFFFFC000  }
0x6b: {  	[spmem:s2] =	stream.indirect.scatter.add.f32 [tilespmem:s10], [sflag:$0x4], $0x80, s9, s9, $0xb8;
	[tilespmem:$0xA108] =	vst v63  }
0x6c: {  	_ =	swait.ge [sflag:s12], $0x4000  }
0x6d: {  	[sflag:s12] =	ssyncset.done $0x0  }
0x6e: {  	s22 =	rddreg [dreg:$0xf];
	[sflag:s12] =	ssyncadd.s32 $0xFFFFC000  }
0x6f: {  	[tilespmem:s3], [sflag:$0x1] =	stream.linear.gather [hbm4b:s22+s3], $0x80, $0x38;
	[tilespmem:$0xA108] =	vst v63  }
0x70: {  	s23 =	rddreg [dreg:$0x10]  }
0x71: {  	[tilespmem:s7], [sflag:$0x1] =	stream.linear.gather [hbm4b:s23+s3], $0x4000, $0x38;
	[tilespmem:$0xA108] =	vst v63  }
0x72: {  	_ =	swait.ge [sflag:s8], $0x80  }
0x73: {  	[sflag:s8] =	ssyncset.done $0x0  }
0x74: {  	[sflag:s8] =	ssyncadd.s32 $0xFFFFFF80  }
0x75: {  	_ =	swait.ge [sflag:s8], $0x4000  }
0x76: {  	[sflag:s8] =	ssyncset.done $0x0  }
0x77: {  	[sflag:s8] =	ssyncadd.s32 $0xFFFFC000  }
0x78: {  	[spmem:s2] =	stream.indirect.scatter.add.f32 [tilespmem:s7], [sflag:$0x3], $0x80, s3, s9, $0xb8;
	[tilespmem:$0xA108] =	vst v63  }
0x79: {  	_ =	swait.ge [sflag:s13], $0x4000  }
0x7a: {  	[sflag:s13] =	ssyncset.done $0x0  }
0x7b: {  	s24 =	rddreg [dreg:$0x11];
	[sflag:s13] =	ssyncadd.s32 $0xFFFFC000  }
0x7c: {  	[tilespmem:s9], [sflag:$0x2] =	stream.linear.gather [hbm4b:s24+s3], $0x80, $0x38;
	[tilespmem:$0xA108] =	vst v63  }
0x7d: {  	s0 =	rddreg [dreg:$0x12]  }
0x7e: {  	[tilespmem:s10], [sflag:$0x2] =	stream.linear.gather [hbm4b:s0+s3], $0x4000, $0x38;
	[tilespmem:$0xA108] =	vst v63  }
0x7f: {  	_ =	swait.ge [sflag:s11], $0x80  }
0x80: {  	[sflag:s11] =	ssyncset.done $0x0  }
0x81: {  	[sflag:s11] =	ssyncadd.s32 $0xFFFFFF80  }
0x82: {  	_ =	swait.ge [sflag:s11], $0x4000  }
0x83: {  	[sflag:s11] =	ssyncset.done $0x0  }
0x84: {  	[sflag:s11] =	ssyncadd.s32 $0xFFFFC000  }
0x85: {  	[spmem:s2] =	stream.indirect.scatter.add.f32 [tilespmem:s10], [sflag:$0x4], $0x80, s9, s9, $0xb8;
	[tilespmem:$0xA108] =	vst v63  }
0x86: {  	_ =	swait.ge [sflag:s12], $0x4000  }
0x87: {  	[sflag:s12] =	ssyncset.done $0x0  }
0x88: {  	s16 =	rddreg [dreg:$0x13];
	[sflag:s12] =	ssyncadd.s32 $0xFFFFC000  }
0x89: {  	[tilespmem:s3], [sflag:$0x1] =	stream.linear.gather [hbm4b:s16+s3], $0x80, $0x38;
	[tilespmem:$0xA108] =	vst v63  }
0x8a: {  	s17 =	rddreg [dreg:$0x14]  }
0x8b: {  	[tilespmem:s7], [sflag:$0x1] =	stream.linear.gather [hbm4b:s17+s3], $0x4000, $0x38;
	[tilespmem:$0xA108] =	vst v63  }
0x8c: {  	_ =	swait.ge [sflag:s8], $0x80  }
0x8d: {  	[sflag:s8] =	ssyncset.done $0x0  }
0x8e: {  	[sflag:s8] =	ssyncadd.s32 $0xFFFFFF80  }
0x8f: {  	_ =	swait.ge [sflag:s8], $0x4000  }
0x90: {  	[sflag:s8] =	ssyncset.done $0x0  }
0x91: {  	[sflag:s8] =	ssyncadd.s32 $0xFFFFC000  }
0x92: {  	[spmem:s2] =	stream.indirect.scatter.add.f32 [tilespmem:s7], [sflag:$0x3], $0x80, s3, s9, $0xb8;
	[tilespmem:$0xA108] =	vst v63  }
0x93: {  	_ =	swait.ge [sflag:s13], $0x4000  }
0x94: {  	[sflag:s13] =	ssyncset.done $0x0  }
0x95: {  	s18 =	rddreg [dreg:$0x15];
	[sflag:s13] =	ssyncadd.s32 $0xFFFFC000  }
0x96: {  	[tilespmem:s9], [sflag:$0x2] =	stream.linear.gather [hbm4b:s18+s3], $0x80, $0x38;
	[tilespmem:$0xA108] =	vst v63  }
0x97: {  	s19 =	rddreg [dreg:$0x16]  }
0x98: {  	[tilespmem:s10], [sflag:$0x2] =	stream.linear.gather [hbm4b:s19+s3], $0x4000, $0x38;
	[tilespmem:$0xA108] =	vst v63  }
0x99: {  	_ =	swait.ge [sflag:s11], $0x80  }
0x9a: {  	[sflag:s11] =	ssyncset.done $0x0  }
0x9b: {  	[sflag:s11] =	ssyncadd.s32 $0xFFFFFF80  }
0x9c: {  	_ =	swait.ge [sflag:s11], $0x4000  }
0x9d: {  	[sflag:s11] =	ssyncset.done $0x0  }
0x9e: {  	[sflag:s11] =	ssyncadd.s32 $0xFFFFC000  }
0x9f: {  	[spmem:s2] =	stream.indirect.scatter.add.f32 [tilespmem:s10], [sflag:$0x4], $0x80, s9, s9, $0xb8;
	[tilespmem:$0xA108] =	vst v63  }
0xa0: {  	_ =	swait.ge [sflag:s12], $0x4000  }
0xa1: {  	[sflag:s12] =	ssyncset.done $0x0  }
0xa2: {  	s20 =	rddreg [dreg:$0x17];
	[sflag:s12] =	ssyncadd.s32 $0xFFFFC000  }
0xa3: {  	[tilespmem:s3], [sflag:$0x1] =	stream.linear.gather [hbm4b:s20+s3], $0x80, $0x38;
	[tilespmem:$0xA108] =	vst v63  }
0xa4: {  	s21 =	rddreg [dreg:$0x18]  }
0xa5: {  	[tilespmem:s7], [sflag:$0x1] =	stream.linear.gather [hbm4b:s21+s3], $0x4000, $0x38;
	[tilespmem:$0xA108] =	vst v63  }
0xa6: {  	_ =	swait.ge [sflag:s8], $0x80  }
0xa7: {  	[sflag:s8] =	ssyncset.done $0x0  }
0xa8: {  	[sflag:s8] =	ssyncadd.s32 $0xFFFFFF80  }
0xa9: {  	_ =	swait.ge [sflag:s8], $0x4000  }
0xaa: {  	[sflag:s8] =	ssyncset.done $0x0  }
0xab: {  	[sflag:s8] =	ssyncadd.s32 $0xFFFFC000  }
0xac: {  	[spmem:s2] =	stream.indirect.scatter.add.f32 [tilespmem:s7], [sflag:$0x3], $0x80, s3, s9, $0xb8;
	[tilespmem:$0xA108] =	vst v63  }
0xad: {  	_ =	swait.ge [sflag:s13], $0x4000  }
0xae: {  	[sflag:s13] =	ssyncset.done $0x0  }
0xaf: {  	s22 =	rddreg [dreg:$0x19];
	[sflag:s13] =	ssyncadd.s32 $0xFFFFC000  }
0xb0: {  	[tilespmem:s9], [sflag:$0x2] =	stream.linear.gather [hbm4b:s22+s3], $0x80, $0x38;
	[tilespmem:$0xA108] =	vst v63  }
0xb1: {  	s23 =	rddreg [dreg:$0x1a]  }
0xb2: {  	[tilespmem:s10], [sflag:$0x2] =	stream.linear.gather [hbm4b:s23+s3], $0x4000, $0x38;
	[tilespmem:$0xA108] =	vst v63  }
0xb3: {  	_ =	swait.ge [sflag:s11], $0x80  }
0xb4: {  	[sflag:s11] =	ssyncset.done $0x0  }
0xb5: {  	[sflag:s11] =	ssyncadd.s32 $0xFFFFFF80  }
0xb6: {  	_ =	swait.ge [sflag:s11], $0x4000  }
0xb7: {  	[sflag:s11] =	ssyncset.done $0x0  }
0xb8: {  	[sflag:s11] =	ssyncadd.s32 $0xFFFFC000  }
0xb9: {  	[spmem:s2] =	stream.indirect.scatter.add.f32 [tilespmem:s10], [sflag:$0x4], $0x80, s9, s9, $0xb8;
	[tilespmem:$0xA108] =	vst v63  }
0xba: {  	_ =	swait.ge [sflag:s12], $0x4000  }
0xbb: {  	[sflag:s12] =	ssyncset.done $0x0  }
0xbc: {  	s24 =	rddreg [dreg:$0x1b];
	[sflag:s12] =	ssyncadd.s32 $0xFFFFC000  }
0xbd: {  	[tilespmem:s3], [sflag:$0x1] =	stream.linear.gather [hbm4b:s24+s3], $0x80, $0x38;
	[tilespmem:$0xA108] =	vst v63  }
0xbe: {  	s0 =	rddreg [dreg:$0x1c]  }
0xbf: {  	[tilespmem:s7], [sflag:$0x1] =	stream.linear.gather [hbm4b:s0+s3], $0x4000, $0x38;
	[tilespmem:$0xA108] =	vst v63  }
0xc0: {  	_ =	swait.ge [sflag:s8], $0x80  }
0xc1: {  	[sflag:s8] =	ssyncset.done $0x0  }
0xc2: {  	[sflag:s8] =	ssyncadd.s32 $0xFFFFFF80  }
0xc3: {  	_ =	swait.ge [sflag:s8], $0x4000  }
0xc4: {  	[sflag:s8] =	ssyncset.done $0x0  }
0xc5: {  	[sflag:s8] =	ssyncadd.s32 $0xFFFFC000  }
0xc6: {  	[spmem:s2] =	stream.indirect.scatter.add.f32 [tilespmem:s7], [sflag:$0x3], $0x80, s3, s9, $0xb8;
	[tilespmem:$0xA108] =	vst v63  }
0xc7: {  	_ =	swait.ge [sflag:s13], $0x4000  }
0xc8: {  	[sflag:s13] =	ssyncset.done $0x0  }
0xc9: {  	s16 =	rddreg [dreg:$0x1d];
	[sflag:s13] =	ssyncadd.s32 $0xFFFFC000  }
0xca: {  	[tilespmem:s9], [sflag:$0x2] =	stream.linear.gather [hbm4b:s16+s3], $0x80, $0x38;
	[tilespmem:$0xA108] =	vst v63  }
0xcb: {  	s17 =	rddreg [dreg:$0x1e]  }
0xcc: {  	[tilespmem:s10], [sflag:$0x2] =	stream.linear.gather [hbm4b:s17+s3], $0x4000, $0x38;
	[tilespmem:$0xA108] =	vst v63  }
0xcd: {  	_ =	swait.ge [sflag:s11], $0x80  }
0xce: {  	[sflag:s11] =	ssyncset.done $0x0  }
0xcf: {  	[sflag:s11] =	ssyncadd.s32 $0xFFFFFF80  }
0xd0: {  	_ =	swait.ge [sflag:s11], $0x4000  }
0xd1: {  	[sflag:s11] =	ssyncset.done $0x0  }
0xd2: {  	[sflag:s11] =	ssyncadd.s32 $0xFFFFC000  }
0xd3: {  	[spmem:s2] =	stream.indirect.scatter.add.f32 [tilespmem:s10], [sflag:$0x4], $0x80, s9, s9, $0xb8;
	[tilespmem:$0xA108] =	vst v63  }
0xd4: {  	_ =	swait.ge [sflag:s12], $0x4000  }
0xd5: {  	s18 =	rddreg [dreg:$0x1f];
	[sflag:s12] =	ssyncset.done $0x0  }
0xd6: {  	s19 =	sld [smem:$0x7F1];
	[sflag:s12] =	ssyncadd.s32 $0xFFFFC000  }
0xd7: {  	[tilespmem:s3], [sflag:$0x1] =	stream.linear.gather [hbm4b:s18+s3], $0x80, $0x38;
	[tilespmem:$0xA108] =	vst v63  }
0xd8: {  	_ = 	snop  }
0xd9: {  	[tilespmem:s7], [sflag:$0x1] =	stream.linear.gather [hbm4b:s19+s3], $0x4000, $0x38;
	[tilespmem:$0xA108] =	vst v63  }
0xda: {  	_ =	swait.ge [sflag:s8], $0x80  }
0xdb: {  	[sflag:s8] =	ssyncset.done $0x0  }
0xdc: {  	[sflag:s8] =	ssyncadd.s32 $0xFFFFFF80  }
0xdd: {  	_ =	swait.ge [sflag:s8], $0x4000  }
0xde: {  	[sflag:s8] =	ssyncset.done $0x0  }
0xdf: {  	[sflag:s8] =	ssyncadd.s32 $0xFFFFC000  }
0xe0: {  	[spmem:s2] =	stream.indirect.scatter.add.f32 [tilespmem:s7], [sflag:$0x3], $0x80, s3, s9, $0xb8;
	[tilespmem:$0xA108] =	vst v63  }
0xe1: {  	_ =	swait.ge [sflag:s13], $0x4000  }
0xe2: {  	s20 =	sld [smem:$0x7F2]  }
0xe3: {  	[sflag:s13] =	ssyncset.done $0x0  }
0xe4: {  	s21 =	sld [smem:$0x7F3];
	[sflag:s13] =	ssyncadd.s32 $0xFFFFC000  }
0xe5: {  	[tilespmem:s9], [sflag:$0x2] =	stream.linear.gather [hbm4b:s20+s3], $0x80, $0x38;
	[tilespmem:$0xA108] =	vst v63  }
0xe6: {  	_ = 	snop  }
0xe7: {  	[tilespmem:s10], [sflag:$0x2] =	stream.linear.gather [hbm4b:s21+s3], $0x4000, $0x38;
	[tilespmem:$0xA108] =	vst v63  }
0xe8: {  	_ =	swait.ge [sflag:s11], $0x80  }
0xe9: {  	[sflag:s11] =	ssyncset.done $0x0  }
0xea: {  	[sflag:s11] =	ssyncadd.s32 $0xFFFFFF80  }
0xeb: {  	_ =	swait.ge [sflag:s11], $0x4000  }
0xec: {  	[sflag:s11] =	ssyncset.done $0x0  }
0xed: {  	[sflag:s11] =	ssyncadd.s32 $0xFFFFC000  }
0xee: {  	[spmem:s2] =	stream.indirect.scatter.add.f32 [tilespmem:s10], [sflag:$0x4], $0x80, s9, s9, $0xb8;
	[tilespmem:$0xA108] =	vst v63  }
0xef: {  	_ =	swait.ge [sflag:s12], $0x4000  }
0xf0: {  	s22 =	sld [smem:$0x7F4]  }
0xf1: {  	[sflag:s12] =	ssyncset.done $0x0  }
0xf2: {  	s23 =	sld [smem:$0x7F5];
	[sflag:s12] =	ssyncadd.s32 $0xFFFFC000  }
0xf3: {  	[tilespmem:s3], [sflag:$0x1] =	stream.linear.gather [hbm4b:s22+s3], $0x80, $0x38;
	[tilespmem:$0xA108] =	vst v63  }
0xf4: {  	_ = 	snop  }
0xf5: {  	[tilespmem:s7], [sflag:$0x1] =	stream.linear.gather [hbm4b:s23+s3], $0x4000, $0x38;
	[tilespmem:$0xA108] =	vst v63  }
0xf6: {  	_ =	swait.ge [sflag:s8], $0x80  }
0xf7: {  	[sflag:s8] =	ssyncset.done $0x0  }
0xf8: {  	[sflag:s8] =	ssyncadd.s32 $0xFFFFFF80  }
0xf9: {  	_ =	swait.ge [sflag:s8], $0x4000  }
0xfa: {  	[sflag:s8] =	ssyncset.done $0x0  }
0xfb: {  	[sflag:s8] =	ssyncadd.s32 $0xFFFFC000  }
0xfc: {  	[spmem:s2] =	stream.indirect.scatter.add.f32 [tilespmem:s7], [sflag:$0x3], $0x80, s3, s9, $0xb8;
	[tilespmem:$0xA108] =	vst v63  }
0xfd: {  	_ =	swait.ge [sflag:s13], $0x4000  }
0xfe: {  	s24 =	sld [smem:$0x7F6]  }
0xff: {  	[sflag:s13] =	ssyncset.done $0x0  }
0x100: {  	s0 =	sld [smem:$0x7F7];
	[sflag:s13] =	ssyncadd.s32 $0xFFFFC000  }
0x101: {  	[tilespmem:s9], [sflag:$0x2] =	stream.linear.gather [hbm4b:s24+s3], $0x80, $0x38;
	[tilespmem:$0xA108] =	vst v63  }
0x102: {  	_ = 	snop  }
0x103: {  	[tilespmem:s10], [sflag:$0x2] =	stream.linear.gather [hbm4b:s0+s3], $0x4000, $0x38;
	[tilespmem:$0xA108] =	vst v63  }
0x104: {  	_ =	swait.ge [sflag:s11], $0x80  }
0x105: {  	[sflag:s11] =	ssyncset.done $0x0  }
0x106: {  	[sflag:s11] =	ssyncadd.s32 $0xFFFFFF80  }
0x107: {  	_ =	swait.ge [sflag:s11], $0x4000  }
0x108: {  	[sflag:s11] =	ssyncset.done $0x0  }
0x109: {  	[sflag:s11] =	ssyncadd.s32 $0xFFFFC000  }
0x10a: {  	[spmem:s2] =	stream.indirect.scatter.add.f32 [tilespmem:s10], [sflag:$0x4], $0x80, s9, s9, $0xb8;
	[tilespmem:$0xA108] =	vst v63  }
0x10b: {  	_ =	swait.ge [sflag:s12], $0x4000  }
0x10c: {  	s17 =	sld [smem:$0x7F8]  }
0x10d: {  	[sflag:s12] =	ssyncset.done $0x0  }
0x10e: {  	s18 =	sld [smem:$0x7F9];
	[sflag:s12] =	ssyncadd.s32 $0xFFFFC000  }
0x10f: {  	[tilespmem:s3], [sflag:$0x1] =	stream.linear.gather [hbm4b:s17+s3], $0x80, $0x38;
	[tilespmem:$0xA108] =	vst v63  }
0x110: {  	_ = 	snop  }
0x111: {  	[tilespmem:s7], [sflag:$0x1] =	stream.linear.gather [hbm4b:s18+s3], $0x4000, $0x38;
	[tilespmem:$0xA108] =	vst v63  }
0x112: {  	_ =	swait.ge [sflag:s8], $0x80  }
0x113: {  	[sflag:s8] =	ssyncset.done $0x0  }
0x114: {  	[sflag:s8] =	ssyncadd.s32 $0xFFFFFF80  }
0x115: {  	_ =	swait.ge [sflag:s8], $0x4000  }
0x116: {  	[sflag:s8] =	ssyncset.done $0x0  }
0x117: {  	[sflag:s8] =	ssyncadd.s32 $0xFFFFC000  }
0x118: {  	[spmem:s2] =	stream.indirect.scatter.add.f32 [tilespmem:s7], [sflag:$0x3], $0x80, s3, s9, $0xb8;
	[tilespmem:$0xA108] =	vst v63  }
0x119: {  	_ =	swait.ge [sflag:s13], $0x4000  }
0x11a: {  	s19 =	sld [smem:$0x7FA]  }
0x11b: {  	[sflag:s13] =	ssyncset.done $0x0  }
0x11c: {  	s20 =	sld [smem:$0x7FB];
	[sflag:s13] =	ssyncadd.s32 $0xFFFFC000  }
0x11d: {  	[tilespmem:s9], [sflag:$0x2] =	stream.linear.gather [hbm4b:s19+s3], $0x80, $0x38;
	[tilespmem:$0xA108] =	vst v63  }
0x11e: {  	_ = 	snop  }
0x11f: {  	[tilespmem:s10], [sflag:$0x2] =	stream.linear.gather [hbm4b:s20+s3], $0x4000, $0x38;
	[tilespmem:$0xA108] =	vst v63  }
0x120: {  	_ =	swait.ge [sflag:s11], $0x80  }
0x121: {  	[sflag:s11] =	ssyncset.done $0x0  }
0x122: {  	[sflag:s11] =	ssyncadd.s32 $0xFFFFFF80  }
0x123: {  	_ =	swait.ge [sflag:s11], $0x4000  }
0x124: {  	[sflag:s11] =	ssyncset.done $0x0  }
0x125: {  	[sflag:s11] =	ssyncadd.s32 $0xFFFFC000  }
0x126: {  	[spmem:s2] =	stream.indirect.scatter.add.f32 [tilespmem:s10], [sflag:$0x4], $0x80, s9, s9, $0xb8;
	[tilespmem:$0xA108] =	vst v63  }
0x127: {  	_ =	swait.ge [sflag:s12], $0x4000  }
0x128: {  	s21 =	sld [smem:$0x7FC]  }
0x129: {  	s14 =	sshll.u32 s14, $0x4;
	[sflag:s12] =	ssyncset.done $0x0  }
0x12a: {  	s22 =	sadd.s32 s29, s14;
	[sflag:s12] =	ssyncadd.s32 $0xFFFFC000  }
0x12b: {  	[tilespmem:s3], [sflag:$0x1] =	stream.linear.gather [hbm4b:s21+s3], $0x80, $0x38;
	[tilespmem:$0xA108] =	vst v63  }
0x12c: {  	[smem:$0x7FD] =	sst s22  }
0x12d: {  	[tilespmem:s7], [sflag:$0x1] =	stream.linear.gather [hbm4b:s22+s3], $0x4000, $0x38;
	[tilespmem:$0xA108] =	vst v63  }
0x12e: {  	_ =	swait.ge [sflag:s8], $0x80  }
0x12f: {  	[sflag:s8] =	ssyncset.done $0x0  }
0x130: {  	[sflag:s8] =	ssyncadd.s32 $0xFFFFFF80  }
0x131: {  	_ =	swait.ge [sflag:s8], $0x4000  }
0x132: {  	[sflag:s8] =	ssyncset.done $0x0  }
0x133: {  	[sflag:s8] =	ssyncadd.s32 $0xFFFFC000  }
0x134: {  	[spmem:s2] =	stream.indirect.scatter.add.f32 [tilespmem:s7], [sflag:$0x3], $0x80, s3, s9, $0xb8;
	[tilespmem:$0xA108] =	vst v63  }
0x135: {  	s23 =	sor.u32 $0x13000, s28;
	_ =	swait.ge [sflag:s13], $0x4000  }
0x136: {  	s24 =	sshrl.u32 s23, $0x3;
	[sflag:s13] =	ssyncset.done $0x0  }
0x137: {  	s16 =	sshll.u32 s23, $0x4;
	s15 =	sadd.s32 s25, s24;
	[sflag:s13] =	ssyncadd.s32 $0xFFFFC000  }
0x138: {  	[tilespmem:s9], [sflag:$0x2] =	stream.linear.gather [hbm4b:s15+s3], $0x80, $0x38;
	[tilespmem:$0xA108] =	vst v63  }
0x139: {  	s16 =	sadd.s32 s29, s16  }
0x13a: {  	[tilespmem:s10], [sflag:$0x2] =	stream.linear.gather [hbm4b:s16+s3], $0x4000, $0x38;
	[tilespmem:$0xA108] =	vst v63  }
0x13b: {  	_ =	swait.ge [sflag:s11], $0x80  }
0x13c: {  	[sflag:s11] =	ssyncset.done $0x0  }
0x13d: {  	[sflag:s11] =	ssyncadd.s32 $0xFFFFFF80  }
0x13e: {  	_ =	swait.ge [sflag:s11], $0x4000  }
0x13f: {  	[sflag:s11] =	ssyncset.done $0x0  }
0x140: {  	[sflag:s11] =	ssyncadd.s32 $0xFFFFC000  }
0x141: {  	[spmem:s2] =	stream.indirect.scatter.add.f32 [tilespmem:s10], [sflag:$0x4], $0x80, s9, s9, $0xb8;
	[tilespmem:$0xA108] =	vst v63  }
0x142: {  	s18 =	sor.u32 $0x14000, s28;
	_ =	swait.ge [sflag:s12], $0x4000  }
0x143: {  	s17 =	sshrl.u32 s18, $0x3;
	[sflag:s12] =	ssyncset.done $0x0  }
0x144: {  	s18 =	sshll.u32 s18, $0x4;
	s17 =	sadd.s32 s25, s17;
	[sflag:s12] =	ssyncadd.s32 $0xFFFFC000  }
0x145: {  	[tilespmem:s3], [sflag:$0x1] =	stream.linear.gather [hbm4b:s17+s3], $0x80, $0x38;
	[tilespmem:$0xA108] =	vst v63  }
0x146: {  	s18 =	sadd.s32 s29, s18  }
0x147: {  	[tilespmem:s7], [sflag:$0x1] =	stream.linear.gather [hbm4b:s18+s3], $0x4000, $0x38;
	[tilespmem:$0xA108] =	vst v63  }
0x148: {  	_ =	swait.ge [sflag:s8], $0x80  }
0x149: {  	[sflag:s8] =	ssyncset.done $0x0  }
0x14a: {  	[sflag:s8] =	ssyncadd.s32 $0xFFFFFF80  }
0x14b: {  	_ =	swait.ge [sflag:s8], $0x4000  }
0x14c: {  	[sflag:s8] =	ssyncset.done $0x0  }
0x14d: {  	[sflag:s8] =	ssyncadd.s32 $0xFFFFC000  }
0x14e: {  	[spmem:s2] =	stream.indirect.scatter.add.f32 [tilespmem:s7], [sflag:$0x3], $0x80, s3, s9, $0xb8;
	[tilespmem:$0xA108] =	vst v63  }
0x14f: {  	s20 =	sor.u32 $0x15000, s28;
	_ =	swait.ge [sflag:s13], $0x4000  }
0x150: {  	s19 =	sshrl.u32 s20, $0x3;
	[sflag:s13] =	ssyncset.done $0x0  }
0x151: {  	s20 =	sshll.u32 s20, $0x4;
	s19 =	sadd.s32 s25, s19;
	[sflag:s13] =	ssyncadd.s32 $0xFFFFC000  }
0x152: {  	[tilespmem:s9], [sflag:$0x2] =	stream.linear.gather [hbm4b:s19+s3], $0x80, $0x38;
	[tilespmem:$0xA108] =	vst v63  }
0x153: {  	s20 =	sadd.s32 s29, s20  }
0x154: {  	[tilespmem:s10], [sflag:$0x2] =	stream.linear.gather [hbm4b:s20+s3], $0x4000, $0x38;
	[tilespmem:$0xA108] =	vst v63  }
0x155: {  	_ =	swait.ge [sflag:s11], $0x80  }
0x156: {  	[sflag:s11] =	ssyncset.done $0x0  }
0x157: {  	[sflag:s11] =	ssyncadd.s32 $0xFFFFFF80  }
0x158: {  	_ =	swait.ge [sflag:s11], $0x4000  }
0x159: {  	[sflag:s11] =	ssyncset.done $0x0  }
0x15a: {  	[sflag:s11] =	ssyncadd.s32 $0xFFFFC000  }
0x15b: {  	[spmem:s2] =	stream.indirect.scatter.add.f32 [tilespmem:s10], [sflag:$0x4], $0x80, s9, s9, $0xb8;
	[tilespmem:$0xA108] =	vst v63  }
0x15c: {  	s22 =	sor.u32 $0x16000, s28;
	_ =	swait.ge [sflag:s12], $0x4000  }
0x15d: {  	s21 =	sshrl.u32 s22, $0x3;
	[sflag:s12] =	ssyncset.done $0x0  }
0x15e: {  	s22 =	sshll.u32 s22, $0x4;
	s21 =	sadd.s32 s25, s21;
	[sflag:s12] =	ssyncadd.s32 $0xFFFFC000  }
0x15f: {  	[tilespmem:s3], [sflag:$0x1] =	stream.linear.gather [hbm4b:s21+s3], $0x80, $0x38;
	[tilespmem:$0xA108] =	vst v63  }
0x160: {  	s22 =	sadd.s32 s29, s22  }
0x161: {  	[tilespmem:s7], [sflag:$0x1] =	stream.linear.gather [hbm4b:s22+s3], $0x4000, $0x38;
	[tilespmem:$0xA108] =	vst v63  }
0x162: {  	_ =	swait.ge [sflag:s8], $0x80  }
0x163: {  	[sflag:s8] =	ssyncset.done $0x0  }
0x164: {  	[sflag:s8] =	ssyncadd.s32 $0xFFFFFF80  }
0x165: {  	_ =	swait.ge [sflag:s8], $0x4000  }
0x166: {  	[sflag:s8] =	ssyncset.done $0x0  }
0x167: {  	[sflag:s8] =	ssyncadd.s32 $0xFFFFC000  }
0x168: {  	[spmem:s2] =	stream.indirect.scatter.add.f32 [tilespmem:s7], [sflag:$0x3], $0x80, s3, s9, $0xb8;
	[tilespmem:$0xA108] =	vst v63  }
0x169: {  	s24 =	sor.u32 $0x17000, s28;
	_ =	swait.ge [sflag:s13], $0x4000  }
0x16a: {  	s23 =	sshrl.u32 s24, $0x3;
	[sflag:s13] =	ssyncset.done $0x0  }
0x16b: {  	s24 =	sshll.u32 s24, $0x4;
	s23 =	sadd.s32 s25, s23;
	[sflag:s13] =	ssyncadd.s32 $0xFFFFC000  }
0x16c: {  	[tilespmem:s9], [sflag:$0x2] =	stream.linear.gather [hbm4b:s23+s3], $0x80, $0x38;
	[tilespmem:$0xA108] =	vst v63  }
0x16d: {  	s24 =	sadd.s32 s29, s24  }
0x16e: {  	[tilespmem:s10], [sflag:$0x2] =	stream.linear.gather [hbm4b:s24+s3], $0x4000, $0x38;
	[tilespmem:$0xA108] =	vst v63  }
0x16f: {  	_ =	swait.ge [sflag:s11], $0x80  }
0x170: {  	[sflag:s11] =	ssyncset.done $0x0  }
0x171: {  	[sflag:s11] =	ssyncadd.s32 $0xFFFFFF80  }
0x172: {  	_ =	swait.ge [sflag:s11], $0x4000  }
0x173: {  	[sflag:s11] =	ssyncset.done $0x0  }
0x174: {  	[sflag:s11] =	ssyncadd.s32 $0xFFFFC000  }
0x175: {  	[spmem:s2] =	stream.indirect.scatter.add.f32 [tilespmem:s10], [sflag:$0x4], $0x80, s9, s9, $0xb8;
	[tilespmem:$0xA108] =	vst v63  }
0x176: {  	_ =	swait.ge [sflag:s12], $0x4000  }
0x177: {  	p1 =	seq.s32 s26, $0xD;
	s30 =	sor.u32 $0x18000, s28;
	[sflag:s12] =	ssyncset.done $0x0  }
0x178: {  	s30 =	simm.s32 @p1 $0x18620;
	[sflag:s12] =	ssyncadd.s32 $0xFFFFC000  }
0x179: {  	s14 =	stileid.u32;
	s0 =	sshrl.u32 s30, $0x3;
	_ =	swait.ge [sflag:s13], $0x4000  }
0x17a: {  	p0 =	sgt.u32 s14, $0x6;
	s26 =	sadd.s32 s25, s0;
	[sflag:s13] =	ssyncset.done $0x0  }
0x17b: {  	s28 =	simm.s32 @!p0 $0x0;
	s25 =	simm.s32 @!p0 $0x5;
	[sflag:s13] =	ssyncadd.s32 $0xFFFFC000  }
0x17c: {  	[tilespmem:s28], [sflag:$0x5] =	stream.linear.gather @!p0 [hbm4b:s26+s28], $0x80, $0x38;
	[tilespmem:$0xA108] =	vst v63  }
0x17d: {  	_ =	swait.ge @!p0 [sflag:s25], $0x80  }
0x17e: {  	s30 =	sshll.u32 s30, $0x4;
	[sflag:s25] =	ssyncset.done @!p0 $0x0  }
0x17f: {  	s29 =	sadd.s32 s29, s30;
	s30 =	simm.s32 @!p0 $0x100;
	[sflag:s25] =	ssyncadd.s32 @!p0 $0xFFFFFF80  }
0x180: {  	[tilespmem:s30], [sflag:$0x5] =	stream.linear.gather @!p0 [hbm4b:s29+s28], $0x4000, $0x38;
	[tilespmem:$0xA108] =	vst v63  }
0x181: {  	_ =	swait.ge @!p0 [sflag:s25], $0x4000  }
0x182: {  	[sflag:s25] =	ssyncset.done @!p0 $0x0  }
0x183: {  	[sflag:s25] =	ssyncadd.s32 @!p0 $0xFFFFC000  }
0x184: {  	v0 =	vld @!p0 [tilespmem:$0x50]  }
0x185: {  	s31 =	simm.s32 $0x60;
	v1 =	vld @!p0 [tilespmem:$0x40]  }
0x186: {  	s31 =	simm.s32 @!p1 $0x0;
	v2 =	vlaneseq.u32 @!p0;
	v3 =	vld @!p0 [tilespmem:$0x20]  }
0x187: {  	v4 =	vmov s31;
	v5 =	vor.u32 @!p0 $0x50, v2;
	v6 =	vld @!p0 [tilespmem:$0x30]  }
0x188: {  	s31 =	ssub.s32 $0x2, s1;
	v7 =	vor.u32 @!p0 $0x40, v2;
	vm0 =	vgt.u32 @!p0 v4, v5;
	v5 =	vld @!p0 [tilespmem:$0x10]  }
0x189: {  	v8 =	vor.u32 @!p0 $0x20, v2;
	vm1 =	vgt.u32 @!p0 v4, v7;
	s0 =	sshrl.u32 s31, $0x1;
	v7 =	vld @!p0 [tilespmem:$0x0];
	v0 =	vsel @!p0 vm0, $0x400, v0  }
0x18a: {  	v9 =	vor.u32 @!p0 $0x30, v2;
	vm2 =	vgt.u32 @!p0 v4, v8;
	s0 =	ssub.s32 s31, s0;
	v1 =	vsel @!p0 vm1, $0x400, v1;
	[tilespmem:$0x50] =	vst @!p0 v0  }
0x18b: {  	s1 =	sshll.u32 s1, $0xE;
	vm3 =	vgt.u32 @!p0 v4, v9;
	s0 =	smax.u32 s0, $0x1;
	s31 =	rddreg [dreg:$0x2];
	v3 =	vsel @!p0 vm2, $0x400, v3;
	v0 =	vor.u32 @!p0 $0x10, v2;
	[tilespmem:$0x40] =	vst @!p0 v1  }
0x18c: {  	s1 =	sadd.s32 s1, s31;
	s31 =	sadd.s32 $0xFFFFFFFF, s0;
	[tilespmem:$0x20] =	vst @!p0 v3;
	vm4 =	vgt.u32 @!p0 v4, v0;
	v0 =	vsel @!p0 vm3, $0x400, v6  }
0x18d: {  	vm5 =	vgt.u32 @!p0 v4, v2;
	p1 =	sne.s32 s31, $0x0;
	v1 =	vsel @!p0 vm4, $0x400, v5;
	[tilespmem:$0x30] =	vst @!p0 v0  }
.Ltmp0:
0x18e: {  	v0 =	vsel @!p0 vm5, $0x400, v7;
	[tilespmem:$0x10] =	vst @!p0 v1;
	(pc) =	sbr.rel @!p1 .LBB2_2-.Ltmp0, $4  }
0x18f: {  	s0 =	simm.s32 @!p0 $0x80;
	[tilespmem:$0x0] =	vst @!p0 v0  }
0x190: {  	[spmem:s2] =	stream.indirect.scatter.add.f32 @!p0 [tilespmem:s30], [sflag:$0x5], $0x80, s28, s0, $0xb8;
	[tilespmem:$0xA108] =	vst v63  }
0x191: {  	s14 =	sshll.u32 s14, $0xA;
	s1 =	sadd.s32 $0x2200, s1;
	_ =	swait.ge @!p0 [sflag:s25], $0x4000  }
0x192: {  	s0 =	sadd.s32 s14, s1;
	[sflag:s25] =	ssyncset.done @!p0 $0x0  }
.LBB2_1:
0x193: {  	[sflag:s25] =	ssyncadd.s32 @!p0 $0xFFFFC000  }
0x194: {  	[bflag:$0x0] =	sbarrier.arrive $0xFFFF  }
0x195: {  	[hbm:s0], [sflag:s4] =	dma.local [spmem:s6], $0x400  }
0x196: {  	_ =	swait.ge [sflag:s5], $0x400  }
0x197: {  	s14 =	rddreg [dreg:$0x6];
	[sflag:s5] =	ssyncset.done $0x0  }
0x198: {  	s1 =	rddreg [dreg:$0x5];
	[sflag:s5] =	ssyncadd.s32 $0xFFFFFC00;
	s6 =	sshrl.u32 s14, $0x3  }
0x199: {  	[spmem:s6], [sflag:s4] =	dma.local [hbm:s1], $0x400  }
0x19a: {  	_ =	swait.ge [sflag:s5], $0x400  }
0x19b: {  	[sflag:s5] =	ssyncset.done $0x0  }
0x19c: {  	[sflag:s5] =	ssyncadd.s32 $0xFFFFFC00  }
0x19d: {  	[bflag:$0x0] =	sbarrier.arrive $0xFFFF  }
0x19e: {  	s1 =	rddreg [dreg:$0x7]  }
0x19f: {  	[tilespmem:s3], [sflag:$0x1] =	stream.linear.gather [hbm4b:s1+s3], $0x80, $0x38;
	[tilespmem:$0xA108] =	vst v63  }
0x1a0: {  	s14 =	rddreg [dreg:$0x8]  }
0x1a1: {  	[tilespmem:s7], [sflag:$0x1] =	stream.linear.gather [hbm4b:s14+s3], $0x4000, $0x38;
	[tilespmem:$0xA108] =	vst v63  }
0x1a2: {  	_ =	swait.ge [sflag:s8], $0x80  }
0x1a3: {  	[sflag:s8] =	ssyncset.done $0x0  }
0x1a4: {  	[sflag:s8] =	ssyncadd.s32 $0xFFFFFF80  }
0x1a5: {  	_ =	swait.ge [sflag:s8], $0x4000  }
0x1a6: {  	[sflag:s8] =	ssyncset.done $0x0  }
0x1a7: {  	[sflag:s8] =	ssyncadd.s32 $0xFFFFC000  }
0x1a8: {  	[spmem:s2] =	stream.indirect.scatter.add.f32 [tilespmem:s7], [sflag:$0x3], $0x80, s3, s9, $0xb8;
	[tilespmem:$0xA108] =	vst v63  }
0x1a9: {  	s1 =	rddreg [dreg:$0x9]  }
0x1aa: {  	[tilespmem:s9], [sflag:$0x2] =	stream.linear.gather [hbm4b:s1+s3], $0x80, $0x38;
	[tilespmem:$0xA108] =	vst v63  }
0x1ab: {  	s14 =	rddreg [dreg:$0xa]  }
0x1ac: {  	[tilespmem:s10], [sflag:$0x2] =	stream.linear.gather [hbm4b:s14+s3], $0x4000, $0x38;
	[tilespmem:$0xA108] =	vst v63  }
0x1ad: {  	_ =	swait.ge [sflag:s11], $0x80  }
0x1ae: {  	[sflag:s11] =	ssyncset.done $0x0  }
0x1af: {  	[sflag:s11] =	ssyncadd.s32 $0xFFFFFF80  }
0x1b0: {  	_ =	swait.ge [sflag:s11], $0x4000  }
0x1b1: {  	[sflag:s11] =	ssyncset.done $0x0  }
0x1b2: {  	[sflag:s11] =	ssyncadd.s32 $0xFFFFC000  }
0x1b3: {  	[spmem:s2] =	stream.indirect.scatter.add.f32 [tilespmem:s10], [sflag:$0x4], $0x80, s9, s9, $0xb8;
	[tilespmem:$0xA108] =	vst v63  }
0x1b4: {  	_ =	swait.ge [sflag:s12], $0x4000  }
0x1b5: {  	[sflag:s12] =	ssyncset.done $0x0  }
0x1b6: {  	s1 =	rddreg [dreg:$0xb];
	[sflag:s12] =	ssyncadd.s32 $0xFFFFC000  }
0x1b7: {  	[tilespmem:s3], [sflag:$0x1] =	stream.linear.gather [hbm4b:s1+s3], $0x80, $0x38;
	[tilespmem:$0xA108] =	vst v63  }
0x1b8: {  	s14 =	rddreg [dreg:$0xc]  }
0x1b9: {  	[tilespmem:s7], [sflag:$0x1] =	stream.linear.gather [hbm4b:s14+s3], $0x4000, $0x38;
	[tilespmem:$0xA108] =	vst v63  }
0x1ba: {  	_ =	swait.ge [sflag:s8], $0x80  }
0x1bb: {  	[sflag:s8] =	ssyncset.done $0x0  }
0x1bc: {  	[sflag:s8] =	ssyncadd.s32 $0xFFFFFF80  }
0x1bd: {  	_ =	swait.ge [sflag:s8], $0x4000  }
0x1be: {  	[sflag:s8] =	ssyncset.done $0x0  }
0x1bf: {  	[sflag:s8] =	ssyncadd.s32 $0xFFFFC000  }
0x1c0: {  	[spmem:s2] =	stream.indirect.scatter.add.f32 [tilespmem:s7], [sflag:$0x3], $0x80, s3, s9, $0xb8;
	[tilespmem:$0xA108] =	vst v63  }
0x1c1: {  	_ =	swait.ge [sflag:s13], $0x4000  }
0x1c2: {  	[sflag:s13] =	ssyncset.done $0x0  }
0x1c3: {  	s1 =	rddreg [dreg:$0xd];
	[sflag:s13] =	ssyncadd.s32 $0xFFFFC000  }
0x1c4: {  	[tilespmem:s9], [sflag:$0x2] =	stream.linear.gather [hbm4b:s1+s3], $0x80, $0x38;
	[tilespmem:$0xA108] =	vst v63  }
0x1c5: {  	s14 =	rddreg [dreg:$0xe]  }
0x1c6: {  	[tilespmem:s10], [sflag:$0x2] =	stream.linear.gather [hbm4b:s14+s3], $0x4000, $0x38;
	[tilespmem:$0xA108] =	vst v63  }
0x1c7: {  	_ =	swait.ge [sflag:s11], $0x80  }
0x1c8: {  	[sflag:s11] =	ssyncset.done $0x0  }
0x1c9: {  	[sflag:s11] =	ssyncadd.s32 $0xFFFFFF80  }
0x1ca: {  	_ =	swait.ge [sflag:s11], $0x4000  }
0x1cb: {  	[sflag:s11] =	ssyncset.done $0x0  }
0x1cc: {  	[sflag:s11] =	ssyncadd.s32 $0xFFFFC000  }
0x1cd: {  	[spmem:s2] =	stream.indirect.scatter.add.f32 [tilespmem:s10], [sflag:$0x4], $0x80, s9, s9, $0xb8;
	[tilespmem:$0xA108] =	vst v63  }
0x1ce: {  	_ =	swait.ge [sflag:s12], $0x4000  }
0x1cf: {  	[sflag:s12] =	ssyncset.done $0x0  }
0x1d0: {  	s1 =	rddreg [dreg:$0xf];
	[sflag:s12] =	ssyncadd.s32 $0xFFFFC000  }
0x1d1: {  	[tilespmem:s3], [sflag:$0x1] =	stream.linear.gather [hbm4b:s1+s3], $0x80, $0x38;
	[tilespmem:$0xA108] =	vst v63  }
0x1d2: {  	s14 =	rddreg [dreg:$0x10]  }
0x1d3: {  	[tilespmem:s7], [sflag:$0x1] =	stream.linear.gather [hbm4b:s14+s3], $0x4000, $0x38;
	[tilespmem:$0xA108] =	vst v63  }
0x1d4: {  	_ =	swait.ge [sflag:s8], $0x80  }
0x1d5: {  	[sflag:s8] =	ssyncset.done $0x0  }
0x1d6: {  	[sflag:s8] =	ssyncadd.s32 $0xFFFFFF80  }
0x1d7: {  	_ =	swait.ge [sflag:s8], $0x4000  }
0x1d8: {  	[sflag:s8] =	ssyncset.done $0x0  }
0x1d9: {  	[sflag:s8] =	ssyncadd.s32 $0xFFFFC000  }
0x1da: {  	[spmem:s2] =	stream.indirect.scatter.add.f32 [tilespmem:s7], [sflag:$0x3], $0x80, s3, s9, $0xb8;
	[tilespmem:$0xA108] =	vst v63  }
0x1db: {  	_ =	swait.ge [sflag:s13], $0x4000  }
0x1dc: {  	[sflag:s13] =	ssyncset.done $0x0  }
0x1dd: {  	s1 =	rddreg [dreg:$0x11];
	[sflag:s13] =	ssyncadd.s32 $0xFFFFC000  }
0x1de: {  	[tilespmem:s9], [sflag:$0x2] =	stream.linear.gather [hbm4b:s1+s3], $0x80, $0x38;
	[tilespmem:$0xA108] =	vst v63  }
0x1df: {  	s14 =	rddreg [dreg:$0x12]  }
0x1e0: {  	[tilespmem:s10], [sflag:$0x2] =	stream.linear.gather [hbm4b:s14+s3], $0x4000, $0x38;
	[tilespmem:$0xA108] =	vst v63  }
0x1e1: {  	_ =	swait.ge [sflag:s11], $0x80  }
0x1e2: {  	[sflag:s11] =	ssyncset.done $0x0  }
0x1e3: {  	[sflag:s11] =	ssyncadd.s32 $0xFFFFFF80  }
0x1e4: {  	_ =	swait.ge [sflag:s11], $0x4000  }
0x1e5: {  	[sflag:s11] =	ssyncset.done $0x0  }
0x1e6: {  	[sflag:s11] =	ssyncadd.s32 $0xFFFFC000  }
0x1e7: {  	[spmem:s2] =	stream.indirect.scatter.add.f32 [tilespmem:s10], [sflag:$0x4], $0x80, s9, s9, $0xb8;
	[tilespmem:$0xA108] =	vst v63  }
0x1e8: {  	_ =	swait.ge [sflag:s12], $0x4000  }
0x1e9: {  	[sflag:s12] =	ssyncset.done $0x0  }
0x1ea: {  	s1 =	rddreg [dreg:$0x13];
	[sflag:s12] =	ssyncadd.s32 $0xFFFFC000  }
0x1eb: {  	[tilespmem:s3], [sflag:$0x1] =	stream.linear.gather [hbm4b:s1+s3], $0x80, $0x38;
	[tilespmem:$0xA108] =	vst v63  }
0x1ec: {  	s14 =	rddreg [dreg:$0x14]  }
0x1ed: {  	[tilespmem:s7], [sflag:$0x1] =	stream.linear.gather [hbm4b:s14+s3], $0x4000, $0x38;
	[tilespmem:$0xA108] =	vst v63  }
0x1ee: {  	_ =	swait.ge [sflag:s8], $0x80  }
0x1ef: {  	[sflag:s8] =	ssyncset.done $0x0  }
0x1f0: {  	[sflag:s8] =	ssyncadd.s32 $0xFFFFFF80  }
0x1f1: {  	_ =	swait.ge [sflag:s8], $0x4000  }
0x1f2: {  	[sflag:s8] =	ssyncset.done $0x0  }
0x1f3: {  	[sflag:s8] =	ssyncadd.s32 $0xFFFFC000  }
0x1f4: {  	[spmem:s2] =	stream.indirect.scatter.add.f32 [tilespmem:s7], [sflag:$0x3], $0x80, s3, s9, $0xb8;
	[tilespmem:$0xA108] =	vst v63  }
0x1f5: {  	_ =	swait.ge [sflag:s13], $0x4000  }
0x1f6: {  	[sflag:s13] =	ssyncset.done $0x0  }
0x1f7: {  	s1 =	rddreg [dreg:$0x15];
	[sflag:s13] =	ssyncadd.s32 $0xFFFFC000  }
0x1f8: {  	[tilespmem:s9], [sflag:$0x2] =	stream.linear.gather [hbm4b:s1+s3], $0x80, $0x38;
	[tilespmem:$0xA108] =	vst v63  }
0x1f9: {  	s14 =	rddreg [dreg:$0x16]  }
0x1fa: {  	[tilespmem:s10], [sflag:$0x2] =	stream.linear.gather [hbm4b:s14+s3], $0x4000, $0x38;
	[tilespmem:$0xA108] =	vst v63  }
0x1fb: {  	_ =	swait.ge [sflag:s11], $0x80  }
0x1fc: {  	[sflag:s11] =	ssyncset.done $0x0  }
0x1fd: {  	[sflag:s11] =	ssyncadd.s32 $0xFFFFFF80  }
0x1fe: {  	_ =	swait.ge [sflag:s11], $0x4000  }
0x1ff: {  	[sflag:s11] =	ssyncset.done $0x0  }
0x200: {  	[sflag:s11] =	ssyncadd.s32 $0xFFFFC000  }
0x201: {  	[spmem:s2] =	stream.indirect.scatter.add.f32 [tilespmem:s10], [sflag:$0x4], $0x80, s9, s9, $0xb8;
	[tilespmem:$0xA108] =	vst v63  }
0x202: {  	_ =	swait.ge [sflag:s12], $0x4000  }
0x203: {  	[sflag:s12] =	ssyncset.done $0x0  }
0x204: {  	s1 =	rddreg [dreg:$0x17];
	[sflag:s12] =	ssyncadd.s32 $0xFFFFC000  }
0x205: {  	[tilespmem:s3], [sflag:$0x1] =	stream.linear.gather [hbm4b:s1+s3], $0x80, $0x38;
	[tilespmem:$0xA108] =	vst v63  }
0x206: {  	s14 =	rddreg [dreg:$0x18]  }
0x207: {  	[tilespmem:s7], [sflag:$0x1] =	stream.linear.gather [hbm4b:s14+s3], $0x4000, $0x38;
	[tilespmem:$0xA108] =	vst v63  }
0x208: {  	_ =	swait.ge [sflag:s8], $0x80  }
0x209: {  	[sflag:s8] =	ssyncset.done $0x0  }
0x20a: {  	[sflag:s8] =	ssyncadd.s32 $0xFFFFFF80  }
0x20b: {  	_ =	swait.ge [sflag:s8], $0x4000  }
0x20c: {  	[sflag:s8] =	ssyncset.done $0x0  }
0x20d: {  	[sflag:s8] =	ssyncadd.s32 $0xFFFFC000  }
0x20e: {  	[spmem:s2] =	stream.indirect.scatter.add.f32 [tilespmem:s7], [sflag:$0x3], $0x80, s3, s9, $0xb8;
	[tilespmem:$0xA108] =	vst v63  }
0x20f: {  	_ =	swait.ge [sflag:s13], $0x4000  }
0x210: {  	[sflag:s13] =	ssyncset.done $0x0  }
0x211: {  	s1 =	rddreg [dreg:$0x19];
	[sflag:s13] =	ssyncadd.s32 $0xFFFFC000  }
0x212: {  	[tilespmem:s9], [sflag:$0x2] =	stream.linear.gather [hbm4b:s1+s3], $0x80, $0x38;
	[tilespmem:$0xA108] =	vst v63  }
0x213: {  	s14 =	rddreg [dreg:$0x1a]  }
0x214: {  	[tilespmem:s10], [sflag:$0x2] =	stream.linear.gather [hbm4b:s14+s3], $0x4000, $0x38;
	[tilespmem:$0xA108] =	vst v63  }
0x215: {  	_ =	swait.ge [sflag:s11], $0x80  }
0x216: {  	[sflag:s11] =	ssyncset.done $0x0  }
0x217: {  	[sflag:s11] =	ssyncadd.s32 $0xFFFFFF80  }
0x218: {  	_ =	swait.ge [sflag:s11], $0x4000  }
0x219: {  	[sflag:s11] =	ssyncset.done $0x0  }
0x21a: {  	[sflag:s11] =	ssyncadd.s32 $0xFFFFC000  }
0x21b: {  	[spmem:s2] =	stream.indirect.scatter.add.f32 [tilespmem:s10], [sflag:$0x4], $0x80, s9, s9, $0xb8;
	[tilespmem:$0xA108] =	vst v63  }
0x21c: {  	_ =	swait.ge [sflag:s12], $0x4000  }
0x21d: {  	[sflag:s12] =	ssyncset.done $0x0  }
0x21e: {  	s1 =	rddreg [dreg:$0x1b];
	[sflag:s12] =	ssyncadd.s32 $0xFFFFC000  }
0x21f: {  	[tilespmem:s3], [sflag:$0x1] =	stream.linear.gather [hbm4b:s1+s3], $0x80, $0x38;
	[tilespmem:$0xA108] =	vst v63  }
0x220: {  	s14 =	rddreg [dreg:$0x1c]  }
0x221: {  	[tilespmem:s7], [sflag:$0x1] =	stream.linear.gather [hbm4b:s14+s3], $0x4000, $0x38;
	[tilespmem:$0xA108] =	vst v63  }
0x222: {  	_ =	swait.ge [sflag:s8], $0x80  }
0x223: {  	[sflag:s8] =	ssyncset.done $0x0  }
0x224: {  	[sflag:s8] =	ssyncadd.s32 $0xFFFFFF80  }
0x225: {  	_ =	swait.ge [sflag:s8], $0x4000  }
0x226: {  	[sflag:s8] =	ssyncset.done $0x0  }
0x227: {  	[sflag:s8] =	ssyncadd.s32 $0xFFFFC000  }
0x228: {  	[spmem:s2] =	stream.indirect.scatter.add.f32 [tilespmem:s7], [sflag:$0x3], $0x80, s3, s9, $0xb8;
	[tilespmem:$0xA108] =	vst v63  }
0x229: {  	_ =	swait.ge [sflag:s13], $0x4000  }
0x22a: {  	[sflag:s13] =	ssyncset.done $0x0  }
0x22b: {  	s1 =	rddreg [dreg:$0x1d];
	[sflag:s13] =	ssyncadd.s32 $0xFFFFC000  }
0x22c: {  	[tilespmem:s9], [sflag:$0x2] =	stream.linear.gather [hbm4b:s1+s3], $0x80, $0x38;
	[tilespmem:$0xA108] =	vst v63  }
0x22d: {  	s14 =	rddreg [dreg:$0x1e]  }
0x22e: {  	[tilespmem:s10], [sflag:$0x2] =	stream.linear.gather [hbm4b:s14+s3], $0x4000, $0x38;
	[tilespmem:$0xA108] =	vst v63  }
0x22f: {  	_ =	swait.ge [sflag:s11], $0x80  }
0x230: {  	[sflag:s11] =	ssyncset.done $0x0  }
0x231: {  	[sflag:s11] =	ssyncadd.s32 $0xFFFFFF80  }
0x232: {  	_ =	swait.ge [sflag:s11], $0x4000  }
0x233: {  	[sflag:s11] =	ssyncset.done $0x0  }
0x234: {  	[sflag:s11] =	ssyncadd.s32 $0xFFFFC000  }
0x235: {  	[spmem:s2] =	stream.indirect.scatter.add.f32 [tilespmem:s10], [sflag:$0x4], $0x80, s9, s9, $0xb8;
	[tilespmem:$0xA108] =	vst v63  }
0x236: {  	_ =	swait.ge [sflag:s12], $0x4000  }
0x237: {  	s1 =	rddreg [dreg:$0x1f];
	[sflag:s12] =	ssyncset.done $0x0  }
0x238: {  	s14 =	sld [smem:$0x7F1];
	[sflag:s12] =	ssyncadd.s32 $0xFFFFC000  }
0x239: {  	[tilespmem:s3], [sflag:$0x1] =	stream.linear.gather [hbm4b:s1+s3], $0x80, $0x38;
	[tilespmem:$0xA108] =	vst v63  }
0x23a: {  	_ = 	snop  }
0x23b: {  	[tilespmem:s7], [sflag:$0x1] =	stream.linear.gather [hbm4b:s14+s3], $0x4000, $0x38;
	[tilespmem:$0xA108] =	vst v63  }
0x23c: {  	_ =	swait.ge [sflag:s8], $0x80  }
0x23d: {  	[sflag:s8] =	ssyncset.done $0x0  }
0x23e: {  	[sflag:s8] =	ssyncadd.s32 $0xFFFFFF80  }
0x23f: {  	_ =	swait.ge [sflag:s8], $0x4000  }
0x240: {  	[sflag:s8] =	ssyncset.done $0x0  }
0x241: {  	[sflag:s8] =	ssyncadd.s32 $0xFFFFC000  }
0x242: {  	[spmem:s2] =	stream.indirect.scatter.add.f32 [tilespmem:s7], [sflag:$0x3], $0x80, s3, s9, $0xb8;
	[tilespmem:$0xA108] =	vst v63  }
0x243: {  	_ =	swait.ge [sflag:s13], $0x4000  }
0x244: {  	s1 =	sld [smem:$0x7F2]  }
0x245: {  	[sflag:s13] =	ssyncset.done $0x0  }
0x246: {  	s14 =	sld [smem:$0x7F3];
	[sflag:s13] =	ssyncadd.s32 $0xFFFFC000  }
0x247: {  	[tilespmem:s9], [sflag:$0x2] =	stream.linear.gather [hbm4b:s1+s3], $0x80, $0x38;
	[tilespmem:$0xA108] =	vst v63  }
0x248: {  	_ = 	snop  }
0x249: {  	[tilespmem:s10], [sflag:$0x2] =	stream.linear.gather [hbm4b:s14+s3], $0x4000, $0x38;
	[tilespmem:$0xA108] =	vst v63  }
0x24a: {  	_ =	swait.ge [sflag:s11], $0x80  }
0x24b: {  	[sflag:s11] =	ssyncset.done $0x0  }
0x24c: {  	[sflag:s11] =	ssyncadd.s32 $0xFFFFFF80  }
0x24d: {  	_ =	swait.ge [sflag:s11], $0x4000  }
0x24e: {  	[sflag:s11] =	ssyncset.done $0x0  }
0x24f: {  	[sflag:s11] =	ssyncadd.s32 $0xFFFFC000  }
0x250: {  	[spmem:s2] =	stream.indirect.scatter.add.f32 [tilespmem:s10], [sflag:$0x4], $0x80, s9, s9, $0xb8;
	[tilespmem:$0xA108] =	vst v63  }
0x251: {  	_ =	swait.ge [sflag:s12], $0x4000  }
0x252: {  	s1 =	sld [smem:$0x7F4]  }
0x253: {  	[sflag:s12] =	ssyncset.done $0x0  }
0x254: {  	s14 =	sld [smem:$0x7F5];
	[sflag:s12] =	ssyncadd.s32 $0xFFFFC000  }
0x255: {  	[tilespmem:s3], [sflag:$0x1] =	stream.linear.gather [hbm4b:s1+s3], $0x80, $0x38;
	[tilespmem:$0xA108] =	vst v63  }
0x256: {  	_ = 	snop  }
0x257: {  	[tilespmem:s7], [sflag:$0x1] =	stream.linear.gather [hbm4b:s14+s3], $0x4000, $0x38;
	[tilespmem:$0xA108] =	vst v63  }
0x258: {  	_ =	swait.ge [sflag:s8], $0x80  }
0x259: {  	[sflag:s8] =	ssyncset.done $0x0  }
0x25a: {  	[sflag:s8] =	ssyncadd.s32 $0xFFFFFF80  }
0x25b: {  	_ =	swait.ge [sflag:s8], $0x4000  }
0x25c: {  	[sflag:s8] =	ssyncset.done $0x0  }
0x25d: {  	[sflag:s8] =	ssyncadd.s32 $0xFFFFC000  }
0x25e: {  	[spmem:s2] =	stream.indirect.scatter.add.f32 [tilespmem:s7], [sflag:$0x3], $0x80, s3, s9, $0xb8;
	[tilespmem:$0xA108] =	vst v63  }
0x25f: {  	_ =	swait.ge [sflag:s13], $0x4000  }
0x260: {  	s1 =	sld [smem:$0x7F6]  }
0x261: {  	[sflag:s13] =	ssyncset.done $0x0  }
0x262: {  	s14 =	sld [smem:$0x7F7];
	[sflag:s13] =	ssyncadd.s32 $0xFFFFC000  }
0x263: {  	[tilespmem:s9], [sflag:$0x2] =	stream.linear.gather [hbm4b:s1+s3], $0x80, $0x38;
	[tilespmem:$0xA108] =	vst v63  }
0x264: {  	_ = 	snop  }
0x265: {  	[tilespmem:s10], [sflag:$0x2] =	stream.linear.gather [hbm4b:s14+s3], $0x4000, $0x38;
	[tilespmem:$0xA108] =	vst v63  }
0x266: {  	_ =	swait.ge [sflag:s11], $0x80  }
0x267: {  	[sflag:s11] =	ssyncset.done $0x0  }
0x268: {  	[sflag:s11] =	ssyncadd.s32 $0xFFFFFF80  }
0x269: {  	_ =	swait.ge [sflag:s11], $0x4000  }
0x26a: {  	[sflag:s11] =	ssyncset.done $0x0  }
0x26b: {  	[sflag:s11] =	ssyncadd.s32 $0xFFFFC000  }
0x26c: {  	[spmem:s2] =	stream.indirect.scatter.add.f32 [tilespmem:s10], [sflag:$0x4], $0x80, s9, s9, $0xb8;
	[tilespmem:$0xA108] =	vst v63  }
0x26d: {  	_ =	swait.ge [sflag:s12], $0x4000  }
0x26e: {  	s1 =	sld [smem:$0x7F8]  }
0x26f: {  	[sflag:s12] =	ssyncset.done $0x0  }
0x270: {  	s14 =	sld [smem:$0x7F9];
	[sflag:s12] =	ssyncadd.s32 $0xFFFFC000  }
0x271: {  	[tilespmem:s3], [sflag:$0x1] =	stream.linear.gather [hbm4b:s1+s3], $0x80, $0x38;
	[tilespmem:$0xA108] =	vst v63  }
0x272: {  	_ = 	snop  }
0x273: {  	[tilespmem:s7], [sflag:$0x1] =	stream.linear.gather [hbm4b:s14+s3], $0x4000, $0x38;
	[tilespmem:$0xA108] =	vst v63  }
0x274: {  	_ =	swait.ge [sflag:s8], $0x80  }
0x275: {  	[sflag:s8] =	ssyncset.done $0x0  }
0x276: {  	[sflag:s8] =	ssyncadd.s32 $0xFFFFFF80  }
0x277: {  	_ =	swait.ge [sflag:s8], $0x4000  }
0x278: {  	[sflag:s8] =	ssyncset.done $0x0  }
0x279: {  	[sflag:s8] =	ssyncadd.s32 $0xFFFFC000  }
0x27a: {  	[spmem:s2] =	stream.indirect.scatter.add.f32 [tilespmem:s7], [sflag:$0x3], $0x80, s3, s9, $0xb8;
	[tilespmem:$0xA108] =	vst v63  }
0x27b: {  	_ =	swait.ge [sflag:s13], $0x4000  }
0x27c: {  	s1 =	sld [smem:$0x7FA]  }
0x27d: {  	[sflag:s13] =	ssyncset.done $0x0  }
0x27e: {  	s14 =	sld [smem:$0x7FB];
	[sflag:s13] =	ssyncadd.s32 $0xFFFFC000  }
0x27f: {  	[tilespmem:s9], [sflag:$0x2] =	stream.linear.gather [hbm4b:s1+s3], $0x80, $0x38;
	[tilespmem:$0xA108] =	vst v63  }
0x280: {  	_ = 	snop  }
0x281: {  	[tilespmem:s10], [sflag:$0x2] =	stream.linear.gather [hbm4b:s14+s3], $0x4000, $0x38;
	[tilespmem:$0xA108] =	vst v63  }
0x282: {  	_ =	swait.ge [sflag:s11], $0x80  }
0x283: {  	[sflag:s11] =	ssyncset.done $0x0  }
0x284: {  	[sflag:s11] =	ssyncadd.s32 $0xFFFFFF80  }
0x285: {  	_ =	swait.ge [sflag:s11], $0x4000  }
0x286: {  	[sflag:s11] =	ssyncset.done $0x0  }
0x287: {  	[sflag:s11] =	ssyncadd.s32 $0xFFFFC000  }
0x288: {  	[spmem:s2] =	stream.indirect.scatter.add.f32 [tilespmem:s10], [sflag:$0x4], $0x80, s9, s9, $0xb8;
	[tilespmem:$0xA108] =	vst v63  }
0x289: {  	_ =	swait.ge [sflag:s12], $0x4000  }
0x28a: {  	s14 =	sld [smem:$0x7FC]  }
0x28b: {  	[sflag:s12] =	ssyncset.done $0x0  }
0x28c: {  	[sflag:s12] =	ssyncadd.s32 $0xFFFFC000  }
0x28d: {  	[tilespmem:s3], [sflag:$0x1] =	stream.linear.gather [hbm4b:s14+s3], $0x80, $0x38;
	[tilespmem:$0xA108] =	vst v63  }
0x28e: {  	s14 =	sld [smem:$0x7FD];
	_ =	sdelay $0x2  }
0x28f: {  	[tilespmem:s7], [sflag:$0x1] =	stream.linear.gather [hbm4b:s14+s3], $0x4000, $0x38;
	[tilespmem:$0xA108] =	vst v63  }
0x290: {  	_ =	swait.ge [sflag:s8], $0x80  }
0x291: {  	[sflag:s8] =	ssyncset.done $0x0  }
0x292: {  	[sflag:s8] =	ssyncadd.s32 $0xFFFFFF80  }
0x293: {  	_ =	swait.ge [sflag:s8], $0x4000  }
0x294: {  	[sflag:s8] =	ssyncset.done $0x0  }
0x295: {  	[sflag:s8] =	ssyncadd.s32 $0xFFFFC000  }
0x296: {  	[spmem:s2] =	stream.indirect.scatter.add.f32 [tilespmem:s7], [sflag:$0x3], $0x80, s3, s9, $0xb8;
	[tilespmem:$0xA108] =	vst v63  }
0x297: {  	_ =	swait.ge [sflag:s13], $0x4000  }
0x298: {  	[sflag:s13] =	ssyncset.done $0x0  }
0x299: {  	[sflag:s13] =	ssyncadd.s32 $0xFFFFC000  }
0x29a: {  	[tilespmem:s9], [sflag:$0x2] =	stream.linear.gather [hbm4b:s15+s3], $0x80, $0x38;
	[tilespmem:$0xA108] =	vst v63  }
0x29b: {  	_ = 	snop  }
0x29c: {  	[tilespmem:s10], [sflag:$0x2] =	stream.linear.gather [hbm4b:s16+s3], $0x4000, $0x38;
	[tilespmem:$0xA108] =	vst v63  }
0x29d: {  	_ =	swait.ge [sflag:s11], $0x80  }
0x29e: {  	[sflag:s11] =	ssyncset.done $0x0  }
0x29f: {  	[sflag:s11] =	ssyncadd.s32 $0xFFFFFF80  }
0x2a0: {  	_ =	swait.ge [sflag:s11], $0x4000  }
0x2a1: {  	[sflag:s11] =	ssyncset.done $0x0  }
0x2a2: {  	[sflag:s11] =	ssyncadd.s32 $0xFFFFC000  }
0x2a3: {  	[spmem:s2] =	stream.indirect.scatter.add.f32 [tilespmem:s10], [sflag:$0x4], $0x80, s9, s9, $0xb8;
	[tilespmem:$0xA108] =	vst v63  }
0x2a4: {  	_ =	swait.ge [sflag:s12], $0x4000  }
0x2a5: {  	[sflag:s12] =	ssyncset.done $0x0  }
0x2a6: {  	[sflag:s12] =	ssyncadd.s32 $0xFFFFC000  }
0x2a7: {  	[tilespmem:s3], [sflag:$0x1] =	stream.linear.gather [hbm4b:s17+s3], $0x80, $0x38;
	[tilespmem:$0xA108] =	vst v63  }
0x2a8: {  	_ = 	snop  }
0x2a9: {  	[tilespmem:s7], [sflag:$0x1] =	stream.linear.gather [hbm4b:s18+s3], $0x4000, $0x38;
	[tilespmem:$0xA108] =	vst v63  }
0x2aa: {  	_ =	swait.ge [sflag:s8], $0x80  }
0x2ab: {  	[sflag:s8] =	ssyncset.done $0x0  }
0x2ac: {  	[sflag:s8] =	ssyncadd.s32 $0xFFFFFF80  }
0x2ad: {  	_ =	swait.ge [sflag:s8], $0x4000  }
0x2ae: {  	[sflag:s8] =	ssyncset.done $0x0  }
0x2af: {  	[sflag:s8] =	ssyncadd.s32 $0xFFFFC000  }
0x2b0: {  	[spmem:s2] =	stream.indirect.scatter.add.f32 [tilespmem:s7], [sflag:$0x3], $0x80, s3, s9, $0xb8;
	[tilespmem:$0xA108] =	vst v63  }
0x2b1: {  	_ =	swait.ge [sflag:s13], $0x4000  }
0x2b2: {  	[sflag:s13] =	ssyncset.done $0x0  }
0x2b3: {  	[sflag:s13] =	ssyncadd.s32 $0xFFFFC000  }
0x2b4: {  	[tilespmem:s9], [sflag:$0x2] =	stream.linear.gather [hbm4b:s19+s3], $0x80, $0x38;
	[tilespmem:$0xA108] =	vst v63  }
0x2b5: {  	_ = 	snop  }
0x2b6: {  	[tilespmem:s10], [sflag:$0x2] =	stream.linear.gather [hbm4b:s20+s3], $0x4000, $0x38;
	[tilespmem:$0xA108] =	vst v63  }
0x2b7: {  	_ =	swait.ge [sflag:s11], $0x80  }
0x2b8: {  	[sflag:s11] =	ssyncset.done $0x0  }
0x2b9: {  	[sflag:s11] =	ssyncadd.s32 $0xFFFFFF80  }
0x2ba: {  	_ =	swait.ge [sflag:s11], $0x4000  }
0x2bb: {  	[sflag:s11] =	ssyncset.done $0x0  }
0x2bc: {  	[sflag:s11] =	ssyncadd.s32 $0xFFFFC000  }
0x2bd: {  	[spmem:s2] =	stream.indirect.scatter.add.f32 [tilespmem:s10], [sflag:$0x4], $0x80, s9, s9, $0xb8;
	[tilespmem:$0xA108] =	vst v63  }
0x2be: {  	_ =	swait.ge [sflag:s12], $0x4000  }
0x2bf: {  	[sflag:s12] =	ssyncset.done $0x0  }
0x2c0: {  	[sflag:s12] =	ssyncadd.s32 $0xFFFFC000  }
0x2c1: {  	[tilespmem:s3], [sflag:$0x1] =	stream.linear.gather [hbm4b:s21+s3], $0x80, $0x38;
	[tilespmem:$0xA108] =	vst v63  }
0x2c2: {  	_ = 	snop  }
0x2c3: {  	[tilespmem:s7], [sflag:$0x1] =	stream.linear.gather [hbm4b:s22+s3], $0x4000, $0x38;
	[tilespmem:$0xA108] =	vst v63  }
0x2c4: {  	_ =	swait.ge [sflag:s8], $0x80  }
0x2c5: {  	[sflag:s8] =	ssyncset.done $0x0  }
0x2c6: {  	[sflag:s8] =	ssyncadd.s32 $0xFFFFFF80  }
0x2c7: {  	_ =	swait.ge [sflag:s8], $0x4000  }
0x2c8: {  	[sflag:s8] =	ssyncset.done $0x0  }
0x2c9: {  	[sflag:s8] =	ssyncadd.s32 $0xFFFFC000  }
0x2ca: {  	[spmem:s2] =	stream.indirect.scatter.add.f32 [tilespmem:s7], [sflag:$0x3], $0x80, s3, s9, $0xb8;
	[tilespmem:$0xA108] =	vst v63  }
0x2cb: {  	_ =	swait.ge [sflag:s13], $0x4000  }
0x2cc: {  	[sflag:s13] =	ssyncset.done $0x0  }
0x2cd: {  	[sflag:s13] =	ssyncadd.s32 $0xFFFFC000  }
0x2ce: {  	[tilespmem:s9], [sflag:$0x2] =	stream.linear.gather [hbm4b:s23+s3], $0x80, $0x38;
	[tilespmem:$0xA108] =	vst v63  }
0x2cf: {  	_ = 	snop  }
0x2d0: {  	[tilespmem:s10], [sflag:$0x2] =	stream.linear.gather [hbm4b:s24+s3], $0x4000, $0x38;
	[tilespmem:$0xA108] =	vst v63  }
0x2d1: {  	_ =	swait.ge [sflag:s11], $0x80  }
0x2d2: {  	[sflag:s11] =	ssyncset.done $0x0  }
0x2d3: {  	[sflag:s11] =	ssyncadd.s32 $0xFFFFFF80  }
0x2d4: {  	_ =	swait.ge [sflag:s11], $0x4000  }
0x2d5: {  	[sflag:s11] =	ssyncset.done $0x0  }
0x2d6: {  	[sflag:s11] =	ssyncadd.s32 $0xFFFFC000  }
0x2d7: {  	[spmem:s2] =	stream.indirect.scatter.add.f32 [tilespmem:s10], [sflag:$0x4], $0x80, s9, s9, $0xb8;
	[tilespmem:$0xA108] =	vst v63  }
0x2d8: {  	_ =	swait.ge [sflag:s12], $0x4000  }
0x2d9: {  	[sflag:s12] =	ssyncset.done $0x0  }
0x2da: {  	[sflag:s12] =	ssyncadd.s32 $0xFFFFC000  }
0x2db: {  	_ =	swait.ge [sflag:s13], $0x4000  }
0x2dc: {  	[sflag:s13] =	ssyncset.done $0x0  }
0x2dd: {  	[sflag:s13] =	ssyncadd.s32 $0xFFFFC000  }
0x2de: {  	[tilespmem:s28], [sflag:$0x5] =	stream.linear.gather @!p0 [hbm4b:s26+s28], $0x80, $0x38;
	[tilespmem:$0xA108] =	vst v63  }
0x2df: {  	_ =	swait.ge @!p0 [sflag:s25], $0x80  }
0x2e0: {  	[sflag:s25] =	ssyncset.done @!p0 $0x0  }
0x2e1: {  	[sflag:s25] =	ssyncadd.s32 @!p0 $0xFFFFFF80  }
0x2e2: {  	[tilespmem:s30], [sflag:$0x5] =	stream.linear.gather @!p0 [hbm4b:s29+s28], $0x4000, $0x38;
	[tilespmem:$0xA108] =	vst v63  }
0x2e3: {  	_ =	swait.ge @!p0 [sflag:s25], $0x4000  }
0x2e4: {  	[sflag:s25] =	ssyncset.done @!p0 $0x0  }
0x2e5: {  	[sflag:s25] =	ssyncadd.s32 @!p0 $0xFFFFC000  }
0x2e6: {  	v0 =	vld @!p0 [tilespmem:$0x50]  }
0x2e7: {  	v1 =	vld @!p0 [tilespmem:$0x40]  }
0x2e8: {  	v2 =	vld @!p0 [tilespmem:$0x20]  }
0x2e9: {  	v4 =	vld @!p0 [tilespmem:$0x10]  }
0x2ea: {  	v3 =	vld @!p0 [tilespmem:$0x30]  }
0x2eb: {  	v5 =	vld @!p0 [tilespmem:$0x0];
	v0 =	vsel @!p0 vm0, $0x400, v0  }
0x2ec: {  	v1 =	vsel @!p0 vm1, $0x400, v1;
	[tilespmem:$0x50] =	vst @!p0 v0  }
0x2ed: {  	v0 =	vsel @!p0 vm2, $0x400, v2;
	[tilespmem:$0x40] =	vst @!p0 v1  }
0x2ee: {  	s31 =	sadd.s32 $0xFFFFFFFF, s31;
	v1 =	vsel @!p0 vm4, $0x400, v4;
	[tilespmem:$0x20] =	vst @!p0 v0  }
0x2ef: {  	p1 =	sne.s32 s31, $0x0;
	v0 =	vsel @!p0 vm3, $0x400, v3;
	[tilespmem:$0x10] =	vst @!p0 v1  }
.Ltmp1:
0x2f0: {  	[tilespmem:$0x30] =	vst @!p0 v0;
	v0 =	vsel @!p0 vm5, $0x400, v5;
	(pc) =	sbr.rel @p1 .LBB2_1-.Ltmp1, $4  }
0x2f1: {  	s1 =	simm.s32 @!p0 $0x80;
	[tilespmem:$0x0] =	vst @!p0 v0  }
0x2f2: {  	[spmem:s2] =	stream.indirect.scatter.add.f32 @!p0 [tilespmem:s30], [sflag:$0x5], $0x80, s28, s1, $0xb8;
	[tilespmem:$0xA108] =	vst v63  }
0x2f3: {  	_ =	swait.ge @!p0 [sflag:s25], $0x4000  }
0x2f4: {  	[sflag:s25] =	ssyncset.done @!p0 $0x0  }
.LBB2_2:
0x2f5: {  	[sflag:s25] =	ssyncadd.s32 @!p0 $0xFFFFC000  }
0x2f6: {  	[bflag:$0x0] =	sbarrier.arrive $0xFFFF  }
0x2f7: {  	[hbm:s0], [sflag:s4] =	dma.local [spmem:s6], $0x400  }
0x2f8: {  	_ =	swait.ge [sflag:s5], $0x400  }
0x2f9: {  	[sflag:s5] =	ssyncset.done $0x0  }
0x2fa: {  	[sflag:s5] =	ssyncadd.s32 $0xFFFFFC00  }
0x2fb: {  	_ =	sfence.sel $0x180000  }
0x2fc: {  	[bflag:$0x0] =	sbarrier.arrive $0xFFFF  }
0x2fd: {  	_ =	strace $0x90000047  }
0x2fe: {  	s31 =	stileid.u32;
	[bflag:$0x2] =	sbarrier.arrive $0xFFFF  }
0x2ff: {  	p0 =	sne.s32 s31, $0x0;
	s0 =	rddreg [dreg:$0x4]  }
0x300: {  	s0 =	sadd.s32 @!p0 $0x100000, s0  }
0x301: {  	[sflag:s0] =	ssyncadd.tile.s32 @!p0 $0x1;
	_ =	shalt  }
.Lfunc_end2:
_tile_overlayer_lowered:
.L_overlay_start_2:
0x302: {  	(tag) =	ssettag $0x2  }
0x303: {  	s0 =	rddreg [dreg:$0x0];
	s2 =	stileid.u32  }
0x304: {  	s1 =	rddreg [dreg:$0x1];
	p0 =	sne.s32 s2, $0x0  }
0x305: {  	s3 =	rddreg [dreg:$0x2];
	[bflag:$0x3] =	sbarrier.arrive $0xFFFF;
	s2 =	simm.s32 @!p0 $0x1C05  }
0x306: {  	[timem:s3], [sflag:s2] =	dma.local @!p0 [hbm:s0], s1  }
0x307: {  	s0 =	simm.s32 @!p0 $0x5  }
0x308: {  	_ =	swait.ge @!p0 [sflag:s0], s1  }
0x309: {  	s1 =	ssub.s32 @!p0 $0x0, s1;
	[sflag:s0] =	ssyncset.done @!p0 $0x0  }
0x30a: {  	[sflag:s0] =	ssyncadd.s32 @!p0 s1  }
0x30b: {  	[bflag:$0x3] =	sbarrier.arrive $0xFFFF  }
0x30c: {  	_ =	shalt  }

</sc_bundles>
